<compile_context>
chip_gen: v7x
topology: tpu7x:2x2x1
jax: 0.10.2.dev20260603
libtpu: 0.0.44.dev20260713+nightly
codegen_flags: <defaults>
</compile_context>

<pallas_src>
import functools

import jax
import jax.numpy as jnp
import numpy as np
from jax import lax
from jax.experimental import pallas as pl
from jax.experimental.pallas import tpu as pltpu
from jax.experimental.pallas import tpu_sc as plsc

TWO_PI = float(2.0 * np.pi)
HID = 128

T = 32768
BT = 2048
TT = T + BT
DX = TWO_PI / T
INV_DX = T / TWO_PI

NW = 32
NS = 16
RPC = 8


def _table_body(w0, b0, w1, b1, w2, b2, w3, b3, y_ref):
    pid = pl.program_id(0)
    i = lax.broadcasted_iota(jnp.int32, (BT, 1), 0).astype(jnp.float32)
    x = (i + pid * BT) * DX
    h = jnp.maximum(x * w0[...] + b0[...], 0.0)
    h = jnp.maximum(
        jnp.dot(h, w1[...], preferred_element_type=jnp.float32) + b1[...],
        0.0)
    h = jnp.maximum(
        jnp.dot(h, w2[...], preferred_element_type=jnp.float32) + b2[...],
        0.0)
    y_ref[...] = (jnp.dot(h, w3[...], preferred_element_type=jnp.float32)
                  + b3[...])


def _build_table(W0, b0, W1, b1, W2, b2, W3, b3):
    wspec = lambda shp: pl.BlockSpec(shp, lambda i: (0, 0))
    return pl.pallas_call(
        _table_body,
        grid=(TT // BT,),
        in_specs=[wspec((1, HID)), wspec((1, HID)),
                  wspec((HID, HID)), wspec((1, HID)),
                  wspec((HID, HID)), wspec((1, HID)),
                  wspec((HID, 1)), wspec((1, 1))],
        out_specs=pl.BlockSpec((BT, 1), lambda i: (i, 0)),
        out_shape=jax.ShapeDtypeStruct((TT, 1), jnp.float32),
    )(W0, b0.reshape(1, HID), W1, b1.reshape(1, HID),
      W2, b2.reshape(1, HID), W3, b3.reshape(1, 1))


def _make_edge_kernel(n, e):
    rows = e // 128
    rpc = RPC
    while rows % rpc:
        rpc -= 8
    chunks = rows // rpc
    ztile = ((n + NS - 1) // NS + 800 - 1) // 800 * 800
    npad = ztile * NS
    zparts = ztile // 800
    tslice = ((n + NS - 1) // NS + 7) // 8 * 8
    ntheta = tslice * NS
    mesh = plsc.VectorSubcoreMesh(core_axis_name="c", subcore_axis_name="s")

    @functools.partial(
        pl.kernel,
        out_type=[jax.ShapeDtypeStruct((2, npad), jnp.float32),
                  jax.ShapeDtypeStruct((2, npad), jnp.float32)],
        mesh=mesh,
        scratch_types=[
            pltpu.VMEM((TT,), jnp.float32),
            pltpu.VMEM((2, rpc, 128), jnp.int32),
            pltpu.VMEM((2, rpc, 128), jnp.int32),
            pltpu.VMEM((2, rpc, 128), jnp.float32),
            pltpu.VMEM((rpc, 128), jnp.float32),
            pltpu.VMEM((rpc, 128), jnp.float32),
            pltpu.VMEM((1, 128), jnp.float32),
            pltpu.VMEM((800,), jnp.float32),
            pltpu.VMEM((tslice,), jnp.float32),
            pltpu.VMEM_SHARED((ntheta,), jnp.float32),
            pltpu.VMEM_SHARED((npad,), jnp.float32),
            pltpu.VMEM_SHARED((npad,), jnp.float32),
            pltpu.SemaphoreType.DMA,
            pltpu.SemaphoreType.DMA,
            pltpu.SemaphoreType.DMA,
        ],
        compiler_params=pltpu.CompilerParams(needs_layout_passes=False),
    )
    def edge_kernel(theta_hbm, edges_hbm, ytab_hbm,
                    sums_out, counts_out,
                    ytab_v, src_v, dst_v, m_v, ts_v, td_v, ones_v, z_v, tst_v,
                    theta_sh, sums_sh, counts_sh, scat_sem, in_sem, g_sem):
        cid = lax.axis_index("c")
        sid = lax.axis_index("s")
        wid = sid * 2 + cid

        pltpu.sync_copy(ytab_hbm, ytab_v)
        pltpu.sync_copy(theta_hbm.at[pl.ds(sid * tslice, tslice)], tst_v)
        pltpu.sync_copy(tst_v, theta_sh.at[pl.ds(sid * tslice, tslice)])

        def zfill(i, c):
            z_v[pl.ds(i * 16, 16)] = jnp.zeros((16,), jnp.float32)
            return c
        lax.fori_loop(0, 800 // 16, zfill, 0)

        def ofill(i, c):
            ones_v[0, pl.ds(i * 16, 16)] = jnp.full((16,), 1.0, jnp.float32)
            return c
        lax.fori_loop(0, 8, ofill, 0)

        def zinit(k, c):
            off = sid * ztile + k * 800
            pltpu.sync_copy(z_v, sums_sh.at[pl.ds(off, 800)])
            pltpu.sync_copy(z_v, counts_sh.at[pl.ds(off, 800)])
            return c
        lax.fori_loop(0, zparts, zinit, 0)
        plsc.subcore_barrier()

        nmine = (chunks - wid + NW - 1) // NW

        def issue_inputs(i, b):
            row0 = (wid + i * NW) * rpc
            pltpu.async_copy(edges_hbm.at[0, pl.ds(row0, rpc)], src_v.at[b],
                             in_sem)
            pltpu.async_copy(edges_hbm.at[1, pl.ds(row0, rpc)], dst_v.at[b],
                             in_sem)

        @pl.when(nmine > 0)
        def _():
            issue_inputs(0, 0)

        def chunk_body(i, carry):
            b = lax.rem(i, 2)

            pltpu.make_async_copy(
                edges_hbm.at[0, pl.ds((wid + i * NW) * rpc, rpc)],
                src_v.at[b], in_sem).wait()
            pltpu.make_async_copy(
                edges_hbm.at[1, pl.ds((wid + i * NW) * rpc, rpc)],
                dst_v.at[b], in_sem).wait()

            @pl.when(i + 1 < nmine)
            def _():
                issue_inputs(i + 1, 1 - b)

            def grow(j, cc):
                pltpu.async_copy(theta_sh.at[src_v.at[b, j]], ts_v.at[j],
                                 g_sem)
                pltpu.async_copy(theta_sh.at[dst_v.at[b, j]], td_v.at[j],
                                 g_sem)
                return cc
            lax.fori_loop(0, rpc, grow, 0)

            def gdrain(j, cc):
                pltpu.make_async_copy(theta_sh.at[src_v.at[b, j]],
                                      ts_v.at[j], g_sem).wait()
                pltpu.make_async_copy(theta_sh.at[dst_v.at[b, j]],
                                      td_v.at[j], g_sem).wait()
                return cc
            lax.fori_loop(0, rpc, gdrain, 0)

            def vec_body(v0, cc):
                for u_ in range(4):
                    v = v0 * 4 + u_
                    ts = ts_v[v // 8, pl.ds((v % 8) * 16, 16)]
                    td = td_v[v // 8, pl.ds((v % 8) * 16, 16)]
                    diff = td - ts
                    dth = diff + jnp.where(diff < 0.0, TWO_PI, 0.0)
                    u = dth * INV_DX
                    ui = jnp.clip(u.astype(jnp.int32), 0, T - 1)
                    fr = u - ui.astype(jnp.float32)
                    y0 = plsc.load_gather(ytab_v, [ui])
                    y1 = plsc.load_gather(ytab_v, [ui + 1])
                    m_v[b, v // 8, pl.ds((v % 8) * 16, 16)] = (
                        y0 + fr * (y1 - y0))
                return cc
            lax.fori_loop(0, rpc * 2, vec_body, 0)

            def srow(j, cc):
                pltpu.async_copy(m_v.at[b, j], sums_sh.at[dst_v.at[b, j]],
                                 scat_sem, add=True)
                pltpu.async_copy(ones_v.at[0], counts_sh.at[dst_v.at[b, j]],
                                 scat_sem, add=True)
                return cc
            lax.fori_loop(0, rpc, srow, 0)

            def sdrain(j, cc):
                pltpu.make_async_copy(
                    m_v.at[b, j], sums_sh.at[dst_v.at[b, j]],
                    scat_sem).wait()
                pltpu.make_async_copy(
                    ones_v.at[0], counts_sh.at[dst_v.at[b, j]],
                    scat_sem).wait()
                return cc
            lax.fori_loop(0, rpc, sdrain, 0)
            return carry

        lax.fori_loop(0, nmine, chunk_body, 0)

        plsc.subcore_barrier()
        off = sid * ztile
        pltpu.sync_copy(sums_sh.at[pl.ds(off, ztile)],
                        sums_out.at[cid, pl.ds(off, ztile)])
        pltpu.sync_copy(counts_sh.at[pl.ds(off, ztile)],
                        counts_out.at[cid, pl.ds(off, ztile)])

    return edge_kernel, ntheta


def _fin_body(u0_ref, theta_ref, s0_ref, s1_ref, c0_ref, c1_ref,
              tq_ref, vc_ref, vs_ref):
    s = s0_ref[...] + s1_ref[...]
    c = c0_ref[...] + c1_ref[...]
    tq_ref[...] = s / jnp.maximum(c, 1.0)
    th = theta_ref[...]
    u0 = u0_ref[0, 0]
    vc_ref[...] = u0 * jnp.cos(th)
    vs_ref[...] = u0 * jnp.sin(th)


def _finalize(u0, theta_pad, s0, s1, c0, c1):
    rows = theta_pad.shape[0]
    shp = jax.ShapeDtypeStruct((rows, 128), jnp.float32)
    return pl.pallas_call(
        _fin_body,
        out_shape=[shp, shp, shp],
    )(u0.reshape(1, 1), theta_pad, s0, s1, c0, c1)


def kernel(theta, edge_index, u0, W0, b0, W1, b1, W2, b2, W3, b3):
    n = theta.shape[0]
    e = edge_index.shape[1]

    ytab = _build_table(W0, b0, W1, b1, W2, b2, W3, b3)

    edge_kernel, ntheta = _make_edge_kernel(n, e)
    theta_flat = theta.reshape(-1)
    sums, counts = edge_kernel(jnp.pad(theta_flat, (0, ntheta - n)),
                               edge_index.reshape(2, e // 128, 128),
                               ytab.reshape(-1))

    npad = sums.shape[1]
    rows = npad // 128
    theta_pad = jnp.pad(theta_flat, (0, npad - n)).reshape(rows, 128)
    tq, vc, vs = _finalize(jnp.asarray(u0, jnp.float32), theta_pad,
                           sums[0].reshape(rows, 128),
                           sums[1].reshape(rows, 128),
                           counts[0].reshape(rows, 128),
                           counts[1].reshape(rows, 128))
    torque = tq.reshape(npad, 1)[:n]
    v = jnp.concatenate([vc.reshape(npad, 1)[:n], vs.reshape(npad, 1)[:n]],
                        axis=1)
    return torque, v

# --- scband reference (transcript-rebuilt; emitter-appended) ---
"""Pipeline reference for scband-interaction-module-non-parametric-acceleration-42769284333964 (READ-ONLY COPY).

The authoritative reference and input builder live on the scoring server;
editing this copy changes nothing except your own understanding.
"""

import jax, jax.numpy as jnp
import numpy as np

N = 100000
E = 3200000
HID = 128
TWO_PI = 2.0 * np.pi


def setup_inputs(seed: int = 0) -> dict:
    key = jax.random.key(seed)
    ks = jax.random.split(key, 12)
    theta = jax.random.uniform(ks[0], (N, 1), dtype=jnp.float32) * TWO_PI
    edge_index = jax.random.randint(ks[1], (2, E), 0, N, dtype=jnp.int32)
    u0 = jnp.float32(1.0)
    # fNN: Linear(1,128) -> ReLU -> Linear(128,128) -> ReLU -> Linear(128,128) -> ReLU -> Linear(128,1)
    def lin(k, fan_in, fan_out):
        bound = 1.0 / np.sqrt(fan_in)
        kw, kb = jax.random.split(k)
        W = jax.random.uniform(kw, (fan_in, fan_out), jnp.float32, -bound, bound)
        b = jax.random.uniform(kb, (fan_out,), jnp.float32, -bound, bound)
        return W, b
    W0, b0 = lin(ks[2], 1, HID)
    W1, b1 = lin(ks[3], HID, HID)
    W2, b2 = lin(ks[4], HID, HID)
    W3, b3 = lin(ks[5], HID, 1)
    return {"theta": theta, "edge_index": edge_index, "u0": u0,
            "W0": W0, "b0": b0, "W1": W1, "b1": b1,
            "W2": W2, "b2": b2, "W3": W3, "b3": b3}


def _fnn(x, W0, b0, W1, b1, W2, b2, W3, b3):
    h = jnp.maximum(x @ W0 + b0, 0.0)
    h = jnp.maximum(h @ W1 + b1, 0.0)
    h = jnp.maximum(h @ W2 + b2, 0.0)
    return h @ W3 + b3


def reference(theta, edge_index, u0, W0, b0, W1, b1, W2, b2, W3, b3):
    src = edge_index[0]
    dst = edge_index[1]
    # calc_message: dtheta = mod(theta_dst - theta_src, 2*pi); m = fNN(dtheta)
    dtheta = jnp.remainder(theta[dst] - theta[src], TWO_PI)  # [E,1] gather
    m = _fnn(dtheta, W0, b0, W1, b1, W2, b2, W3, b3)  # [E,1]
    # aggregate_message: mean over incoming mailbox per dst node
    sums = jax.ops.segment_sum(m, dst, num_segments=N)  # scatter-add [N,1]
    counts = jax.ops.segment_sum(jnp.ones((E, 1), jnp.float32), dst, num_segments=N)
    torque = sums / jnp.maximum(counts, 1.0)  # [N,1]
    # polarity2velocity
    v = u0 * jnp.concatenate([jnp.cos(theta), jnp.sin(theta)], axis=-1)  # [N,2]
    return torque, v

if __name__ == "__main__":
    import jax
    _d = setup_inputs()
    print(jax.jit(kernel)(*tuple(_d.values())))

</pallas_src>

<mosaic_0001>
#map = affine_map<(d0, d1) -> (0)>
#map1 = affine_map<(d0, d1) -> (0, 0, 0)>
#map2 = affine_map<(d0, d1) -> (0, 0)>
module attributes {stable_mosaic.version = 14 : i64} {
  func.func @edge_kernel(%arg0: i32, %arg1: i32, %arg2: memref<100096xf32, #tpu.memory_space<hbm>>, %arg3: memref<2x25000x128xi32, #tpu.memory_space<hbm>>, %arg4: memref<34816xf32, #tpu.memory_space<hbm>>, %arg5: memref<2x102400xf32, #tpu.memory_space<hbm>>, %arg6: memref<2x102400xf32, #tpu.memory_space<hbm>>, %arg7: memref<34816xf32, #tpu.memory_space<vmem>>, %arg8: memref<2x8x128xi32, #tpu.memory_space<vmem>>, %arg9: memref<2x8x128xi32, #tpu.memory_space<vmem>>, %arg10: memref<2x8x128xf32, #tpu.memory_space<vmem>>, %arg11: memref<8x128xf32, #tpu.memory_space<vmem>>, %arg12: memref<8x128xf32, #tpu.memory_space<vmem>>, %arg13: memref<1x128xf32, #tpu.memory_space<vmem>>, %arg14: memref<800xf32, #tpu.memory_space<vmem>>, %arg15: memref<6256xf32, #tpu.memory_space<vmem>>, %arg16: memref<100096xf32, #tpu.memory_space<vmem_shared>>, %arg17: memref<102400xf32, #tpu.memory_space<vmem_shared>>, %arg18: memref<102400xf32, #tpu.memory_space<vmem_shared>>, %arg19: memref<!tpu.dma_semaphore, #tpu.memory_space<semaphore_mem>>, %arg20: memref<!tpu.dma_semaphore, #tpu.memory_space<semaphore_mem>>, %arg21: memref<!tpu.dma_semaphore, #tpu.memory_space<semaphore_mem>>) attributes {dimension_semantics = [#tpu.dimension_semantics<core_parallel>, #tpu.dimension_semantics<subcore_parallel>], iteration_bounds = array<i64: 2, 16>, scalar_prefetch = 0 : i64, scratch_operands = 15 : i64, tpu.core_type = #tpu.core_type<sc_vector_subcore>, window_params = [{transform_indices = #map}, {transform_indices = #map1}, {transform_indices = #map}, {transform_indices = #map2}, {transform_indices = #map2}]} {
    %mul3A = arith.constant 2 : i32
    %mul3A_0 = arith.muli %arg1, %mul3A : i32
    %add3A = arith.addi %mul3A_0, %arg0 : i32
    "tpu.region"() ({
      %run_scoped3A = tpu.sem_alloc : memref<!tpu.dma_semaphore, #tpu.memory_space<semaphore_mem>>
      tpu.enqueue_dma source(%arg4 : memref<34816xf32, #tpu.memory_space<hbm>>) target(%arg7 : memref<34816xf32, #tpu.memory_space<vmem>>) target_semaphore(%run_scoped3A : memref<!tpu.dma_semaphore, #tpu.memory_space<semaphore_mem>>)
      tpu.wait_dma2 semaphore(%run_scoped3A : memref<!tpu.dma_semaphore, #tpu.memory_space<semaphore_mem>>) src(%arg4 : memref<34816xf32, #tpu.memory_space<hbm>>) dst(%arg7 : memref<34816xf32, #tpu.memory_space<vmem>>)
      tpu.yield
    }) : () -> ()
    %mul3A_1 = arith.constant 6256 : i32
    %mul3A_2 = arith.muli %arg1, %mul3A_1 : i32
    "tpu.region"() ({
      %run_scoped3A = tpu.sem_alloc : memref<!tpu.dma_semaphore, #tpu.memory_space<semaphore_mem>>
      %dma_start3A = tpu.memref_slice %arg2[%mul3A_2] : memref<100096xf32, #tpu.memory_space<hbm>> -> memref<6256xf32, #tpu.memory_space<hbm>>
      %dma_start3A_58 = tpu.memref_slice %arg2[%mul3A_2] : memref<100096xf32, #tpu.memory_space<hbm>> -> memref<6256xf32, #tpu.memory_space<hbm>>
      tpu.enqueue_dma source(%dma_start3A_58 : memref<6256xf32, #tpu.memory_space<hbm>>) target(%arg15 : memref<6256xf32, #tpu.memory_space<vmem>>) target_semaphore(%run_scoped3A : memref<!tpu.dma_semaphore, #tpu.memory_space<semaphore_mem>>)
      %dma_wait3A = tpu.memref_slice %arg2[%mul3A_2] : memref<100096xf32, #tpu.memory_space<hbm>> -> memref<6256xf32, #tpu.memory_space<hbm>>
      %dma_wait3A_59 = tpu.memref_slice %arg2[%mul3A_2] : memref<100096xf32, #tpu.memory_space<hbm>> -> memref<6256xf32, #tpu.memory_space<hbm>>
      tpu.wait_dma2 semaphore(%run_scoped3A : memref<!tpu.dma_semaphore, #tpu.memory_space<semaphore_mem>>) src(%dma_wait3A_59 : memref<6256xf32, #tpu.memory_space<hbm>>) dst(%arg15 : memref<6256xf32, #tpu.memory_space<vmem>>)
      tpu.yield
    }) : () -> ()
    %mul3A_3 = arith.constant 6256 : i32
    %mul3A_4 = arith.muli %arg1, %mul3A_3 : i32
    "tpu.region"() ({
      %run_scoped3A = tpu.sem_alloc : memref<!tpu.dma_semaphore, #tpu.memory_space<semaphore_mem>>
      %dma_start3A = tpu.memref_slice %arg16[%mul3A_4] : memref<100096xf32, #tpu.memory_space<vmem_shared>> -> memref<6256xf32, #tpu.memory_space<vmem_shared>>
      %dma_start3A_58 = tpu.memref_slice %arg16[%mul3A_4] : memref<100096xf32, #tpu.memory_space<vmem_shared>> -> memref<6256xf32, #tpu.memory_space<vmem_shared>>
      tpu.enqueue_dma source(%arg15 : memref<6256xf32, #tpu.memory_space<vmem>>) target(%dma_start3A_58 : memref<6256xf32, #tpu.memory_space<vmem_shared>>) target_semaphore(%run_scoped3A : memref<!tpu.dma_semaphore, #tpu.memory_space<semaphore_mem>>)
      %dma_wait3A = tpu.memref_slice %arg16[%mul3A_4] : memref<100096xf32, #tpu.memory_space<vmem_shared>> -> memref<6256xf32, #tpu.memory_space<vmem_shared>>
      %dma_wait3A_59 = tpu.memref_slice %arg16[%mul3A_4] : memref<100096xf32, #tpu.memory_space<vmem_shared>> -> memref<6256xf32, #tpu.memory_space<vmem_shared>>
      tpu.wait_dma2 semaphore(%run_scoped3A : memref<!tpu.dma_semaphore, #tpu.memory_space<semaphore_mem>>) src(%arg15 : memref<6256xf32, #tpu.memory_space<vmem>>) dst(%dma_wait3A_59 : memref<6256xf32, #tpu.memory_space<vmem_shared>>)
      tpu.yield
    }) : () -> ()
    %scan3A = arith.constant 0 : i32
    %scan3A_5 = arith.constant 0 : i32
    %scan3A_6 = arith.constant 50 : i32
    %scan3A_7 = arith.addi %scan3A_5, %scan3A_6 : i32
    %scan3A_8 = arith.constant 1 : i32
    scf.for %scan3A_58 = %scan3A_5 to %scan3A_7 step %scan3A_8  : i32 {
      %broadcast_in_dim3A = arith.constant 0.000000e+00 : f32
      %broadcast_in_dim3A_59 = vector.broadcast %broadcast_in_dim3A : f32 to vector<16xf32>
      %mul3A_60 = arith.constant 16 : i32
      %mul3A_61 = arith.muli %scan3A_58, %mul3A_60 : i32
      %swap3A = arith.index_cast %mul3A_61 : i32 to index
      %swap3A_62 = tpu.vector_load %arg14[%swap3A] {strides = array<i32>} : memref<800xf32, #tpu.memory_space<vmem>>, vector<16xf32>,
      tpu.vector_store %arg14[%swap3A], %broadcast_in_dim3A_59 {strides = array<i32>} : memref<800xf32, #tpu.memory_space<vmem>>, vector<16xf32>,
    }
    %scan3A_9 = arith.constant 50 : i32
    %scan3A_10 = arith.constant 0 : i32
    %scan3A_11 = arith.constant 0 : i32
    %scan3A_12 = arith.constant 8 : i32
    %scan3A_13 = arith.addi %scan3A_11, %scan3A_12 : i32
    %scan3A_14 = arith.constant 1 : i32
    scf.for %scan3A_58 = %scan3A_11 to %scan3A_13 step %scan3A_14  : i32 {
      %broadcast_in_dim3A = arith.constant 1.000000e+00 : f32
      %broadcast_in_dim3A_59 = vector.broadcast %broadcast_in_dim3A : f32 to vector<16xf32>
      %mul3A_60 = arith.constant 16 : i32
      %mul3A_61 = arith.muli %scan3A_58, %mul3A_60 : i32
      %swap3A = arith.constant 0 : i32
      %swap3A_62 = arith.index_cast %swap3A : i32 to index
      %swap3A_63 = arith.index_cast %mul3A_61 : i32 to index
      %swap3A_64 = tpu.vector_load %arg13[%swap3A_62, %swap3A_63] {strides = array<i32>} : memref<1x128xf32, #tpu.memory_space<vmem>>, vector<16xf32>,
      tpu.vector_store %arg13[%swap3A_62, %swap3A_63], %broadcast_in_dim3A_59 {strides = array<i32>} : memref<1x128xf32, #tpu.memory_space<vmem>>, vector<16xf32>,
    }
    %scan3A_15 = arith.constant 8 : i32
    %scan3A_16 = arith.constant 0 : i32
    %scan3A_17 = arith.constant 0 : i32
    %scan3A_18 = arith.constant 8 : i32
    %scan3A_19 = arith.addi %scan3A_17, %scan3A_18 : i32
    %scan3A_20 = arith.constant 1 : i32
    scf.for %scan3A_58 = %scan3A_17 to %scan3A_19 step %scan3A_20  : i32 {
      %mul3A_59 = arith.constant 6400 : i32
      %mul3A_60 = arith.muli %arg1, %mul3A_59 : i32
      %mul3A_61 = arith.constant 800 : i32
      %mul3A_62 = arith.muli %scan3A_58, %mul3A_61 : i32
      %add3A_63 = arith.addi %mul3A_60, %mul3A_62 : i32
      "tpu.region"() ({
        %run_scoped3A = tpu.sem_alloc : memref<!tpu.dma_semaphore, #tpu.memory_space<semaphore_mem>>
        %dma_start3A = tpu.memref_slice %arg17[%add3A_63] : memref<102400xf32, #tpu.memory_space<vmem_shared>> -> memref<800xf32, #tpu.memory_space<vmem_shared>>
        %dma_start3A_64 = tpu.memref_slice %arg17[%add3A_63] : memref<102400xf32, #tpu.memory_space<vmem_shared>> -> memref<800xf32, #tpu.memory_space<vmem_shared>>
        tpu.enqueue_dma source(%arg14 : memref<800xf32, #tpu.memory_space<vmem>>) target(%dma_start3A_64 : memref<800xf32, #tpu.memory_space<vmem_shared>>) target_semaphore(%run_scoped3A : memref<!tpu.dma_semaphore, #tpu.memory_space<semaphore_mem>>)
        %dma_wait3A = tpu.memref_slice %arg17[%add3A_63] : memref<102400xf32, #tpu.memory_space<vmem_shared>> -> memref<800xf32, #tpu.memory_space<vmem_shared>>
        %dma_wait3A_65 = tpu.memref_slice %arg17[%add3A_63] : memref<102400xf32, #tpu.memory_space<vmem_shared>> -> memref<800xf32, #tpu.memory_space<vmem_shared>>
        tpu.wait_dma2 semaphore(%run_scoped3A : memref<!tpu.dma_semaphore, #tpu.memory_space<semaphore_mem>>) src(%arg14 : memref<800xf32, #tpu.memory_space<vmem>>) dst(%dma_wait3A_65 : memref<800xf32, #tpu.memory_space<vmem_shared>>)
        tpu.yield
      }) : () -> ()
      "tpu.region"() ({
        %run_scoped3A = tpu.sem_alloc : memref<!tpu.dma_semaphore, #tpu.memory_space<semaphore_mem>>
        %dma_start3A = tpu.memref_slice %arg18[%add3A_63] : memref<102400xf32, #tpu.memory_space<vmem_shared>> -> memref<800xf32, #tpu.memory_space<vmem_shared>>
        %dma_start3A_64 = tpu.memref_slice %arg18[%add3A_63] : memref<102400xf32, #tpu.memory_space<vmem_shared>> -> memref<800xf32, #tpu.memory_space<vmem_shared>>
        tpu.enqueue_dma source(%arg14 : memref<800xf32, #tpu.memory_space<vmem>>) target(%dma_start3A_64 : memref<800xf32, #tpu.memory_space<vmem_shared>>) target_semaphore(%run_scoped3A : memref<!tpu.dma_semaphore, #tpu.memory_space<semaphore_mem>>)
        %dma_wait3A = tpu.memref_slice %arg18[%add3A_63] : memref<102400xf32, #tpu.memory_space<vmem_shared>> -> memref<800xf32, #tpu.memory_space<vmem_shared>>
        %dma_wait3A_65 = tpu.memref_slice %arg18[%add3A_63] : memref<102400xf32, #tpu.memory_space<vmem_shared>> -> memref<800xf32, #tpu.memory_space<vmem_shared>>
        tpu.wait_dma2 semaphore(%run_scoped3A : memref<!tpu.dma_semaphore, #tpu.memory_space<semaphore_mem>>) src(%arg14 : memref<800xf32, #tpu.memory_space<vmem>>) dst(%dma_wait3A_65 : memref<800xf32, #tpu.memory_space<vmem_shared>>)
        tpu.yield
      }) : () -> ()
    }
    %scan3A_21 = arith.constant 8 : i32
    %barrier3A = arith.constant 0 : index
    tpu.barrier barrier_id(%barrier3A)
    %sub3A = arith.constant 3125 : i32
    %sub3A_22 = arith.subi %sub3A, %add3A : i32
    %add3A_23 = arith.constant 32 : i32
    %add3A_24 = arith.addi %sub3A_22, %add3A_23 : i32
    %sub3A_25 = arith.constant 1 : i32
    %sub3A_26 = arith.subi %add3A_24, %sub3A_25 : i32
    %jit3A = arith.constant 32 : i32
    %div3A = arith.divsi %sub3A_26, %jit3A : i32
    %sign3A = arith.constant 0 : i32
    %sign3A_27 = arith.cmpi sgt, %sub3A_26, %sign3A : i32
    %sign3A_28 = arith.extui %sign3A_27 : i1 to i32
    %sign3A_29 = arith.constant 0 : i32
    %sign3A_30 = arith.cmpi slt, %sub3A_26, %sign3A_29 : i32
    %sign3A_31 = arith.extui %sign3A_30 : i1 to i32
    %sign3A_32 = arith.subi %sign3A_28, %sign3A_31 : i32
    %sign3A_33 = arith.constant 0 : i32
    %sign3A_34 = arith.cmpi sgt, %jit3A, %sign3A_33 : i32
    %sign3A_35 = arith.extui %sign3A_34 : i1 to i32
    %sign3A_36 = arith.constant 0 : i32
    %sign3A_37 = arith.cmpi slt, %jit3A, %sign3A_36 : i32
    %sign3A_38 = arith.extui %sign3A_37 : i1 to i32
    %sign3A_39 = arith.subi %sign3A_35, %sign3A_38 : i32
    %ne3A = arith.cmpi ne, %sign3A_32, %sign3A_39 : i32
    %rem3A = arith.remsi %sub3A_26, %jit3A : i32
    %ne3A_40 = arith.constant 0 : i32
    %ne3A_41 = arith.cmpi ne, %rem3A, %ne3A_40 : i32
    %and3A = arith.andi %ne3A, %ne3A_41 : i1
    %sub3A_42 = arith.constant 1 : i32
    %sub3A_43 = arith.subi %div3A, %sub3A_42 : i32
    %select_n3A = arith.select %and3A, %sub3A_43, %div3A : i32
    %gt3A = arith.constant 0 : i32
    %gt3A_44 = arith.cmpi sgt, %select_n3A, %gt3A : i32
    %convert_element_type3A = arith.extui %gt3A_44 : i1 to i32
    %cond3A = arith.constant 0 : i32
    %cond3A_45 = arith.cmpi ne, %convert_element_type3A, %cond3A : i32
    scf.if %cond3A_45 {
      %add3A_58 = arith.constant 0 : i32
      %add3A_59 = arith.addi %add3A, %add3A_58 : i32
      %mul3A_60 = arith.constant 8 : i32
      %mul3A_61 = arith.muli %add3A_59, %mul3A_60 : i32
      %dma_start3A = arith.constant 0 : i32
      %dma_start3A_62 = arith.constant 0 : i32
      %dma_start3A_63 = arith.constant 0 : i32
      %dma_start3A_64 = arith.constant 0 : i32
      %dma_start3A_65 = tpu.memref_slice %arg8[%dma_start3A_62, %dma_start3A_63, %dma_start3A_64] : memref<2x8x128xi32, #tpu.memory_space<vmem>> -> memref<1x8x128xi32, #tpu.memory_space<vmem>>
      %dma_start3A_66 = tpu.memref_squeeze %dma_start3A_65 : memref<1x8x128xi32, #tpu.memory_space<vmem>> -> memref<8x128xi32, #tpu.memory_space<vmem>>
      %dma_start3A_67 = arith.constant 0 : i32
      %dma_start3A_68 = tpu.memref_slice %arg3[%dma_start3A, %mul3A_61, %dma_start3A_67] : memref<2x25000x128xi32, #tpu.memory_space<hbm>> -> memref<1x8x128xi32, #tpu.memory_space<hbm>>
      %dma_start3A_69 = tpu.memref_squeeze %dma_start3A_68 : memref<1x8x128xi32, #tpu.memory_space<hbm>> -> memref<8x128xi32, #tpu.memory_space<hbm>>
      %dma_start3A_70 = arith.constant 0 : i32
      %dma_start3A_71 = arith.constant 0 : i32
      %dma_start3A_72 = tpu.memref_slice %arg8[%dma_start3A_62, %dma_start3A_70, %dma_start3A_71] : memref<2x8x128xi32, #tpu.memory_space<vmem>> -> memref<1x8x128xi32, #tpu.memory_space<vmem>>
      %dma_start3A_73 = tpu.memref_squeeze %dma_start3A_72 : memref<1x8x128xi32, #tpu.memory_space<vmem>> -> memref<8x128xi32, #tpu.memory_space<vmem>>
      %dma_start3A_74 = arith.constant 0 : i32
      %dma_start3A_75 = tpu.memref_slice %arg3[%dma_start3A, %mul3A_61, %dma_start3A_74] : memref<2x25000x128xi32, #tpu.memory_space<hbm>> -> memref<1x8x128xi32, #tpu.memory_space<hbm>>
      %dma_start3A_76 = tpu.memref_squeeze %dma_start3A_75 : memref<1x8x128xi32, #tpu.memory_space<hbm>> -> memref<8x128xi32, #tpu.memory_space<hbm>>
      tpu.enqueue_dma source(%dma_start3A_76 : memref<8x128xi32, #tpu.memory_space<hbm>>) target(%dma_start3A_73 : memref<8x128xi32, #tpu.memory_space<vmem>>) target_semaphore(%arg20 : memref<!tpu.dma_semaphore, #tpu.memory_space<semaphore_mem>>)
      %dma_start3A_77 = arith.constant 1 : i32
      %dma_start3A_78 = arith.constant 0 : i32
      %dma_start3A_79 = arith.constant 0 : i32
      %dma_start3A_80 = arith.constant 0 : i32
      %dma_start3A_81 = tpu.memref_slice %arg9[%dma_start3A_78, %dma_start3A_79, %dma_start3A_80] : memref<2x8x128xi32, #tpu.memory_space<vmem>> -> memref<1x8x128xi32, #tpu.memory_space<vmem>>
      %dma_start3A_82 = tpu.memref_squeeze %dma_start3A_81 : memref<1x8x128xi32, #tpu.memory_space<vmem>> -> memref<8x128xi32, #tpu.memory_space<vmem>>
      %dma_start3A_83 = arith.constant 0 : i32
      %dma_start3A_84 = tpu.memref_slice %arg3[%dma_start3A_77, %mul3A_61, %dma_start3A_83] : memref<2x25000x128xi32, #tpu.memory_space<hbm>> -> memref<1x8x128xi32, #tpu.memory_space<hbm>>
      %dma_start3A_85 = tpu.memref_squeeze %dma_start3A_84 : memref<1x8x128xi32, #tpu.memory_space<hbm>> -> memref<8x128xi32, #tpu.memory_space<hbm>>
      %dma_start3A_86 = arith.constant 0 : i32
      %dma_start3A_87 = arith.constant 0 : i32
      %dma_start3A_88 = tpu.memref_slice %arg9[%dma_start3A_78, %dma_start3A_86, %dma_start3A_87] : memref<2x8x128xi32, #tpu.memory_space<vmem>> -> memref<1x8x128xi32, #tpu.memory_space<vmem>>
      %dma_start3A_89 = tpu.memref_squeeze %dma_start3A_88 : memref<1x8x128xi32, #tpu.memory_space<vmem>> -> memref<8x128xi32, #tpu.memory_space<vmem>>
      %dma_start3A_90 = arith.constant 0 : i32
      %dma_start3A_91 = tpu.memref_slice %arg3[%dma_start3A_77, %mul3A_61, %dma_start3A_90] : memref<2x25000x128xi32, #tpu.memory_space<hbm>> -> memref<1x8x128xi32, #tpu.memory_space<hbm>>
      %dma_start3A_92 = tpu.memref_squeeze %dma_start3A_91 : memref<1x8x128xi32, #tpu.memory_space<hbm>> -> memref<8x128xi32, #tpu.memory_space<hbm>>
      tpu.enqueue_dma source(%dma_start3A_92 : memref<8x128xi32, #tpu.memory_space<hbm>>) target(%dma_start3A_89 : memref<8x128xi32, #tpu.memory_space<vmem>>) target_semaphore(%arg20 : memref<!tpu.dma_semaphore, #tpu.memory_space<semaphore_mem>>)
    } else {
    }
    %while3A = arith.constant 0 : i32
    %while3A_46 = arith.constant 0 : i32
    %while3A_47 = arith.subi %select_n3A, %while3A_46 : i32
    %while3A_48 = arith.addi %while3A_46, %while3A_47 : i32
    %while3A_49 = arith.constant 1 : i32
    %while3A_50 = arith.divsi %while3A_47, %while3A_49 : i32
    %while3A_51 = arith.muli %while3A_50, %while3A_49 : i32
    %while3A_52 = arith.addi %while3A_46, %while3A_51 : i32
    %while3A_53 = arith.constant 1 : i32
    scf.for %while3A_58 = %while3A_46 to %while3A_52 step %while3A_53  : i32 {
      %rem3A_59 = arith.constant 2 : i32
      %rem3A_60 = arith.remsi %while3A_58, %rem3A_59 : i32
      %mul3A_61 = arith.constant 32 : i32
      %mul3A_62 = arith.muli %while3A_58, %mul3A_61 : i32
      %add3A_63 = arith.addi %add3A, %mul3A_62 : i32
      %mul3A_64 = arith.constant 8 : i32
      %mul3A_65 = arith.muli %add3A_63, %mul3A_64 : i32
      %dma_wait3A = arith.constant 0 : i32
      %dma_wait3A_66 = arith.constant 0 : i32
      %dma_wait3A_67 = arith.constant 0 : i32
      %dma_wait3A_68 = tpu.memref_slice %arg8[%rem3A_60, %dma_wait3A_66, %dma_wait3A_67] : memref<2x8x128xi32, #tpu.memory_space<vmem>> -> memref<1x8x128xi32, #tpu.memory_space<vmem>>
      %dma_wait3A_69 = tpu.memref_squeeze %dma_wait3A_68 : memref<1x8x128xi32, #tpu.memory_space<vmem>> -> memref<8x128xi32, #tpu.memory_space<vmem>>
      %dma_wait3A_70 = arith.constant 0 : i32
      %dma_wait3A_71 = tpu.memref_slice %arg3[%dma_wait3A, %mul3A_65, %dma_wait3A_70] : memref<2x25000x128xi32, #tpu.memory_space<hbm>> -> memref<1x8x128xi32, #tpu.memory_space<hbm>>
      %dma_wait3A_72 = tpu.memref_squeeze %dma_wait3A_71 : memref<1x8x128xi32, #tpu.memory_space<hbm>> -> memref<8x128xi32, #tpu.memory_space<hbm>>
      %dma_wait3A_73 = arith.constant 0 : i32
      %dma_wait3A_74 = arith.constant 0 : i32
      %dma_wait3A_75 = tpu.memref_slice %arg8[%rem3A_60, %dma_wait3A_73, %dma_wait3A_74] : memref<2x8x128xi32, #tpu.memory_space<vmem>> -> memref<1x8x128xi32, #tpu.memory_space<vmem>>
      %dma_wait3A_76 = tpu.memref_squeeze %dma_wait3A_75 : memref<1x8x128xi32, #tpu.memory_space<vmem>> -> memref<8x128xi32, #tpu.memory_space<vmem>>
      %dma_wait3A_77 = arith.constant 0 : i32
      %dma_wait3A_78 = tpu.memref_slice %arg3[%dma_wait3A, %mul3A_65, %dma_wait3A_77] : memref<2x25000x128xi32, #tpu.memory_space<hbm>> -> memref<1x8x128xi32, #tpu.memory_space<hbm>>
      %dma_wait3A_79 = tpu.memref_squeeze %dma_wait3A_78 : memref<1x8x128xi32, #tpu.memory_space<hbm>> -> memref<8x128xi32, #tpu.memory_space<hbm>>
      tpu.wait_dma2 semaphore(%arg20 : memref<!tpu.dma_semaphore, #tpu.memory_space<semaphore_mem>>) src(%dma_wait3A_79 : memref<8x128xi32, #tpu.memory_space<hbm>>) dst(%dma_wait3A_76 : memref<8x128xi32, #tpu.memory_space<vmem>>)
      %mul3A_80 = arith.constant 32 : i32
      %mul3A_81 = arith.muli %while3A_58, %mul3A_80 : i32
      %add3A_82 = arith.addi %add3A, %mul3A_81 : i32
      %mul3A_83 = arith.constant 8 : i32
      %mul3A_84 = arith.muli %add3A_82, %mul3A_83 : i32
      %dma_wait3A_85 = arith.constant 1 : i32
      %dma_wait3A_86 = arith.constant 0 : i32
      %dma_wait3A_87 = arith.constant 0 : i32
      %dma_wait3A_88 = tpu.memref_slice %arg9[%rem3A_60, %dma_wait3A_86, %dma_wait3A_87] : memref<2x8x128xi32, #tpu.memory_space<vmem>> -> memref<1x8x128xi32, #tpu.memory_space<vmem>>
      %dma_wait3A_89 = tpu.memref_squeeze %dma_wait3A_88 : memref<1x8x128xi32, #tpu.memory_space<vmem>> -> memref<8x128xi32, #tpu.memory_space<vmem>>
      %dma_wait3A_90 = arith.constant 0 : i32
      %dma_wait3A_91 = tpu.memref_slice %arg3[%dma_wait3A_85, %mul3A_84, %dma_wait3A_90] : memref<2x25000x128xi32, #tpu.memory_space<hbm>> -> memref<1x8x128xi32, #tpu.memory_space<hbm>>
      %dma_wait3A_92 = tpu.memref_squeeze %dma_wait3A_91 : memref<1x8x128xi32, #tpu.memory_space<hbm>> -> memref<8x128xi32, #tpu.memory_space<hbm>>
      %dma_wait3A_93 = arith.constant 0 : i32
      %dma_wait3A_94 = arith.constant 0 : i32
      %dma_wait3A_95 = tpu.memref_slice %arg9[%rem3A_60, %dma_wait3A_93, %dma_wait3A_94] : memref<2x8x128xi32, #tpu.memory_space<vmem>> -> memref<1x8x128xi32, #tpu.memory_space<vmem>>
      %dma_wait3A_96 = tpu.memref_squeeze %dma_wait3A_95 : memref<1x8x128xi32, #tpu.memory_space<vmem>> -> memref<8x128xi32, #tpu.memory_space<vmem>>
      %dma_wait3A_97 = arith.constant 0 : i32
      %dma_wait3A_98 = tpu.memref_slice %arg3[%dma_wait3A_85, %mul3A_84, %dma_wait3A_97] : memref<2x25000x128xi32, #tpu.memory_space<hbm>> -> memref<1x8x128xi32, #tpu.memory_space<hbm>>
      %dma_wait3A_99 = tpu.memref_squeeze %dma_wait3A_98 : memref<1x8x128xi32, #tpu.memory_space<hbm>> -> memref<8x128xi32, #tpu.memory_space<hbm>>
      tpu.wait_dma2 semaphore(%arg20 : memref<!tpu.dma_semaphore, #tpu.memory_space<semaphore_mem>>) src(%dma_wait3A_99 : memref<8x128xi32, #tpu.memory_space<hbm>>) dst(%dma_wait3A_96 : memref<8x128xi32, #tpu.memory_space<vmem>>)
      %add3A_100 = arith.constant 1 : i32
      %add3A_101 = arith.addi %while3A_58, %add3A_100 : i32
      %lt3A = arith.cmpi slt, %add3A_101, %select_n3A : i32
      %convert_element_type3A_102 = arith.extui %lt3A : i1 to i32
      %cond3A_103 = arith.constant 0 : i32
      %cond3A_104 = arith.cmpi ne, %convert_element_type3A_102, %cond3A_103 : i32
      scf.if %cond3A_104 {
        %add3A_135 = arith.constant 1 : i32
        %add3A_136 = arith.addi %while3A_58, %add3A_135 : i32
        %sub3A_137 = arith.constant 1 : i32
        %sub3A_138 = arith.subi %sub3A_137, %rem3A_60 : i32
        %mul3A_139 = arith.constant 32 : i32
        %mul3A_140 = arith.muli %add3A_136, %mul3A_139 : i32
        %add3A_141 = arith.addi %add3A, %mul3A_140 : i32
        %mul3A_142 = arith.constant 8 : i32
        %mul3A_143 = arith.muli %add3A_141, %mul3A_142 : i32
        %dma_start3A = arith.constant 0 : i32
        %dma_start3A_144 = arith.constant 0 : i32
        %dma_start3A_145 = arith.constant 0 : i32
        %dma_start3A_146 = tpu.memref_slice %arg8[%sub3A_138, %dma_start3A_144, %dma_start3A_145] : memref<2x8x128xi32, #tpu.memory_space<vmem>> -> memref<1x8x128xi32, #tpu.memory_space<vmem>>
        %dma_start3A_147 = tpu.memref_squeeze %dma_start3A_146 : memref<1x8x128xi32, #tpu.memory_space<vmem>> -> memref<8x128xi32, #tpu.memory_space<vmem>>
        %dma_start3A_148 = arith.constant 0 : i32
        %dma_start3A_149 = tpu.memref_slice %arg3[%dma_start3A, %mul3A_143, %dma_start3A_148] : memref<2x25000x128xi32, #tpu.memory_space<hbm>> -> memref<1x8x128xi32, #tpu.memory_space<hbm>>
        %dma_start3A_150 = tpu.memref_squeeze %dma_start3A_149 : memref<1x8x128xi32, #tpu.memory_space<hbm>> -> memref<8x128xi32, #tpu.memory_space<hbm>>
        %dma_start3A_151 = arith.constant 0 : i32
        %dma_start3A_152 = arith.constant 0 : i32
        %dma_start3A_153 = tpu.memref_slice %arg8[%sub3A_138, %dma_start3A_151, %dma_start3A_152] : memref<2x8x128xi32, #tpu.memory_space<vmem>> -> memref<1x8x128xi32, #tpu.memory_space<vmem>>
        %dma_start3A_154 = tpu.memref_squeeze %dma_start3A_153 : memref<1x8x128xi32, #tpu.memory_space<vmem>> -> memref<8x128xi32, #tpu.memory_space<vmem>>
        %dma_start3A_155 = arith.constant 0 : i32
        %dma_start3A_156 = tpu.memref_slice %arg3[%dma_start3A, %mul3A_143, %dma_start3A_155] : memref<2x25000x128xi32, #tpu.memory_space<hbm>> -> memref<1x8x128xi32, #tpu.memory_space<hbm>>
        %dma_start3A_157 = tpu.memref_squeeze %dma_start3A_156 : memref<1x8x128xi32, #tpu.memory_space<hbm>> -> memref<8x128xi32, #tpu.memory_space<hbm>>
        tpu.enqueue_dma source(%dma_start3A_157 : memref<8x128xi32, #tpu.memory_space<hbm>>) target(%dma_start3A_154 : memref<8x128xi32, #tpu.memory_space<vmem>>) target_semaphore(%arg20 : memref<!tpu.dma_semaphore, #tpu.memory_space<semaphore_mem>>)
        %dma_start3A_158 = arith.constant 1 : i32
        %dma_start3A_159 = arith.constant 0 : i32
        %dma_start3A_160 = arith.constant 0 : i32
        %dma_start3A_161 = tpu.memref_slice %arg9[%sub3A_138, %dma_start3A_159, %dma_start3A_160] : memref<2x8x128xi32, #tpu.memory_space<vmem>> -> memref<1x8x128xi32, #tpu.memory_space<vmem>>
        %dma_start3A_162 = tpu.memref_squeeze %dma_start3A_161 : memref<1x8x128xi32, #tpu.memory_space<vmem>> -> memref<8x128xi32, #tpu.memory_space<vmem>>
        %dma_start3A_163 = arith.constant 0 : i32
        %dma_start3A_164 = tpu.memref_slice %arg3[%dma_start3A_158, %mul3A_143, %dma_start3A_163] : memref<2x25000x128xi32, #tpu.memory_space<hbm>> -> memref<1x8x128xi32, #tpu.memory_space<hbm>>
        %dma_start3A_165 = tpu.memref_squeeze %dma_start3A_164 : memref<1x8x128xi32, #tpu.memory_space<hbm>> -> memref<8x128xi32, #tpu.memory_space<hbm>>
        %dma_start3A_166 = arith.constant 0 : i32
        %dma_start3A_167 = arith.constant 0 : i32
        %dma_start3A_168 = tpu.memref_slice %arg9[%sub3A_138, %dma_start3A_166, %dma_start3A_167] : memref<2x8x128xi32, #tpu.memory_space<vmem>> -> memref<1x8x128xi32, #tpu.memory_space<vmem>>
        %dma_start3A_169 = tpu.memref_squeeze %dma_start3A_168 : memref<1x8x128xi32, #tpu.memory_space<vmem>> -> memref<8x128xi32, #tpu.memory_space<vmem>>
        %dma_start3A_170 = arith.constant 0 : i32
        %dma_start3A_171 = tpu.memref_slice %arg3[%dma_start3A_158, %mul3A_143, %dma_start3A_170] : memref<2x25000x128xi32, #tpu.memory_space<hbm>> -> memref<1x8x128xi32, #tpu.memory_space<hbm>>
        %dma_start3A_172 = tpu.memref_squeeze %dma_start3A_171 : memref<1x8x128xi32, #tpu.memory_space<hbm>> -> memref<8x128xi32, #tpu.memory_space<hbm>>
        tpu.enqueue_dma source(%dma_start3A_172 : memref<8x128xi32, #tpu.memory_space<hbm>>) target(%dma_start3A_169 : memref<8x128xi32, #tpu.memory_space<vmem>>) target_semaphore(%arg20 : memref<!tpu.dma_semaphore, #tpu.memory_space<semaphore_mem>>)
      } else {
      }
      %scan3A_105 = arith.constant 0 : i32
      %scan3A_106 = arith.constant 0 : i32
      %scan3A_107 = arith.constant 8 : i32
      %scan3A_108 = arith.addi %scan3A_106, %scan3A_107 : i32
      %scan3A_109 = arith.constant 1 : i32
      scf.for %scan3A_135 = %scan3A_106 to %scan3A_108 step %scan3A_109  : i32 {
        %dma_start3A = arith.constant 0 : i32
        %dma_start3A_136 = tpu.memref_slice %arg11[%scan3A_135, %dma_start3A] : memref<8x128xf32, #tpu.memory_space<vmem>> -> memref<1x128xf32, #tpu.memory_space<vmem>>
        %dma_start3A_137 = tpu.memref_squeeze %dma_start3A_136 : memref<1x128xf32, #tpu.memory_space<vmem>> -> memref<128xf32, #tpu.memory_space<vmem>>
        %dma_start3A_138 = arith.constant 0 : i32
        %dma_start3A_139 = tpu.memref_slice %arg8[%rem3A_60, %scan3A_135, %dma_start3A_138] : memref<2x8x128xi32, #tpu.memory_space<vmem>> -> memref<1x1x128xi32, #tpu.memory_space<vmem>>
        %dma_start3A_140 = tpu.memref_squeeze %dma_start3A_139 : memref<1x1x128xi32, #tpu.memory_space<vmem>> -> memref<128xi32, #tpu.memory_space<vmem>>
        %dma_start3A_141 = arith.constant 0 : i32
        %dma_start3A_142 = tpu.memref_slice %arg16[%dma_start3A_141] : memref<100096xf32, #tpu.memory_space<vmem_shared>> -> memref<100096xf32, #tpu.memory_space<vmem_shared>>
        tpu.enqueue_indirect_dma source(%dma_start3A_142 : memref<100096xf32, #tpu.memory_space<vmem_shared>>) target(%dma_start3A_137 : memref<128xf32, #tpu.memory_space<vmem>>) offsets(%dma_start3A_140 : memref<128xi32, #tpu.memory_space<vmem>>) semaphore(%arg21 : memref<!tpu.dma_semaphore, #tpu.memory_space<semaphore_mem>>)
        %dma_start3A_143 = arith.constant 0 : i32
        %dma_start3A_144 = tpu.memref_slice %arg12[%scan3A_135, %dma_start3A_143] : memref<8x128xf32, #tpu.memory_space<vmem>> -> memref<1x128xf32, #tpu.memory_space<vmem>>
        %dma_start3A_145 = tpu.memref_squeeze %dma_start3A_144 : memref<1x128xf32, #tpu.memory_space<vmem>> -> memref<128xf32, #tpu.memory_space<vmem>>
        %dma_start3A_146 = arith.constant 0 : i32
        %dma_start3A_147 = tpu.memref_slice %arg9[%rem3A_60, %scan3A_135, %dma_start3A_146] : memref<2x8x128xi32, #tpu.memory_space<vmem>> -> memref<1x1x128xi32, #tpu.memory_space<vmem>>
        %dma_start3A_148 = tpu.memref_squeeze %dma_start3A_147 : memref<1x1x128xi32, #tpu.memory_space<vmem>> -> memref<128xi32, #tpu.memory_space<vmem>>
        %dma_start3A_149 = arith.constant 0 : i32
        %dma_start3A_150 = tpu.memref_slice %arg16[%dma_start3A_149] : memref<100096xf32, #tpu.memory_space<vmem_shared>> -> memref<100096xf32, #tpu.memory_space<vmem_shared>>
        tpu.enqueue_indirect_dma source(%dma_start3A_150 : memref<100096xf32, #tpu.memory_space<vmem_shared>>) target(%dma_start3A_145 : memref<128xf32, #tpu.memory_space<vmem>>) offsets(%dma_start3A_148 : memref<128xi32, #tpu.memory_space<vmem>>) semaphore(%arg21 : memref<!tpu.dma_semaphore, #tpu.memory_space<semaphore_mem>>)
      }
      %scan3A_110 = arith.constant 8 : i32
      %scan3A_111 = arith.constant 0 : i32
      %scan3A_112 = arith.constant 0 : i32
      %scan3A_113 = arith.constant 8 : i32
      %scan3A_114 = arith.addi %scan3A_112, %scan3A_113 : i32
      %scan3A_115 = arith.constant 1 : i32
      scf.for %scan3A_135 = %scan3A_112 to %scan3A_114 step %scan3A_115  : i32 {
        %dma_wait3A_136 = arith.constant 0 : i32
        %dma_wait3A_137 = tpu.memref_slice %arg11[%scan3A_135, %dma_wait3A_136] : memref<8x128xf32, #tpu.memory_space<vmem>> -> memref<1x128xf32, #tpu.memory_space<vmem>>
        %dma_wait3A_138 = tpu.memref_squeeze %dma_wait3A_137 : memref<1x128xf32, #tpu.memory_space<vmem>> -> memref<128xf32, #tpu.memory_space<vmem>>
        %dma_wait3A_139 = arith.constant 0 : i32
        %dma_wait3A_140 = tpu.memref_slice %arg8[%rem3A_60, %scan3A_135, %dma_wait3A_139] : memref<2x8x128xi32, #tpu.memory_space<vmem>> -> memref<1x1x128xi32, #tpu.memory_space<vmem>>
        %dma_wait3A_141 = tpu.memref_squeeze %dma_wait3A_140 : memref<1x1x128xi32, #tpu.memory_space<vmem>> -> memref<128xi32, #tpu.memory_space<vmem>>
        %dma_wait3A_142 = arith.constant 0 : i32
        %dma_wait3A_143 = tpu.memref_slice %arg16[%dma_wait3A_142] : memref<100096xf32, #tpu.memory_space<vmem_shared>> -> memref<100096xf32, #tpu.memory_space<vmem_shared>>
        tpu.wait_indirect_dma semaphore(%arg21 : memref<!tpu.dma_semaphore, #tpu.memory_space<semaphore_mem>>) src(%dma_wait3A_143 : memref<100096xf32, #tpu.memory_space<vmem_shared>>) dst(%dma_wait3A_138 : memref<128xf32, #tpu.memory_space<vmem>>)
        %dma_wait3A_144 = arith.constant 0 : i32
        %dma_wait3A_145 = tpu.memref_slice %arg12[%scan3A_135, %dma_wait3A_144] : memref<8x128xf32, #tpu.memory_space<vmem>> -> memref<1x128xf32, #tpu.memory_space<vmem>>
        %dma_wait3A_146 = tpu.memref_squeeze %dma_wait3A_145 : memref<1x128xf32, #tpu.memory_space<vmem>> -> memref<128xf32, #tpu.memory_space<vmem>>
        %dma_wait3A_147 = arith.constant 0 : i32
        %dma_wait3A_148 = tpu.memref_slice %arg9[%rem3A_60, %scan3A_135, %dma_wait3A_147] : memref<2x8x128xi32, #tpu.memory_space<vmem>> -> memref<1x1x128xi32, #tpu.memory_space<vmem>>
        %dma_wait3A_149 = tpu.memref_squeeze %dma_wait3A_148 : memref<1x1x128xi32, #tpu.memory_space<vmem>> -> memref<128xi32, #tpu.memory_space<vmem>>
        %dma_wait3A_150 = arith.constant 0 : i32
        %dma_wait3A_151 = tpu.memref_slice %arg16[%dma_wait3A_150] : memref<100096xf32, #tpu.memory_space<vmem_shared>> -> memref<100096xf32, #tpu.memory_space<vmem_shared>>
        tpu.wait_indirect_dma semaphore(%arg21 : memref<!tpu.dma_semaphore, #tpu.memory_space<semaphore_mem>>) src(%dma_wait3A_151 : memref<100096xf32, #tpu.memory_space<vmem_shared>>) dst(%dma_wait3A_146 : memref<128xf32, #tpu.memory_space<vmem>>)
      }
      %scan3A_116 = arith.constant 8 : i32
      %scan3A_117 = arith.constant 0 : i32
      %scan3A_118 = arith.constant 0 : i32
      %scan3A_119 = arith.constant 16 : i32
      %scan3A_120 = arith.addi %scan3A_118, %scan3A_119 : i32
      %scan3A_121 = arith.constant 1 : i32
      scf.for %scan3A_135 = %scan3A_118 to %scan3A_120 step %scan3A_121  : i32 {
        %mul3A_136 = arith.constant 4 : i32
        %mul3A_137 = arith.muli %scan3A_135, %mul3A_136 : i32
        %add3A_138 = arith.constant 0 : i32
        %add3A_139 = arith.addi %mul3A_137, %add3A_138 : i32
        %jit3A_140 = arith.constant 8 : i32
        %div3A_141 = arith.divsi %add3A_139, %jit3A_140 : i32
        %sign3A_142 = arith.constant 0 : i32
        %sign3A_143 = arith.cmpi sgt, %add3A_139, %sign3A_142 : i32
        %sign3A_144 = arith.extui %sign3A_143 : i1 to i32
        %sign3A_145 = arith.constant 0 : i32
        %sign3A_146 = arith.cmpi slt, %add3A_139, %sign3A_145 : i32
        %sign3A_147 = arith.extui %sign3A_146 : i1 to i32
        %sign3A_148 = arith.subi %sign3A_144, %sign3A_147 : i32
        %sign3A_149 = arith.constant 0 : i32
        %sign3A_150 = arith.cmpi sgt, %jit3A_140, %sign3A_149 : i32
        %sign3A_151 = arith.extui %sign3A_150 : i1 to i32
        %sign3A_152 = arith.constant 0 : i32
        %sign3A_153 = arith.cmpi slt, %jit3A_140, %sign3A_152 : i32
        %sign3A_154 = arith.extui %sign3A_153 : i1 to i32
        %sign3A_155 = arith.subi %sign3A_151, %sign3A_154 : i32
        %ne3A_156 = arith.cmpi ne, %sign3A_148, %sign3A_155 : i32
        %rem3A_157 = arith.remsi %add3A_139, %jit3A_140 : i32
        %ne3A_158 = arith.constant 0 : i32
        %ne3A_159 = arith.cmpi ne, %rem3A_157, %ne3A_158 : i32
        %and3A_160 = arith.andi %ne3A_156, %ne3A_159 : i1
        %sub3A_161 = arith.constant 1 : i32
        %sub3A_162 = arith.subi %div3A_141, %sub3A_161 : i32
        %select_n3A_163 = arith.select %and3A_160, %sub3A_162, %div3A_141 : i32
        %jit3A_164 = arith.constant 8 : i32
        %eq3A = arith.constant 0 : i32
        %eq3A_165 = arith.cmpi eq, %jit3A_164, %eq3A : i32
        %jit3A_166 = arith.constant 1 : i32
        %select_n3A_167 = arith.select %eq3A_165, %jit3A_166, %jit3A_164 : i32
        %rem3A_168 = arith.remsi %add3A_139, %select_n3A_167 : i32
        %ne3A_169 = arith.constant 0 : i32
        %ne3A_170 = arith.cmpi ne, %rem3A_168, %ne3A_169 : i32
        %lt3A_171 = arith.constant 0 : i32
        %lt3A_172 = arith.cmpi slt, %rem3A_168, %lt3A_171 : i32
        %lt3A_173 = arith.constant 0 : i32
        %lt3A_174 = arith.cmpi slt, %select_n3A_167, %lt3A_173 : i32
        %ne3A_175 = arith.xori %lt3A_172, %lt3A_174 : i1
        %and3A_176 = arith.andi %ne3A_175, %ne3A_170 : i1
        %add3A_177 = arith.addi %rem3A_168, %select_n3A_167 : i32
        %select_n3A_178 = arith.select %and3A_176, %add3A_177, %rem3A_168 : i32
        %mul3A_179 = arith.constant 16 : i32
        %mul3A_180 = arith.muli %select_n3A_178, %mul3A_179 : i32
        %get3A = arith.index_cast %select_n3A_163 : i32 to index
        %get3A_181 = arith.index_cast %mul3A_180 : i32 to index
        %get3A_182 = tpu.vector_load %arg11[%get3A, %get3A_181] {strides = array<i32>} : memref<8x128xf32, #tpu.memory_space<vmem>>, vector<16xf32>,
        %jit3A_183 = arith.constant 8 : i32
        %div3A_184 = arith.divsi %add3A_139, %jit3A_183 : i32
        %sign3A_185 = arith.constant 0 : i32
        %sign3A_186 = arith.cmpi sgt, %add3A_139, %sign3A_185 : i32
        %sign3A_187 = arith.extui %sign3A_186 : i1 to i32
        %sign3A_188 = arith.constant 0 : i32
        %sign3A_189 = arith.cmpi slt, %add3A_139, %sign3A_188 : i32
        %sign3A_190 = arith.extui %sign3A_189 : i1 to i32
        %sign3A_191 = arith.subi %sign3A_187, %sign3A_190 : i32
        %sign3A_192 = arith.constant 0 : i32
        %sign3A_193 = arith.cmpi sgt, %jit3A_183, %sign3A_192 : i32
        %sign3A_194 = arith.extui %sign3A_193 : i1 to i32
        %sign3A_195 = arith.constant 0 : i32
        %sign3A_196 = arith.cmpi slt, %jit3A_183, %sign3A_195 : i32
        %sign3A_197 = arith.extui %sign3A_196 : i1 to i32
        %sign3A_198 = arith.subi %sign3A_194, %sign3A_197 : i32
        %ne3A_199 = arith.cmpi ne, %sign3A_191, %sign3A_198 : i32
        %rem3A_200 = arith.remsi %add3A_139, %jit3A_183 : i32
        %ne3A_201 = arith.constant 0 : i32
        %ne3A_202 = arith.cmpi ne, %rem3A_200, %ne3A_201 : i32
        %and3A_203 = arith.andi %ne3A_199, %ne3A_202 : i1
        %sub3A_204 = arith.constant 1 : i32
        %sub3A_205 = arith.subi %div3A_184, %sub3A_204 : i32
        %select_n3A_206 = arith.select %and3A_203, %sub3A_205, %div3A_184 : i32
        %jit3A_207 = arith.constant 8 : i32
        %eq3A_208 = arith.constant 0 : i32
        %eq3A_209 = arith.cmpi eq, %jit3A_207, %eq3A_208 : i32
        %jit3A_210 = arith.constant 1 : i32
        %select_n3A_211 = arith.select %eq3A_209, %jit3A_210, %jit3A_207 : i32
        %rem3A_212 = arith.remsi %add3A_139, %select_n3A_211 : i32
        %ne3A_213 = arith.constant 0 : i32
        %ne3A_214 = arith.cmpi ne, %rem3A_212, %ne3A_213 : i32
        %lt3A_215 = arith.constant 0 : i32
        %lt3A_216 = arith.cmpi slt, %rem3A_212, %lt3A_215 : i32
        %lt3A_217 = arith.constant 0 : i32
        %lt3A_218 = arith.cmpi slt, %select_n3A_211, %lt3A_217 : i32
        %ne3A_219 = arith.xori %lt3A_216, %lt3A_218 : i1
        %and3A_220 = arith.andi %ne3A_219, %ne3A_214 : i1
        %add3A_221 = arith.addi %rem3A_212, %select_n3A_211 : i32
        %select_n3A_222 = arith.select %and3A_220, %add3A_221, %rem3A_212 : i32
        %mul3A_223 = arith.constant 16 : i32
        %mul3A_224 = arith.muli %select_n3A_222, %mul3A_223 : i32
        %get3A_225 = arith.index_cast %select_n3A_206 : i32 to index
        %get3A_226 = arith.index_cast %mul3A_224 : i32 to index
        %get3A_227 = tpu.vector_load %arg12[%get3A_225, %get3A_226] {strides = array<i32>} : memref<8x128xf32, #tpu.memory_space<vmem>>, vector<16xf32>,
        %sub3A_228 = arith.subf %get3A_227, %get3A_182 : vector<16xf32>
        %lt3A_229 = arith.constant 0.000000e+00 : f32
        %lt3A_230 = vector.broadcast %lt3A_229 : f32 to vector<16xf32>
        %lt3A_231 = arith.cmpf olt, %sub3A_228, %lt3A_230 : vector<16xf32>
        %jit3A_232 = arith.constant 6.28318548 : f32
        %jit3A_233 = arith.constant 0.000000e+00 : f32
        %broadcast_in_dim3A = vector.broadcast %jit3A_232 : f32 to vector<16xf32>
        %broadcast_in_dim3A_234 = vector.broadcast %jit3A_233 : f32 to vector<16xf32>
        %select_n3A_235 = arith.select %lt3A_231, %broadcast_in_dim3A, %broadcast_in_dim3A_234 : vector<16xi1>, vector<16xf32>
        %add3A_236 = arith.addf %sub3A_228, %select_n3A_235 : vector<16xf32>
        %mul3A_237 = arith.constant 5215.18896 : f32
        %mul3A_238 = vector.broadcast %mul3A_237 : f32 to vector<16xf32>
        %mul3A_239 = arith.mulf %add3A_236, %mul3A_238 : vector<16xf32>
        %convert_element_type3A_240 = arith.fptosi %mul3A_239 : vector<16xf32> to vector<16xi32>
        %jit3A_241 = arith.constant 0 : i32
        %jit3A_242 = arith.constant 32767 : i32
        %max3A = vector.broadcast %jit3A_241 : i32 to vector<16xi32>
        %max3A_243 = arith.maxsi %max3A, %convert_element_type3A_240 : vector<16xi32>
        %min3A = vector.broadcast %jit3A_242 : i32 to vector<16xi32>
        %min3A_244 = arith.minsi %min3A, %max3A_243 : vector<16xi32>
        %convert_element_type3A_245 = arith.sitofp %min3A_244 : vector<16xi32> to vector<16xf32>
        %sub3A_246 = arith.subf %mul3A_239, %convert_element_type3A_245 : vector<16xf32>
        %gather3A = tpu.vector_load_idx %arg7[%min3A_244] : memref<34816xf32, #tpu.memory_space<vmem>>[vector<16xi32>], vector<16xf32>,
        %add3A_247 = arith.constant 1 : i32
        %add3A_248 = vector.broadcast %add3A_247 : i32 to vector<16xi32>
        %add3A_249 = arith.addi %min3A_244, %add3A_248 : vector<16xi32>
        %gather3A_250 = tpu.vector_load_idx %arg7[%add3A_249] : memref<34816xf32, #tpu.memory_space<vmem>>[vector<16xi32>], vector<16xf32>,
        %sub3A_251 = arith.subf %gather3A_250, %gather3A : vector<16xf32>
        %mul3A_252 = arith.mulf %sub3A_246, %sub3A_251 : vector<16xf32>
        %add3A_253 = arith.addf %gather3A, %mul3A_252 : vector<16xf32>
        %jit3A_254 = arith.constant 8 : i32
        %div3A_255 = arith.divsi %add3A_139, %jit3A_254 : i32
        %sign3A_256 = arith.constant 0 : i32
        %sign3A_257 = arith.cmpi sgt, %add3A_139, %sign3A_256 : i32
        %sign3A_258 = arith.extui %sign3A_257 : i1 to i32
        %sign3A_259 = arith.constant 0 : i32
        %sign3A_260 = arith.cmpi slt, %add3A_139, %sign3A_259 : i32
        %sign3A_261 = arith.extui %sign3A_260 : i1 to i32
        %sign3A_262 = arith.subi %sign3A_258, %sign3A_261 : i32
        %sign3A_263 = arith.constant 0 : i32
        %sign3A_264 = arith.cmpi sgt, %jit3A_254, %sign3A_263 : i32
        %sign3A_265 = arith.extui %sign3A_264 : i1 to i32
        %sign3A_266 = arith.constant 0 : i32
        %sign3A_267 = arith.cmpi slt, %jit3A_254, %sign3A_266 : i32
        %sign3A_268 = arith.extui %sign3A_267 : i1 to i32
        %sign3A_269 = arith.subi %sign3A_265, %sign3A_268 : i32
        %ne3A_270 = arith.cmpi ne, %sign3A_262, %sign3A_269 : i32
        %rem3A_271 = arith.remsi %add3A_139, %jit3A_254 : i32
        %ne3A_272 = arith.constant 0 : i32
        %ne3A_273 = arith.cmpi ne, %rem3A_271, %ne3A_272 : i32
        %and3A_274 = arith.andi %ne3A_270, %ne3A_273 : i1
        %sub3A_275 = arith.constant 1 : i32
        %sub3A_276 = arith.subi %div3A_255, %sub3A_275 : i32
        %select_n3A_277 = arith.select %and3A_274, %sub3A_276, %div3A_255 : i32
        %jit3A_278 = arith.constant 8 : i32
        %eq3A_279 = arith.constant 0 : i32
        %eq3A_280 = arith.cmpi eq, %jit3A_278, %eq3A_279 : i32
        %jit3A_281 = arith.constant 1 : i32
        %select_n3A_282 = arith.select %eq3A_280, %jit3A_281, %jit3A_278 : i32
        %rem3A_283 = arith.remsi %add3A_139, %select_n3A_282 : i32
        %ne3A_284 = arith.constant 0 : i32
        %ne3A_285 = arith.cmpi ne, %rem3A_283, %ne3A_284 : i32
        %lt3A_286 = arith.constant 0 : i32
        %lt3A_287 = arith.cmpi slt, %rem3A_283, %lt3A_286 : i32
        %lt3A_288 = arith.constant 0 : i32
        %lt3A_289 = arith.cmpi slt, %select_n3A_282, %lt3A_288 : i32
        %ne3A_290 = arith.xori %lt3A_287, %lt3A_289 : i1
        %and3A_291 = arith.andi %ne3A_290, %ne3A_285 : i1
        %add3A_292 = arith.addi %rem3A_283, %select_n3A_282 : i32
        %select_n3A_293 = arith.select %and3A_291, %add3A_292, %rem3A_283 : i32
        %mul3A_294 = arith.constant 16 : i32
        %mul3A_295 = arith.muli %select_n3A_293, %mul3A_294 : i32
        %swap3A = arith.index_cast %rem3A_60 : i32 to index
        %swap3A_296 = arith.index_cast %select_n3A_277 : i32 to index
        %swap3A_297 = arith.index_cast %mul3A_295 : i32 to index
        %swap3A_298 = tpu.vector_load %arg10[%swap3A, %swap3A_296, %swap3A_297] {strides = array<i32>} : memref<2x8x128xf32, #tpu.memory_space<vmem>>, vector<16xf32>,
        tpu.vector_store %arg10[%swap3A, %swap3A_296, %swap3A_297], %add3A_253 {strides = array<i32>} : memref<2x8x128xf32, #tpu.memory_space<vmem>>, vector<16xf32>,
        %mul3A_299 = arith.constant 4 : i32
        %mul3A_300 = arith.muli %scan3A_135, %mul3A_299 : i32
        %add3A_301 = arith.constant 1 : i32
        %add3A_302 = arith.addi %mul3A_300, %add3A_301 : i32
        %jit3A_303 = arith.constant 8 : i32
        %div3A_304 = arith.divsi %add3A_302, %jit3A_303 : i32
        %sign3A_305 = arith.constant 0 : i32
        %sign3A_306 = arith.cmpi sgt, %add3A_302, %sign3A_305 : i32
        %sign3A_307 = arith.extui %sign3A_306 : i1 to i32
        %sign3A_308 = arith.constant 0 : i32
        %sign3A_309 = arith.cmpi slt, %add3A_302, %sign3A_308 : i32
        %sign3A_310 = arith.extui %sign3A_309 : i1 to i32
        %sign3A_311 = arith.subi %sign3A_307, %sign3A_310 : i32
        %sign3A_312 = arith.constant 0 : i32
        %sign3A_313 = arith.cmpi sgt, %jit3A_303, %sign3A_312 : i32
        %sign3A_314 = arith.extui %sign3A_313 : i1 to i32
        %sign3A_315 = arith.constant 0 : i32
        %sign3A_316 = arith.cmpi slt, %jit3A_303, %sign3A_315 : i32
        %sign3A_317 = arith.extui %sign3A_316 : i1 to i32
        %sign3A_318 = arith.subi %sign3A_314, %sign3A_317 : i32
        %ne3A_319 = arith.cmpi ne, %sign3A_311, %sign3A_318 : i32
        %rem3A_320 = arith.remsi %add3A_302, %jit3A_303 : i32
        %ne3A_321 = arith.constant 0 : i32
        %ne3A_322 = arith.cmpi ne, %rem3A_320, %ne3A_321 : i32
        %and3A_323 = arith.andi %ne3A_319, %ne3A_322 : i1
        %sub3A_324 = arith.constant 1 : i32
        %sub3A_325 = arith.subi %div3A_304, %sub3A_324 : i32
        %select_n3A_326 = arith.select %and3A_323, %sub3A_325, %div3A_304 : i32
        %jit3A_327 = arith.constant 8 : i32
        %eq3A_328 = arith.constant 0 : i32
        %eq3A_329 = arith.cmpi eq, %jit3A_327, %eq3A_328 : i32
        %jit3A_330 = arith.constant 1 : i32
        %select_n3A_331 = arith.select %eq3A_329, %jit3A_330, %jit3A_327 : i32
        %rem3A_332 = arith.remsi %add3A_302, %select_n3A_331 : i32
        %ne3A_333 = arith.constant 0 : i32
        %ne3A_334 = arith.cmpi ne, %rem3A_332, %ne3A_333 : i32
        %lt3A_335 = arith.constant 0 : i32
        %lt3A_336 = arith.cmpi slt, %rem3A_332, %lt3A_335 : i32
        %lt3A_337 = arith.constant 0 : i32
        %lt3A_338 = arith.cmpi slt, %select_n3A_331, %lt3A_337 : i32
        %ne3A_339 = arith.xori %lt3A_336, %lt3A_338 : i1
        %and3A_340 = arith.andi %ne3A_339, %ne3A_334 : i1
        %add3A_341 = arith.addi %rem3A_332, %select_n3A_331 : i32
        %select_n3A_342 = arith.select %and3A_340, %add3A_341, %rem3A_332 : i32
        %mul3A_343 = arith.constant 16 : i32
        %mul3A_344 = arith.muli %select_n3A_342, %mul3A_343 : i32
        %get3A_345 = arith.index_cast %select_n3A_326 : i32 to index
        %get3A_346 = arith.index_cast %mul3A_344 : i32 to index
        %get3A_347 = tpu.vector_load %arg11[%get3A_345, %get3A_346] {strides = array<i32>} : memref<8x128xf32, #tpu.memory_space<vmem>>, vector<16xf32>,
        %jit3A_348 = arith.constant 8 : i32
        %div3A_349 = arith.divsi %add3A_302, %jit3A_348 : i32
        %sign3A_350 = arith.constant 0 : i32
        %sign3A_351 = arith.cmpi sgt, %add3A_302, %sign3A_350 : i32
        %sign3A_352 = arith.extui %sign3A_351 : i1 to i32
        %sign3A_353 = arith.constant 0 : i32
        %sign3A_354 = arith.cmpi slt, %add3A_302, %sign3A_353 : i32
        %sign3A_355 = arith.extui %sign3A_354 : i1 to i32
        %sign3A_356 = arith.subi %sign3A_352, %sign3A_355 : i32
        %sign3A_357 = arith.constant 0 : i32
        %sign3A_358 = arith.cmpi sgt, %jit3A_348, %sign3A_357 : i32
        %sign3A_359 = arith.extui %sign3A_358 : i1 to i32
        %sign3A_360 = arith.constant 0 : i32
        %sign3A_361 = arith.cmpi slt, %jit3A_348, %sign3A_360 : i32
        %sign3A_362 = arith.extui %sign3A_361 : i1 to i32
        %sign3A_363 = arith.subi %sign3A_359, %sign3A_362 : i32
        %ne3A_364 = arith.cmpi ne, %sign3A_356, %sign3A_363 : i32
        %rem3A_365 = arith.remsi %add3A_302, %jit3A_348 : i32
        %ne3A_366 = arith.constant 0 : i32
        %ne3A_367 = arith.cmpi ne, %rem3A_365, %ne3A_366 : i32
        %and3A_368 = arith.andi %ne3A_364, %ne3A_367 : i1
        %sub3A_369 = arith.constant 1 : i32
        %sub3A_370 = arith.subi %div3A_349, %sub3A_369 : i32
        %select_n3A_371 = arith.select %and3A_368, %sub3A_370, %div3A_349 : i32
        %jit3A_372 = arith.constant 8 : i32
        %eq3A_373 = arith.constant 0 : i32
        %eq3A_374 = arith.cmpi eq, %jit3A_372, %eq3A_373 : i32
        %jit3A_375 = arith.constant 1 : i32
        %select_n3A_376 = arith.select %eq3A_374, %jit3A_375, %jit3A_372 : i32
        %rem3A_377 = arith.remsi %add3A_302, %select_n3A_376 : i32
        %ne3A_378 = arith.constant 0 : i32
        %ne3A_379 = arith.cmpi ne, %rem3A_377, %ne3A_378 : i32
        %lt3A_380 = arith.constant 0 : i32
        %lt3A_381 = arith.cmpi slt, %rem3A_377, %lt3A_380 : i32
        %lt3A_382 = arith.constant 0 : i32
        %lt3A_383 = arith.cmpi slt, %select_n3A_376, %lt3A_382 : i32
        %ne3A_384 = arith.xori %lt3A_381, %lt3A_383 : i1
        %and3A_385 = arith.andi %ne3A_384, %ne3A_379 : i1
        %add3A_386 = arith.addi %rem3A_377, %select_n3A_376 : i32
        %select_n3A_387 = arith.select %and3A_385, %add3A_386, %rem3A_377 : i32
        %mul3A_388 = arith.constant 16 : i32
        %mul3A_389 = arith.muli %select_n3A_387, %mul3A_388 : i32
        %get3A_390 = arith.index_cast %select_n3A_371 : i32 to index
        %get3A_391 = arith.index_cast %mul3A_389 : i32 to index
        %get3A_392 = tpu.vector_load %arg12[%get3A_390, %get3A_391] {strides = array<i32>} : memref<8x128xf32, #tpu.memory_space<vmem>>, vector<16xf32>,
        %sub3A_393 = arith.subf %get3A_392, %get3A_347 : vector<16xf32>
        %lt3A_394 = arith.constant 0.000000e+00 : f32
        %lt3A_395 = vector.broadcast %lt3A_394 : f32 to vector<16xf32>
        %lt3A_396 = arith.cmpf olt, %sub3A_393, %lt3A_395 : vector<16xf32>
        %jit3A_397 = arith.constant 6.28318548 : f32
        %jit3A_398 = arith.constant 0.000000e+00 : f32
        %broadcast_in_dim3A_399 = vector.broadcast %jit3A_397 : f32 to vector<16xf32>
        %broadcast_in_dim3A_400 = vector.broadcast %jit3A_398 : f32 to vector<16xf32>
        %select_n3A_401 = arith.select %lt3A_396, %broadcast_in_dim3A_399, %broadcast_in_dim3A_400 : vector<16xi1>, vector<16xf32>
        %add3A_402 = arith.addf %sub3A_393, %select_n3A_401 : vector<16xf32>
        %mul3A_403 = arith.constant 5215.18896 : f32
        %mul3A_404 = vector.broadcast %mul3A_403 : f32 to vector<16xf32>
        %mul3A_405 = arith.mulf %add3A_402, %mul3A_404 : vector<16xf32>
        %convert_element_type3A_406 = arith.fptosi %mul3A_405 : vector<16xf32> to vector<16xi32>
        %jit3A_407 = arith.constant 0 : i32
        %jit3A_408 = arith.constant 32767 : i32
        %max3A_409 = vector.broadcast %jit3A_407 : i32 to vector<16xi32>
        %max3A_410 = arith.maxsi %max3A_409, %convert_element_type3A_406 : vector<16xi32>
        %min3A_411 = vector.broadcast %jit3A_408 : i32 to vector<16xi32>
        %min3A_412 = arith.minsi %min3A_411, %max3A_410 : vector<16xi32>
        %convert_element_type3A_413 = arith.sitofp %min3A_412 : vector<16xi32> to vector<16xf32>
        %sub3A_414 = arith.subf %mul3A_405, %convert_element_type3A_413 : vector<16xf32>
        %gather3A_415 = tpu.vector_load_idx %arg7[%min3A_412] : memref<34816xf32, #tpu.memory_space<vmem>>[vector<16xi32>], vector<16xf32>,
        %add3A_416 = arith.constant 1 : i32
        %add3A_417 = vector.broadcast %add3A_416 : i32 to vector<16xi32>
        %add3A_418 = arith.addi %min3A_412, %add3A_417 : vector<16xi32>
        %gather3A_419 = tpu.vector_load_idx %arg7[%add3A_418] : memref<34816xf32, #tpu.memory_space<vmem>>[vector<16xi32>], vector<16xf32>,
        %sub3A_420 = arith.subf %gather3A_419, %gather3A_415 : vector<16xf32>
        %mul3A_421 = arith.mulf %sub3A_414, %sub3A_420 : vector<16xf32>
        %add3A_422 = arith.addf %gather3A_415, %mul3A_421 : vector<16xf32>
        %jit3A_423 = arith.constant 8 : i32
        %div3A_424 = arith.divsi %add3A_302, %jit3A_423 : i32
        %sign3A_425 = arith.constant 0 : i32
        %sign3A_426 = arith.cmpi sgt, %add3A_302, %sign3A_425 : i32
        %sign3A_427 = arith.extui %sign3A_426 : i1 to i32
        %sign3A_428 = arith.constant 0 : i32
        %sign3A_429 = arith.cmpi slt, %add3A_302, %sign3A_428 : i32
        %sign3A_430 = arith.extui %sign3A_429 : i1 to i32
        %sign3A_431 = arith.subi %sign3A_427, %sign3A_430 : i32
        %sign3A_432 = arith.constant 0 : i32
        %sign3A_433 = arith.cmpi sgt, %jit3A_423, %sign3A_432 : i32
        %sign3A_434 = arith.extui %sign3A_433 : i1 to i32
        %sign3A_435 = arith.constant 0 : i32
        %sign3A_436 = arith.cmpi slt, %jit3A_423, %sign3A_435 : i32
        %sign3A_437 = arith.extui %sign3A_436 : i1 to i32
        %sign3A_438 = arith.subi %sign3A_434, %sign3A_437 : i32
        %ne3A_439 = arith.cmpi ne, %sign3A_431, %sign3A_438 : i32
        %rem3A_440 = arith.remsi %add3A_302, %jit3A_423 : i32
        %ne3A_441 = arith.constant 0 : i32
        %ne3A_442 = arith.cmpi ne, %rem3A_440, %ne3A_441 : i32
        %and3A_443 = arith.andi %ne3A_439, %ne3A_442 : i1
        %sub3A_444 = arith.constant 1 : i32
        %sub3A_445 = arith.subi %div3A_424, %sub3A_444 : i32
        %select_n3A_446 = arith.select %and3A_443, %sub3A_445, %div3A_424 : i32
        %jit3A_447 = arith.constant 8 : i32
        %eq3A_448 = arith.constant 0 : i32
        %eq3A_449 = arith.cmpi eq, %jit3A_447, %eq3A_448 : i32
        %jit3A_450 = arith.constant 1 : i32
        %select_n3A_451 = arith.select %eq3A_449, %jit3A_450, %jit3A_447 : i32
        %rem3A_452 = arith.remsi %add3A_302, %select_n3A_451 : i32
        %ne3A_453 = arith.constant 0 : i32
        %ne3A_454 = arith.cmpi ne, %rem3A_452, %ne3A_453 : i32
        %lt3A_455 = arith.constant 0 : i32
        %lt3A_456 = arith.cmpi slt, %rem3A_452, %lt3A_455 : i32
        %lt3A_457 = arith.constant 0 : i32
        %lt3A_458 = arith.cmpi slt, %select_n3A_451, %lt3A_457 : i32
        %ne3A_459 = arith.xori %lt3A_456, %lt3A_458 : i1
        %and3A_460 = arith.andi %ne3A_459, %ne3A_454 : i1
        %add3A_461 = arith.addi %rem3A_452, %select_n3A_451 : i32
        %select_n3A_462 = arith.select %and3A_460, %add3A_461, %rem3A_452 : i32
        %mul3A_463 = arith.constant 16 : i32
        %mul3A_464 = arith.muli %select_n3A_462, %mul3A_463 : i32
        %swap3A_465 = arith.index_cast %rem3A_60 : i32 to index
        %swap3A_466 = arith.index_cast %select_n3A_446 : i32 to index
        %swap3A_467 = arith.index_cast %mul3A_464 : i32 to index
        %swap3A_468 = tpu.vector_load %arg10[%swap3A_465, %swap3A_466, %swap3A_467] {strides = array<i32>} : memref<2x8x128xf32, #tpu.memory_space<vmem>>, vector<16xf32>,
        tpu.vector_store %arg10[%swap3A_465, %swap3A_466, %swap3A_467], %add3A_422 {strides = array<i32>} : memref<2x8x128xf32, #tpu.memory_space<vmem>>, vector<16xf32>,
        %mul3A_469 = arith.constant 4 : i32
        %mul3A_470 = arith.muli %scan3A_135, %mul3A_469 : i32
        %add3A_471 = arith.constant 2 : i32
        %add3A_472 = arith.addi %mul3A_470, %add3A_471 : i32
        %jit3A_473 = arith.constant 8 : i32
        %div3A_474 = arith.divsi %add3A_472, %jit3A_473 : i32
        %sign3A_475 = arith.constant 0 : i32
        %sign3A_476 = arith.cmpi sgt, %add3A_472, %sign3A_475 : i32
        %sign3A_477 = arith.extui %sign3A_476 : i1 to i32
        %sign3A_478 = arith.constant 0 : i32
        %sign3A_479 = arith.cmpi slt, %add3A_472, %sign3A_478 : i32
        %sign3A_480 = arith.extui %sign3A_479 : i1 to i32
        %sign3A_481 = arith.subi %sign3A_477, %sign3A_480 : i32
        %sign3A_482 = arith.constant 0 : i32
        %sign3A_483 = arith.cmpi sgt, %jit3A_473, %sign3A_482 : i32
        %sign3A_484 = arith.extui %sign3A_483 : i1 to i32
        %sign3A_485 = arith.constant 0 : i32
        %sign3A_486 = arith.cmpi slt, %jit3A_473, %sign3A_485 : i32
        %sign3A_487 = arith.extui %sign3A_486 : i1 to i32
        %sign3A_488 = arith.subi %sign3A_484, %sign3A_487 : i32
        %ne3A_489 = arith.cmpi ne, %sign3A_481, %sign3A_488 : i32
        %rem3A_490 = arith.remsi %add3A_472, %jit3A_473 : i32
        %ne3A_491 = arith.constant 0 : i32
        %ne3A_492 = arith.cmpi ne, %rem3A_490, %ne3A_491 : i32
        %and3A_493 = arith.andi %ne3A_489, %ne3A_492 : i1
        %sub3A_494 = arith.constant 1 : i32
        %sub3A_495 = arith.subi %div3A_474, %sub3A_494 : i32
        %select_n3A_496 = arith.select %and3A_493, %sub3A_495, %div3A_474 : i32
        %jit3A_497 = arith.constant 8 : i32
        %eq3A_498 = arith.constant 0 : i32
        %eq3A_499 = arith.cmpi eq, %jit3A_497, %eq3A_498 : i32
        %jit3A_500 = arith.constant 1 : i32
        %select_n3A_501 = arith.select %eq3A_499, %jit3A_500, %jit3A_497 : i32
        %rem3A_502 = arith.remsi %add3A_472, %select_n3A_501 : i32
        %ne3A_503 = arith.constant 0 : i32
        %ne3A_504 = arith.cmpi ne, %rem3A_502, %ne3A_503 : i32
        %lt3A_505 = arith.constant 0 : i32
        %lt3A_506 = arith.cmpi slt, %rem3A_502, %lt3A_505 : i32
        %lt3A_507 = arith.constant 0 : i32
        %lt3A_508 = arith.cmpi slt, %select_n3A_501, %lt3A_507 : i32
        %ne3A_509 = arith.xori %lt3A_506, %lt3A_508 : i1
        %and3A_510 = arith.andi %ne3A_509, %ne3A_504 : i1
        %add3A_511 = arith.addi %rem3A_502, %select_n3A_501 : i32
        %select_n3A_512 = arith.select %and3A_510, %add3A_511, %rem3A_502 : i32
        %mul3A_513 = arith.constant 16 : i32
        %mul3A_514 = arith.muli %select_n3A_512, %mul3A_513 : i32
        %get3A_515 = arith.index_cast %select_n3A_496 : i32 to index
        %get3A_516 = arith.index_cast %mul3A_514 : i32 to index
        %get3A_517 = tpu.vector_load %arg11[%get3A_515, %get3A_516] {strides = array<i32>} : memref<8x128xf32, #tpu.memory_space<vmem>>, vector<16xf32>,
        %jit3A_518 = arith.constant 8 : i32
        %div3A_519 = arith.divsi %add3A_472, %jit3A_518 : i32
        %sign3A_520 = arith.constant 0 : i32
        %sign3A_521 = arith.cmpi sgt, %add3A_472, %sign3A_520 : i32
        %sign3A_522 = arith.extui %sign3A_521 : i1 to i32
        %sign3A_523 = arith.constant 0 : i32
        %sign3A_524 = arith.cmpi slt, %add3A_472, %sign3A_523 : i32
        %sign3A_525 = arith.extui %sign3A_524 : i1 to i32
        %sign3A_526 = arith.subi %sign3A_522, %sign3A_525 : i32
        %sign3A_527 = arith.constant 0 : i32
        %sign3A_528 = arith.cmpi sgt, %jit3A_518, %sign3A_527 : i32
        %sign3A_529 = arith.extui %sign3A_528 : i1 to i32
        %sign3A_530 = arith.constant 0 : i32
        %sign3A_531 = arith.cmpi slt, %jit3A_518, %sign3A_530 : i32
        %sign3A_532 = arith.extui %sign3A_531 : i1 to i32
        %sign3A_533 = arith.subi %sign3A_529, %sign3A_532 : i32
        %ne3A_534 = arith.cmpi ne, %sign3A_526, %sign3A_533 : i32
        %rem3A_535 = arith.remsi %add3A_472, %jit3A_518 : i32
        %ne3A_536 = arith.constant 0 : i32
        %ne3A_537 = arith.cmpi ne, %rem3A_535, %ne3A_536 : i32
        %and3A_538 = arith.andi %ne3A_534, %ne3A_537 : i1
        %sub3A_539 = arith.constant 1 : i32
        %sub3A_540 = arith.subi %div3A_519, %sub3A_539 : i32
        %select_n3A_541 = arith.select %and3A_538, %sub3A_540, %div3A_519 : i32
        %jit3A_542 = arith.constant 8 : i32
        %eq3A_543 = arith.constant 0 : i32
        %eq3A_544 = arith.cmpi eq, %jit3A_542, %eq3A_543 : i32
        %jit3A_545 = arith.constant 1 : i32
        %select_n3A_546 = arith.select %eq3A_544, %jit3A_545, %jit3A_542 : i32
        %rem3A_547 = arith.remsi %add3A_472, %select_n3A_546 : i32
        %ne3A_548 = arith.constant 0 : i32
        %ne3A_549 = arith.cmpi ne, %rem3A_547, %ne3A_548 : i32
        %lt3A_550 = arith.constant 0 : i32
        %lt3A_551 = arith.cmpi slt, %rem3A_547, %lt3A_550 : i32
        %lt3A_552 = arith.constant 0 : i32
        %lt3A_553 = arith.cmpi slt, %select_n3A_546, %lt3A_552 : i32
        %ne3A_554 = arith.xori %lt3A_551, %lt3A_553 : i1
        %and3A_555 = arith.andi %ne3A_554, %ne3A_549 : i1
        %add3A_556 = arith.addi %rem3A_547, %select_n3A_546 : i32
        %select_n3A_557 = arith.select %and3A_555, %add3A_556, %rem3A_547 : i32
        %mul3A_558 = arith.constant 16 : i32
        %mul3A_559 = arith.muli %select_n3A_557, %mul3A_558 : i32
        %get3A_560 = arith.index_cast %select_n3A_541 : i32 to index
        %get3A_561 = arith.index_cast %mul3A_559 : i32 to index
        %get3A_562 = tpu.vector_load %arg12[%get3A_560, %get3A_561] {strides = array<i32>} : memref<8x128xf32, #tpu.memory_space<vmem>>, vector<16xf32>,
        %sub3A_563 = arith.subf %get3A_562, %get3A_517 : vector<16xf32>
        %lt3A_564 = arith.constant 0.000000e+00 : f32
        %lt3A_565 = vector.broadcast %lt3A_564 : f32 to vector<16xf32>
        %lt3A_566 = arith.cmpf olt, %sub3A_563, %lt3A_565 : vector<16xf32>
        %jit3A_567 = arith.constant 6.28318548 : f32
        %jit3A_568 = arith.constant 0.000000e+00 : f32
        %broadcast_in_dim3A_569 = vector.broadcast %jit3A_567 : f32 to vector<16xf32>
        %broadcast_in_dim3A_570 = vector.broadcast %jit3A_568 : f32 to vector<16xf32>
        %select_n3A_571 = arith.select %lt3A_566, %broadcast_in_dim3A_569, %broadcast_in_dim3A_570 : vector<16xi1>, vector<16xf32>
        %add3A_572 = arith.addf %sub3A_563, %select_n3A_571 : vector<16xf32>
        %mul3A_573 = arith.constant 5215.18896 : f32
        %mul3A_574 = vector.broadcast %mul3A_573 : f32 to vector<16xf32>
        %mul3A_575 = arith.mulf %add3A_572, %mul3A_574 : vector<16xf32>
        %convert_element_type3A_576 = arith.fptosi %mul3A_575 : vector<16xf32> to vector<16xi32>
        %jit3A_577 = arith.constant 0 : i32
        %jit3A_578 = arith.constant 32767 : i32
        %max3A_579 = vector.broadcast %jit3A_577 : i32 to vector<16xi32>
        %max3A_580 = arith.maxsi %max3A_579, %convert_element_type3A_576 : vector<16xi32>
        %min3A_581 = vector.broadcast %jit3A_578 : i32 to vector<16xi32>
        %min3A_582 = arith.minsi %min3A_581, %max3A_580 : vector<16xi32>
        %convert_element_type3A_583 = arith.sitofp %min3A_582 : vector<16xi32> to vector<16xf32>
        %sub3A_584 = arith.subf %mul3A_575, %convert_element_type3A_583 : vector<16xf32>
        %gather3A_585 = tpu.vector_load_idx %arg7[%min3A_582] : memref<34816xf32, #tpu.memory_space<vmem>>[vector<16xi32>], vector<16xf32>,
        %add3A_586 = arith.constant 1 : i32
        %add3A_587 = vector.broadcast %add3A_586 : i32 to vector<16xi32>
        %add3A_588 = arith.addi %min3A_582, %add3A_587 : vector<16xi32>
        %gather3A_589 = tpu.vector_load_idx %arg7[%add3A_588] : memref<34816xf32, #tpu.memory_space<vmem>>[vector<16xi32>], vector<16xf32>,
        %sub3A_590 = arith.subf %gather3A_589, %gather3A_585 : vector<16xf32>
        %mul3A_591 = arith.mulf %sub3A_584, %sub3A_590 : vector<16xf32>
        %add3A_592 = arith.addf %gather3A_585, %mul3A_591 : vector<16xf32>
        %jit3A_593 = arith.constant 8 : i32
        %div3A_594 = arith.divsi %add3A_472, %jit3A_593 : i32
        %sign3A_595 = arith.constant 0 : i32
        %sign3A_596 = arith.cmpi sgt, %add3A_472, %sign3A_595 : i32
        %sign3A_597 = arith.extui %sign3A_596 : i1 to i32
        %sign3A_598 = arith.constant 0 : i32
        %sign3A_599 = arith.cmpi slt, %add3A_472, %sign3A_598 : i32
        %sign3A_600 = arith.extui %sign3A_599 : i1 to i32
        %sign3A_601 = arith.subi %sign3A_597, %sign3A_600 : i32
        %sign3A_602 = arith.constant 0 : i32
        %sign3A_603 = arith.cmpi sgt, %jit3A_593, %sign3A_602 : i32
        %sign3A_604 = arith.extui %sign3A_603 : i1 to i32
        %sign3A_605 = arith.constant 0 : i32
        %sign3A_606 = arith.cmpi slt, %jit3A_593, %sign3A_605 : i32
        %sign3A_607 = arith.extui %sign3A_606 : i1 to i32
        %sign3A_608 = arith.subi %sign3A_604, %sign3A_607 : i32
        %ne3A_609 = arith.cmpi ne, %sign3A_601, %sign3A_608 : i32
        %rem3A_610 = arith.remsi %add3A_472, %jit3A_593 : i32
        %ne3A_611 = arith.constant 0 : i32
        %ne3A_612 = arith.cmpi ne, %rem3A_610, %ne3A_611 : i32
        %and3A_613 = arith.andi %ne3A_609, %ne3A_612 : i1
        %sub3A_614 = arith.constant 1 : i32
        %sub3A_615 = arith.subi %div3A_594, %sub3A_614 : i32
        %select_n3A_616 = arith.select %and3A_613, %sub3A_615, %div3A_594 : i32
        %jit3A_617 = arith.constant 8 : i32
        %eq3A_618 = arith.constant 0 : i32
        %eq3A_619 = arith.cmpi eq, %jit3A_617, %eq3A_618 : i32
        %jit3A_620 = arith.constant 1 : i32
        %select_n3A_621 = arith.select %eq3A_619, %jit3A_620, %jit3A_617 : i32
        %rem3A_622 = arith.remsi %add3A_472, %select_n3A_621 : i32
        %ne3A_623 = arith.constant 0 : i32
        %ne3A_624 = arith.cmpi ne, %rem3A_622, %ne3A_623 : i32
        %lt3A_625 = arith.constant 0 : i32
        %lt3A_626 = arith.cmpi slt, %rem3A_622, %lt3A_625 : i32
        %lt3A_627 = arith.constant 0 : i32
        %lt3A_628 = arith.cmpi slt, %select_n3A_621, %lt3A_627 : i32
        %ne3A_629 = arith.xori %lt3A_626, %lt3A_628 : i1
        %and3A_630 = arith.andi %ne3A_629, %ne3A_624 : i1
        %add3A_631 = arith.addi %rem3A_622, %select_n3A_621 : i32
        %select_n3A_632 = arith.select %and3A_630, %add3A_631, %rem3A_622 : i32
        %mul3A_633 = arith.constant 16 : i32
        %mul3A_634 = arith.muli %select_n3A_632, %mul3A_633 : i32
        %swap3A_635 = arith.index_cast %rem3A_60 : i32 to index
        %swap3A_636 = arith.index_cast %select_n3A_616 : i32 to index
        %swap3A_637 = arith.index_cast %mul3A_634 : i32 to index
        %swap3A_638 = tpu.vector_load %arg10[%swap3A_635, %swap3A_636, %swap3A_637] {strides = array<i32>} : memref<2x8x128xf32, #tpu.memory_space<vmem>>, vector<16xf32>,
        tpu.vector_store %arg10[%swap3A_635, %swap3A_636, %swap3A_637], %add3A_592 {strides = array<i32>} : memref<2x8x128xf32, #tpu.memory_space<vmem>>, vector<16xf32>,
        %mul3A_639 = arith.constant 4 : i32
        %mul3A_640 = arith.muli %scan3A_135, %mul3A_639 : i32
        %add3A_641 = arith.constant 3 : i32
        %add3A_642 = arith.addi %mul3A_640, %add3A_641 : i32
        %jit3A_643 = arith.constant 8 : i32
        %div3A_644 = arith.divsi %add3A_642, %jit3A_643 : i32
        %sign3A_645 = arith.constant 0 : i32
        %sign3A_646 = arith.cmpi sgt, %add3A_642, %sign3A_645 : i32
        %sign3A_647 = arith.extui %sign3A_646 : i1 to i32
        %sign3A_648 = arith.constant 0 : i32
        %sign3A_649 = arith.cmpi slt, %add3A_642, %sign3A_648 : i32
        %sign3A_650 = arith.extui %sign3A_649 : i1 to i32
        %sign3A_651 = arith.subi %sign3A_647, %sign3A_650 : i32
        %sign3A_652 = arith.constant 0 : i32
        %sign3A_653 = arith.cmpi sgt, %jit3A_643, %sign3A_652 : i32
        %sign3A_654 = arith.extui %sign3A_653 : i1 to i32
        %sign3A_655 = arith.constant 0 : i32
        %sign3A_656 = arith.cmpi slt, %jit3A_643, %sign3A_655 : i32
        %sign3A_657 = arith.extui %sign3A_656 : i1 to i32
        %sign3A_658 = arith.subi %sign3A_654, %sign3A_657 : i32
        %ne3A_659 = arith.cmpi ne, %sign3A_651, %sign3A_658 : i32
        %rem3A_660 = arith.remsi %add3A_642, %jit3A_643 : i32
        %ne3A_661 = arith.constant 0 : i32
        %ne3A_662 = arith.cmpi ne, %rem3A_660, %ne3A_661 : i32
        %and3A_663 = arith.andi %ne3A_659, %ne3A_662 : i1
        %sub3A_664 = arith.constant 1 : i32
        %sub3A_665 = arith.subi %div3A_644, %sub3A_664 : i32
        %select_n3A_666 = arith.select %and3A_663, %sub3A_665, %div3A_644 : i32
        %jit3A_667 = arith.constant 8 : i32
        %eq3A_668 = arith.constant 0 : i32
        %eq3A_669 = arith.cmpi eq, %jit3A_667, %eq3A_668 : i32
        %jit3A_670 = arith.constant 1 : i32
        %select_n3A_671 = arith.select %eq3A_669, %jit3A_670, %jit3A_667 : i32
        %rem3A_672 = arith.remsi %add3A_642, %select_n3A_671 : i32
        %ne3A_673 = arith.constant 0 : i32
        %ne3A_674 = arith.cmpi ne, %rem3A_672, %ne3A_673 : i32
        %lt3A_675 = arith.constant 0 : i32
        %lt3A_676 = arith.cmpi slt, %rem3A_672, %lt3A_675 : i32
        %lt3A_677 = arith.constant 0 : i32
        %lt3A_678 = arith.cmpi slt, %select_n3A_671, %lt3A_677 : i32
        %ne3A_679 = arith.xori %lt3A_676, %lt3A_678 : i1
        %and3A_680 = arith.andi %ne3A_679, %ne3A_674 : i1
        %add3A_681 = arith.addi %rem3A_672, %select_n3A_671 : i32
        %select_n3A_682 = arith.select %and3A_680, %add3A_681, %rem3A_672 : i32
        %mul3A_683 = arith.constant 16 : i32
        %mul3A_684 = arith.muli %select_n3A_682, %mul3A_683 : i32
        %get3A_685 = arith.index_cast %select_n3A_666 : i32 to index
        %get3A_686 = arith.index_cast %mul3A_684 : i32 to index
        %get3A_687 = tpu.vector_load %arg11[%get3A_685, %get3A_686] {strides = array<i32>} : memref<8x128xf32, #tpu.memory_space<vmem>>, vector<16xf32>,
        %jit3A_688 = arith.constant 8 : i32
        %div3A_689 = arith.divsi %add3A_642, %jit3A_688 : i32
        %sign3A_690 = arith.constant 0 : i32
        %sign3A_691 = arith.cmpi sgt, %add3A_642, %sign3A_690 : i32
        %sign3A_692 = arith.extui %sign3A_691 : i1 to i32
        %sign3A_693 = arith.constant 0 : i32
        %sign3A_694 = arith.cmpi slt, %add3A_642, %sign3A_693 : i32
        %sign3A_695 = arith.extui %sign3A_694 : i1 to i32
        %sign3A_696 = arith.subi %sign3A_692, %sign3A_695 : i32
        %sign3A_697 = arith.constant 0 : i32
        %sign3A_698 = arith.cmpi sgt, %jit3A_688, %sign3A_697 : i32
        %sign3A_699 = arith.extui %sign3A_698 : i1 to i32
        %sign3A_700 = arith.constant 0 : i32
        %sign3A_701 = arith.cmpi slt, %jit3A_688, %sign3A_700 : i32
        %sign3A_702 = arith.extui %sign3A_701 : i1 to i32
        %sign3A_703 = arith.subi %sign3A_699, %sign3A_702 : i32
        %ne3A_704 = arith.cmpi ne, %sign3A_696, %sign3A_703 : i32
        %rem3A_705 = arith.remsi %add3A_642, %jit3A_688 : i32
        %ne3A_706 = arith.constant 0 : i32
        %ne3A_707 = arith.cmpi ne, %rem3A_705, %ne3A_706 : i32
        %and3A_708 = arith.andi %ne3A_704, %ne3A_707 : i1
        %sub3A_709 = arith.constant 1 : i32
        %sub3A_710 = arith.subi %div3A_689, %sub3A_709 : i32
        %select_n3A_711 = arith.select %and3A_708, %sub3A_710, %div3A_689 : i32
        %jit3A_712 = arith.constant 8 : i32
        %eq3A_713 = arith.constant 0 : i32
        %eq3A_714 = arith.cmpi eq, %jit3A_712, %eq3A_713 : i32
        %jit3A_715 = arith.constant 1 : i32
        %select_n3A_716 = arith.select %eq3A_714, %jit3A_715, %jit3A_712 : i32
        %rem3A_717 = arith.remsi %add3A_642, %select_n3A_716 : i32
        %ne3A_718 = arith.constant 0 : i32
        %ne3A_719 = arith.cmpi ne, %rem3A_717, %ne3A_718 : i32
        %lt3A_720 = arith.constant 0 : i32
        %lt3A_721 = arith.cmpi slt, %rem3A_717, %lt3A_720 : i32
        %lt3A_722 = arith.constant 0 : i32
        %lt3A_723 = arith.cmpi slt, %select_n3A_716, %lt3A_722 : i32
        %ne3A_724 = arith.xori %lt3A_721, %lt3A_723 : i1
        %and3A_725 = arith.andi %ne3A_724, %ne3A_719 : i1
        %add3A_726 = arith.addi %rem3A_717, %select_n3A_716 : i32
        %select_n3A_727 = arith.select %and3A_725, %add3A_726, %rem3A_717 : i32
        %mul3A_728 = arith.constant 16 : i32
        %mul3A_729 = arith.muli %select_n3A_727, %mul3A_728 : i32
        %get3A_730 = arith.index_cast %select_n3A_711 : i32 to index
        %get3A_731 = arith.index_cast %mul3A_729 : i32 to index
        %get3A_732 = tpu.vector_load %arg12[%get3A_730, %get3A_731] {strides = array<i32>} : memref<8x128xf32, #tpu.memory_space<vmem>>, vector<16xf32>,
        %sub3A_733 = arith.subf %get3A_732, %get3A_687 : vector<16xf32>
        %lt3A_734 = arith.constant 0.000000e+00 : f32
        %lt3A_735 = vector.broadcast %lt3A_734 : f32 to vector<16xf32>
        %lt3A_736 = arith.cmpf olt, %sub3A_733, %lt3A_735 : vector<16xf32>
        %jit3A_737 = arith.constant 6.28318548 : f32
        %jit3A_738 = arith.constant 0.000000e+00 : f32
        %broadcast_in_dim3A_739 = vector.broadcast %jit3A_737 : f32 to vector<16xf32>
        %broadcast_in_dim3A_740 = vector.broadcast %jit3A_738 : f32 to vector<16xf32>
        %select_n3A_741 = arith.select %lt3A_736, %broadcast_in_dim3A_739, %broadcast_in_dim3A_740 : vector<16xi1>, vector<16xf32>
        %add3A_742 = arith.addf %sub3A_733, %select_n3A_741 : vector<16xf32>
        %mul3A_743 = arith.constant 5215.18896 : f32
        %mul3A_744 = vector.broadcast %mul3A_743 : f32 to vector<16xf32>
        %mul3A_745 = arith.mulf %add3A_742, %mul3A_744 : vector<16xf32>
        %convert_element_type3A_746 = arith.fptosi %mul3A_745 : vector<16xf32> to vector<16xi32>
        %jit3A_747 = arith.constant 0 : i32
        %jit3A_748 = arith.constant 32767 : i32
        %max3A_749 = vector.broadcast %jit3A_747 : i32 to vector<16xi32>
        %max3A_750 = arith.maxsi %max3A_749, %convert_element_type3A_746 : vector<16xi32>
        %min3A_751 = vector.broadcast %jit3A_748 : i32 to vector<16xi32>
        %min3A_752 = arith.minsi %min3A_751, %max3A_750 : vector<16xi32>
        %convert_element_type3A_753 = arith.sitofp %min3A_752 : vector<16xi32> to vector<16xf32>
        %sub3A_754 = arith.subf %mul3A_745, %convert_element_type3A_753 : vector<16xf32>
        %gather3A_755 = tpu.vector_load_idx %arg7[%min3A_752] : memref<34816xf32, #tpu.memory_space<vmem>>[vector<16xi32>], vector<16xf32>,
        %add3A_756 = arith.constant 1 : i32
        %add3A_757 = vector.broadcast %add3A_756 : i32 to vector<16xi32>
        %add3A_758 = arith.addi %min3A_752, %add3A_757 : vector<16xi32>
        %gather3A_759 = tpu.vector_load_idx %arg7[%add3A_758] : memref<34816xf32, #tpu.memory_space<vmem>>[vector<16xi32>], vector<16xf32>,
        %sub3A_760 = arith.subf %gather3A_759, %gather3A_755 : vector<16xf32>
        %mul3A_761 = arith.mulf %sub3A_754, %sub3A_760 : vector<16xf32>
        %add3A_762 = arith.addf %gather3A_755, %mul3A_761 : vector<16xf32>
        %jit3A_763 = arith.constant 8 : i32
        %div3A_764 = arith.divsi %add3A_642, %jit3A_763 : i32
        %sign3A_765 = arith.constant 0 : i32
        %sign3A_766 = arith.cmpi sgt, %add3A_642, %sign3A_765 : i32
        %sign3A_767 = arith.extui %sign3A_766 : i1 to i32
        %sign3A_768 = arith.constant 0 : i32
        %sign3A_769 = arith.cmpi slt, %add3A_642, %sign3A_768 : i32
        %sign3A_770 = arith.extui %sign3A_769 : i1 to i32
        %sign3A_771 = arith.subi %sign3A_767, %sign3A_770 : i32
        %sign3A_772 = arith.constant 0 : i32
        %sign3A_773 = arith.cmpi sgt, %jit3A_763, %sign3A_772 : i32
        %sign3A_774 = arith.extui %sign3A_773 : i1 to i32
        %sign3A_775 = arith.constant 0 : i32
        %sign3A_776 = arith.cmpi slt, %jit3A_763, %sign3A_775 : i32
        %sign3A_777 = arith.extui %sign3A_776 : i1 to i32
        %sign3A_778 = arith.subi %sign3A_774, %sign3A_777 : i32
        %ne3A_779 = arith.cmpi ne, %sign3A_771, %sign3A_778 : i32
        %rem3A_780 = arith.remsi %add3A_642, %jit3A_763 : i32
        %ne3A_781 = arith.constant 0 : i32
        %ne3A_782 = arith.cmpi ne, %rem3A_780, %ne3A_781 : i32
        %and3A_783 = arith.andi %ne3A_779, %ne3A_782 : i1
        %sub3A_784 = arith.constant 1 : i32
        %sub3A_785 = arith.subi %div3A_764, %sub3A_784 : i32
        %select_n3A_786 = arith.select %and3A_783, %sub3A_785, %div3A_764 : i32
        %jit3A_787 = arith.constant 8 : i32
        %eq3A_788 = arith.constant 0 : i32
        %eq3A_789 = arith.cmpi eq, %jit3A_787, %eq3A_788 : i32
        %jit3A_790 = arith.constant 1 : i32
        %select_n3A_791 = arith.select %eq3A_789, %jit3A_790, %jit3A_787 : i32
        %rem3A_792 = arith.remsi %add3A_642, %select_n3A_791 : i32
        %ne3A_793 = arith.constant 0 : i32
        %ne3A_794 = arith.cmpi ne, %rem3A_792, %ne3A_793 : i32
        %lt3A_795 = arith.constant 0 : i32
        %lt3A_796 = arith.cmpi slt, %rem3A_792, %lt3A_795 : i32
        %lt3A_797 = arith.constant 0 : i32
        %lt3A_798 = arith.cmpi slt, %select_n3A_791, %lt3A_797 : i32
        %ne3A_799 = arith.xori %lt3A_796, %lt3A_798 : i1
        %and3A_800 = arith.andi %ne3A_799, %ne3A_794 : i1
        %add3A_801 = arith.addi %rem3A_792, %select_n3A_791 : i32
        %select_n3A_802 = arith.select %and3A_800, %add3A_801, %rem3A_792 : i32
        %mul3A_803 = arith.constant 16 : i32
        %mul3A_804 = arith.muli %select_n3A_802, %mul3A_803 : i32
        %swap3A_805 = arith.index_cast %rem3A_60 : i32 to index
        %swap3A_806 = arith.index_cast %select_n3A_786 : i32 to index
        %swap3A_807 = arith.index_cast %mul3A_804 : i32 to index
        %swap3A_808 = tpu.vector_load %arg10[%swap3A_805, %swap3A_806, %swap3A_807] {strides = array<i32>} : memref<2x8x128xf32, #tpu.memory_space<vmem>>, vector<16xf32>,
        tpu.vector_store %arg10[%swap3A_805, %swap3A_806, %swap3A_807], %add3A_762 {strides = array<i32>} : memref<2x8x128xf32, #tpu.memory_space<vmem>>, vector<16xf32>,
      }
      %scan3A_122 = arith.constant 16 : i32
      %scan3A_123 = arith.constant 0 : i32
      %scan3A_124 = arith.constant 0 : i32
      %scan3A_125 = arith.constant 8 : i32
      %scan3A_126 = arith.addi %scan3A_124, %scan3A_125 : i32
      %scan3A_127 = arith.constant 1 : i32
      scf.for %scan3A_135 = %scan3A_124 to %scan3A_126 step %scan3A_127  : i32 {
        %dma_start3A = arith.constant 0 : i32
        %dma_start3A_136 = tpu.memref_slice %arg10[%rem3A_60, %scan3A_135, %dma_start3A] : memref<2x8x128xf32, #tpu.memory_space<vmem>> -> memref<1x1x128xf32, #tpu.memory_space<vmem>>
        %dma_start3A_137 = tpu.memref_squeeze %dma_start3A_136 : memref<1x1x128xf32, #tpu.memory_space<vmem>> -> memref<128xf32, #tpu.memory_space<vmem>>
        %dma_start3A_138 = arith.constant 0 : i32
        %dma_start3A_139 = tpu.memref_slice %arg9[%rem3A_60, %scan3A_135, %dma_start3A_138] : memref<2x8x128xi32, #tpu.memory_space<vmem>> -> memref<1x1x128xi32, #tpu.memory_space<vmem>>
        %dma_start3A_140 = tpu.memref_squeeze %dma_start3A_139 : memref<1x1x128xi32, #tpu.memory_space<vmem>> -> memref<128xi32, #tpu.memory_space<vmem>>
        %dma_start3A_141 = arith.constant 0 : i32
        %dma_start3A_142 = tpu.memref_slice %arg17[%dma_start3A_141] : memref<102400xf32, #tpu.memory_space<vmem_shared>> -> memref<102400xf32, #tpu.memory_space<vmem_shared>>
        tpu.enqueue_indirect_dma source(%dma_start3A_137 : memref<128xf32, #tpu.memory_space<vmem>>) target(%dma_start3A_142 : memref<102400xf32, #tpu.memory_space<vmem_shared>>) offsets(%dma_start3A_140 : memref<128xi32, #tpu.memory_space<vmem>>) semaphore(%arg19 : memref<!tpu.dma_semaphore, #tpu.memory_space<semaphore_mem>>) {add = true}
        %dma_start3A_143 = arith.constant 0 : i32
        %dma_start3A_144 = arith.constant 0 : i32
        %dma_start3A_145 = tpu.memref_slice %arg13[%dma_start3A_143, %dma_start3A_144] : memref<1x128xf32, #tpu.memory_space<vmem>> -> memref<1x128xf32, #tpu.memory_space<vmem>>
        %dma_start3A_146 = tpu.memref_squeeze %dma_start3A_145 : memref<1x128xf32, #tpu.memory_space<vmem>> -> memref<128xf32, #tpu.memory_space<vmem>>
        %dma_start3A_147 = arith.constant 0 : i32
        %dma_start3A_148 = tpu.memref_slice %arg9[%rem3A_60, %scan3A_135, %dma_start3A_147] : memref<2x8x128xi32, #tpu.memory_space<vmem>> -> memref<1x1x128xi32, #tpu.memory_space<vmem>>
        %dma_start3A_149 = tpu.memref_squeeze %dma_start3A_148 : memref<1x1x128xi32, #tpu.memory_space<vmem>> -> memref<128xi32, #tpu.memory_space<vmem>>
        %dma_start3A_150 = arith.constant 0 : i32
        %dma_start3A_151 = tpu.memref_slice %arg18[%dma_start3A_150] : memref<102400xf32, #tpu.memory_space<vmem_shared>> -> memref<102400xf32, #tpu.memory_space<vmem_shared>>
        tpu.enqueue_indirect_dma source(%dma_start3A_146 : memref<128xf32, #tpu.memory_space<vmem>>) target(%dma_start3A_151 : memref<102400xf32, #tpu.memory_space<vmem_shared>>) offsets(%dma_start3A_149 : memref<128xi32, #tpu.memory_space<vmem>>) semaphore(%arg19 : memref<!tpu.dma_semaphore, #tpu.memory_space<semaphore_mem>>) {add = true}
      }
      %scan3A_128 = arith.constant 8 : i32
      %scan3A_129 = arith.constant 0 : i32
      %scan3A_130 = arith.constant 0 : i32
      %scan3A_131 = arith.constant 8 : i32
      %scan3A_132 = arith.addi %scan3A_130, %scan3A_131 : i32
      %scan3A_133 = arith.constant 1 : i32
      scf.for %scan3A_135 = %scan3A_130 to %scan3A_132 step %scan3A_133  : i32 {
        %dma_wait3A_136 = arith.constant 0 : i32
        %dma_wait3A_137 = tpu.memref_slice %arg10[%rem3A_60, %scan3A_135, %dma_wait3A_136] : memref<2x8x128xf32, #tpu.memory_space<vmem>> -> memref<1x1x128xf32, #tpu.memory_space<vmem>>
        %dma_wait3A_138 = tpu.memref_squeeze %dma_wait3A_137 : memref<1x1x128xf32, #tpu.memory_space<vmem>> -> memref<128xf32, #tpu.memory_space<vmem>>
        %dma_wait3A_139 = arith.constant 0 : i32
        %dma_wait3A_140 = tpu.memref_slice %arg9[%rem3A_60, %scan3A_135, %dma_wait3A_139] : memref<2x8x128xi32, #tpu.memory_space<vmem>> -> memref<1x1x128xi32, #tpu.memory_space<vmem>>
        %dma_wait3A_141 = tpu.memref_squeeze %dma_wait3A_140 : memref<1x1x128xi32, #tpu.memory_space<vmem>> -> memref<128xi32, #tpu.memory_space<vmem>>
        %dma_wait3A_142 = arith.constant 0 : i32
        %dma_wait3A_143 = tpu.memref_slice %arg17[%dma_wait3A_142] : memref<102400xf32, #tpu.memory_space<vmem_shared>> -> memref<102400xf32, #tpu.memory_space<vmem_shared>>
        tpu.wait_indirect_dma semaphore(%arg19 : memref<!tpu.dma_semaphore, #tpu.memory_space<semaphore_mem>>) src(%dma_wait3A_138 : memref<128xf32, #tpu.memory_space<vmem>>) dst(%dma_wait3A_143 : memref<102400xf32, #tpu.memory_space<vmem_shared>>)
        %dma_wait3A_144 = arith.constant 0 : i32
        %dma_wait3A_145 = arith.constant 0 : i32
        %dma_wait3A_146 = tpu.memref_slice %arg13[%dma_wait3A_144, %dma_wait3A_145] : memref<1x128xf32, #tpu.memory_space<vmem>> -> memref<1x128xf32, #tpu.memory_space<vmem>>
        %dma_wait3A_147 = tpu.memref_squeeze %dma_wait3A_146 : memref<1x128xf32, #tpu.memory_space<vmem>> -> memref<128xf32, #tpu.memory_space<vmem>>
        %dma_wait3A_148 = arith.constant 0 : i32
        %dma_wait3A_149 = tpu.memref_slice %arg9[%rem3A_60, %scan3A_135, %dma_wait3A_148] : memref<2x8x128xi32, #tpu.memory_space<vmem>> -> memref<1x1x128xi32, #tpu.memory_space<vmem>>
        %dma_wait3A_150 = tpu.memref_squeeze %dma_wait3A_149 : memref<1x1x128xi32, #tpu.memory_space<vmem>> -> memref<128xi32, #tpu.memory_space<vmem>>
        %dma_wait3A_151 = arith.constant 0 : i32
        %dma_wait3A_152 = tpu.memref_slice %arg18[%dma_wait3A_151] : memref<102400xf32, #tpu.memory_space<vmem_shared>> -> memref<102400xf32, #tpu.memory_space<vmem_shared>>
        tpu.wait_indirect_dma semaphore(%arg19 : memref<!tpu.dma_semaphore, #tpu.memory_space<semaphore_mem>>) src(%dma_wait3A_147 : memref<128xf32, #tpu.memory_space<vmem>>) dst(%dma_wait3A_152 : memref<102400xf32, #tpu.memory_space<vmem_shared>>)
      }
      %scan3A_134 = arith.constant 8 : i32
    }
    %while3A_54 = arith.constant 1 : i32
    scf.for %while3A_58 = %while3A_52 to %while3A_48 step %while3A_54  : i32 {
      %rem3A_59 = arith.constant 2 : i32
      %rem3A_60 = arith.remsi %while3A_58, %rem3A_59 : i32
      %mul3A_61 = arith.constant 32 : i32
      %mul3A_62 = arith.muli %while3A_58, %mul3A_61 : i32
      %add3A_63 = arith.addi %add3A, %mul3A_62 : i32
      %mul3A_64 = arith.constant 8 : i32
      %mul3A_65 = arith.muli %add3A_63, %mul3A_64 : i32
      %dma_wait3A = arith.constant 0 : i32
      %dma_wait3A_66 = arith.constant 0 : i32
      %dma_wait3A_67 = arith.constant 0 : i32
      %dma_wait3A_68 = tpu.memref_slice %arg8[%rem3A_60, %dma_wait3A_66, %dma_wait3A_67] : memref<2x8x128xi32, #tpu.memory_space<vmem>> -> memref<1x8x128xi32, #tpu.memory_space<vmem>>
      %dma_wait3A_69 = tpu.memref_squeeze %dma_wait3A_68 : memref<1x8x128xi32, #tpu.memory_space<vmem>> -> memref<8x128xi32, #tpu.memory_space<vmem>>
      %dma_wait3A_70 = arith.constant 0 : i32
      %dma_wait3A_71 = tpu.memref_slice %arg3[%dma_wait3A, %mul3A_65, %dma_wait3A_70] : memref<2x25000x128xi32, #tpu.memory_space<hbm>> -> memref<1x8x128xi32, #tpu.memory_space<hbm>>
      %dma_wait3A_72 = tpu.memref_squeeze %dma_wait3A_71 : memref<1x8x128xi32, #tpu.memory_space<hbm>> -> memref<8x128xi32, #tpu.memory_space<hbm>>
      %dma_wait3A_73 = arith.constant 0 : i32
      %dma_wait3A_74 = arith.constant 0 : i32
      %dma_wait3A_75 = tpu.memref_slice %arg8[%rem3A_60, %dma_wait3A_73, %dma_wait3A_74] : memref<2x8x128xi32, #tpu.memory_space<vmem>> -> memref<1x8x128xi32, #tpu.memory_space<vmem>>
      %dma_wait3A_76 = tpu.memref_squeeze %dma_wait3A_75 : memref<1x8x128xi32, #tpu.memory_space<vmem>> -> memref<8x128xi32, #tpu.memory_space<vmem>>
      %dma_wait3A_77 = arith.constant 0 : i32
      %dma_wait3A_78 = tpu.memref_slice %arg3[%dma_wait3A, %mul3A_65, %dma_wait3A_77] : memref<2x25000x128xi32, #tpu.memory_space<hbm>> -> memref<1x8x128xi32, #tpu.memory_space<hbm>>
      %dma_wait3A_79 = tpu.memref_squeeze %dma_wait3A_78 : memref<1x8x128xi32, #tpu.memory_space<hbm>> -> memref<8x128xi32, #tpu.memory_space<hbm>>
      tpu.wait_dma2 semaphore(%arg20 : memref<!tpu.dma_semaphore, #tpu.memory_space<semaphore_mem>>) src(%dma_wait3A_79 : memref<8x128xi32, #tpu.memory_space<hbm>>) dst(%dma_wait3A_76 : memref<8x128xi32, #tpu.memory_space<vmem>>)
      %mul3A_80 = arith.constant 32 : i32
      %mul3A_81 = arith.muli %while3A_58, %mul3A_80 : i32
      %add3A_82 = arith.addi %add3A, %mul3A_81 : i32
      %mul3A_83 = arith.constant 8 : i32
      %mul3A_84 = arith.muli %add3A_82, %mul3A_83 : i32
      %dma_wait3A_85 = arith.constant 1 : i32
      %dma_wait3A_86 = arith.constant 0 : i32
      %dma_wait3A_87 = arith.constant 0 : i32
      %dma_wait3A_88 = tpu.memref_slice %arg9[%rem3A_60, %dma_wait3A_86, %dma_wait3A_87] : memref<2x8x128xi32, #tpu.memory_space<vmem>> -> memref<1x8x128xi32, #tpu.memory_space<vmem>>
      %dma_wait3A_89 = tpu.memref_squeeze %dma_wait3A_88 : memref<1x8x128xi32, #tpu.memory_space<vmem>> -> memref<8x128xi32, #tpu.memory_space<vmem>>
      %dma_wait3A_90 = arith.constant 0 : i32
      %dma_wait3A_91 = tpu.memref_slice %arg3[%dma_wait3A_85, %mul3A_84, %dma_wait3A_90] : memref<2x25000x128xi32, #tpu.memory_space<hbm>> -> memref<1x8x128xi32, #tpu.memory_space<hbm>>
      %dma_wait3A_92 = tpu.memref_squeeze %dma_wait3A_91 : memref<1x8x128xi32, #tpu.memory_space<hbm>> -> memref<8x128xi32, #tpu.memory_space<hbm>>
      %dma_wait3A_93 = arith.constant 0 : i32
      %dma_wait3A_94 = arith.constant 0 : i32
      %dma_wait3A_95 = tpu.memref_slice %arg9[%rem3A_60, %dma_wait3A_93, %dma_wait3A_94] : memref<2x8x128xi32, #tpu.memory_space<vmem>> -> memref<1x8x128xi32, #tpu.memory_space<vmem>>
      %dma_wait3A_96 = tpu.memref_squeeze %dma_wait3A_95 : memref<1x8x128xi32, #tpu.memory_space<vmem>> -> memref<8x128xi32, #tpu.memory_space<vmem>>
      %dma_wait3A_97 = arith.constant 0 : i32
      %dma_wait3A_98 = tpu.memref_slice %arg3[%dma_wait3A_85, %mul3A_84, %dma_wait3A_97] : memref<2x25000x128xi32, #tpu.memory_space<hbm>> -> memref<1x8x128xi32, #tpu.memory_space<hbm>>
      %dma_wait3A_99 = tpu.memref_squeeze %dma_wait3A_98 : memref<1x8x128xi32, #tpu.memory_space<hbm>> -> memref<8x128xi32, #tpu.memory_space<hbm>>
      tpu.wait_dma2 semaphore(%arg20 : memref<!tpu.dma_semaphore, #tpu.memory_space<semaphore_mem>>) src(%dma_wait3A_99 : memref<8x128xi32, #tpu.memory_space<hbm>>) dst(%dma_wait3A_96 : memref<8x128xi32, #tpu.memory_space<vmem>>)
      %add3A_100 = arith.constant 1 : i32
      %add3A_101 = arith.addi %while3A_58, %add3A_100 : i32
      %lt3A = arith.cmpi slt, %add3A_101, %select_n3A : i32
      %convert_element_type3A_102 = arith.extui %lt3A : i1 to i32
      %cond3A_103 = arith.constant 0 : i32
      %cond3A_104 = arith.cmpi ne, %convert_element_type3A_102, %cond3A_103 : i32
      scf.if %cond3A_104 {
        %add3A_135 = arith.constant 1 : i32
        %add3A_136 = arith.addi %while3A_58, %add3A_135 : i32
        %sub3A_137 = arith.constant 1 : i32
        %sub3A_138 = arith.subi %sub3A_137, %rem3A_60 : i32
        %mul3A_139 = arith.constant 32 : i32
        %mul3A_140 = arith.muli %add3A_136, %mul3A_139 : i32
        %add3A_141 = arith.addi %add3A, %mul3A_140 : i32
        %mul3A_142 = arith.constant 8 : i32
        %mul3A_143 = arith.muli %add3A_141, %mul3A_142 : i32
        %dma_start3A = arith.constant 0 : i32
        %dma_start3A_144 = arith.constant 0 : i32
        %dma_start3A_145 = arith.constant 0 : i32
        %dma_start3A_146 = tpu.memref_slice %arg8[%sub3A_138, %dma_start3A_144, %dma_start3A_145] : memref<2x8x128xi32, #tpu.memory_space<vmem>> -> memref<1x8x128xi32, #tpu.memory_space<vmem>>
        %dma_start3A_147 = tpu.memref_squeeze %dma_start3A_146 : memref<1x8x128xi32, #tpu.memory_space<vmem>> -> memref<8x128xi32, #tpu.memory_space<vmem>>
        %dma_start3A_148 = arith.constant 0 : i32
        %dma_start3A_149 = tpu.memref_slice %arg3[%dma_start3A, %mul3A_143, %dma_start3A_148] : memref<2x25000x128xi32, #tpu.memory_space<hbm>> -> memref<1x8x128xi32, #tpu.memory_space<hbm>>
        %dma_start3A_150 = tpu.memref_squeeze %dma_start3A_149 : memref<1x8x128xi32, #tpu.memory_space<hbm>> -> memref<8x128xi32, #tpu.memory_space<hbm>>
        %dma_start3A_151 = arith.constant 0 : i32
        %dma_start3A_152 = arith.constant 0 : i32
        %dma_start3A_153 = tpu.memref_slice %arg8[%sub3A_138, %dma_start3A_151, %dma_start3A_152] : memref<2x8x128xi32, #tpu.memory_space<vmem>> -> memref<1x8x128xi32, #tpu.memory_space<vmem>>
        %dma_start3A_154 = tpu.memref_squeeze %dma_start3A_153 : memref<1x8x128xi32, #tpu.memory_space<vmem>> -> memref<8x128xi32, #tpu.memory_space<vmem>>
        %dma_start3A_155 = arith.constant 0 : i32
        %dma_start3A_156 = tpu.memref_slice %arg3[%dma_start3A, %mul3A_143, %dma_start3A_155] : memref<2x25000x128xi32, #tpu.memory_space<hbm>> -> memref<1x8x128xi32, #tpu.memory_space<hbm>>
        %dma_start3A_157 = tpu.memref_squeeze %dma_start3A_156 : memref<1x8x128xi32, #tpu.memory_space<hbm>> -> memref<8x128xi32, #tpu.memory_space<hbm>>
        tpu.enqueue_dma source(%dma_start3A_157 : memref<8x128xi32, #tpu.memory_space<hbm>>) target(%dma_start3A_154 : memref<8x128xi32, #tpu.memory_space<vmem>>) target_semaphore(%arg20 : memref<!tpu.dma_semaphore, #tpu.memory_space<semaphore_mem>>)
        %dma_start3A_158 = arith.constant 1 : i32
        %dma_start3A_159 = arith.constant 0 : i32
        %dma_start3A_160 = arith.constant 0 : i32
        %dma_start3A_161 = tpu.memref_slice %arg9[%sub3A_138, %dma_start3A_159, %dma_start3A_160] : memref<2x8x128xi32, #tpu.memory_space<vmem>> -> memref<1x8x128xi32, #tpu.memory_space<vmem>>
        %dma_start3A_162 = tpu.memref_squeeze %dma_start3A_161 : memref<1x8x128xi32, #tpu.memory_space<vmem>> -> memref<8x128xi32, #tpu.memory_space<vmem>>
        %dma_start3A_163 = arith.constant 0 : i32
        %dma_start3A_164 = tpu.memref_slice %arg3[%dma_start3A_158, %mul3A_143, %dma_start3A_163] : memref<2x25000x128xi32, #tpu.memory_space<hbm>> -> memref<1x8x128xi32, #tpu.memory_space<hbm>>
        %dma_start3A_165 = tpu.memref_squeeze %dma_start3A_164 : memref<1x8x128xi32, #tpu.memory_space<hbm>> -> memref<8x128xi32, #tpu.memory_space<hbm>>
        %dma_start3A_166 = arith.constant 0 : i32
        %dma_start3A_167 = arith.constant 0 : i32
        %dma_start3A_168 = tpu.memref_slice %arg9[%sub3A_138, %dma_start3A_166, %dma_start3A_167] : memref<2x8x128xi32, #tpu.memory_space<vmem>> -> memref<1x8x128xi32, #tpu.memory_space<vmem>>
        %dma_start3A_169 = tpu.memref_squeeze %dma_start3A_168 : memref<1x8x128xi32, #tpu.memory_space<vmem>> -> memref<8x128xi32, #tpu.memory_space<vmem>>
        %dma_start3A_170 = arith.constant 0 : i32
        %dma_start3A_171 = tpu.memref_slice %arg3[%dma_start3A_158, %mul3A_143, %dma_start3A_170] : memref<2x25000x128xi32, #tpu.memory_space<hbm>> -> memref<1x8x128xi32, #tpu.memory_space<hbm>>
        %dma_start3A_172 = tpu.memref_squeeze %dma_start3A_171 : memref<1x8x128xi32, #tpu.memory_space<hbm>> -> memref<8x128xi32, #tpu.memory_space<hbm>>
        tpu.enqueue_dma source(%dma_start3A_172 : memref<8x128xi32, #tpu.memory_space<hbm>>) target(%dma_start3A_169 : memref<8x128xi32, #tpu.memory_space<vmem>>) target_semaphore(%arg20 : memref<!tpu.dma_semaphore, #tpu.memory_space<semaphore_mem>>)
      } else {
      }
      %scan3A_105 = arith.constant 0 : i32
      %scan3A_106 = arith.constant 0 : i32
      %scan3A_107 = arith.constant 8 : i32
      %scan3A_108 = arith.addi %scan3A_106, %scan3A_107 : i32
      %scan3A_109 = arith.constant 1 : i32
      scf.for %scan3A_135 = %scan3A_106 to %scan3A_108 step %scan3A_109  : i32 {
        %dma_start3A = arith.constant 0 : i32
        %dma_start3A_136 = tpu.memref_slice %arg11[%scan3A_135, %dma_start3A] : memref<8x128xf32, #tpu.memory_space<vmem>> -> memref<1x128xf32, #tpu.memory_space<vmem>>
        %dma_start3A_137 = tpu.memref_squeeze %dma_start3A_136 : memref<1x128xf32, #tpu.memory_space<vmem>> -> memref<128xf32, #tpu.memory_space<vmem>>
        %dma_start3A_138 = arith.constant 0 : i32
        %dma_start3A_139 = tpu.memref_slice %arg8[%rem3A_60, %scan3A_135, %dma_start3A_138] : memref<2x8x128xi32, #tpu.memory_space<vmem>> -> memref<1x1x128xi32, #tpu.memory_space<vmem>>
        %dma_start3A_140 = tpu.memref_squeeze %dma_start3A_139 : memref<1x1x128xi32, #tpu.memory_space<vmem>> -> memref<128xi32, #tpu.memory_space<vmem>>
        %dma_start3A_141 = arith.constant 0 : i32
        %dma_start3A_142 = tpu.memref_slice %arg16[%dma_start3A_141] : memref<100096xf32, #tpu.memory_space<vmem_shared>> -> memref<100096xf32, #tpu.memory_space<vmem_shared>>
        tpu.enqueue_indirect_dma source(%dma_start3A_142 : memref<100096xf32, #tpu.memory_space<vmem_shared>>) target(%dma_start3A_137 : memref<128xf32, #tpu.memory_space<vmem>>) offsets(%dma_start3A_140 : memref<128xi32, #tpu.memory_space<vmem>>) semaphore(%arg21 : memref<!tpu.dma_semaphore, #tpu.memory_space<semaphore_mem>>)
        %dma_start3A_143 = arith.constant 0 : i32
        %dma_start3A_144 = tpu.memref_slice %arg12[%scan3A_135, %dma_start3A_143] : memref<8x128xf32, #tpu.memory_space<vmem>> -> memref<1x128xf32, #tpu.memory_space<vmem>>
        %dma_start3A_145 = tpu.memref_squeeze %dma_start3A_144 : memref<1x128xf32, #tpu.memory_space<vmem>> -> memref<128xf32, #tpu.memory_space<vmem>>
        %dma_start3A_146 = arith.constant 0 : i32
        %dma_start3A_147 = tpu.memref_slice %arg9[%rem3A_60, %scan3A_135, %dma_start3A_146] : memref<2x8x128xi32, #tpu.memory_space<vmem>> -> memref<1x1x128xi32, #tpu.memory_space<vmem>>
        %dma_start3A_148 = tpu.memref_squeeze %dma_start3A_147 : memref<1x1x128xi32, #tpu.memory_space<vmem>> -> memref<128xi32, #tpu.memory_space<vmem>>
        %dma_start3A_149 = arith.constant 0 : i32
        %dma_start3A_150 = tpu.memref_slice %arg16[%dma_start3A_149] : memref<100096xf32, #tpu.memory_space<vmem_shared>> -> memref<100096xf32, #tpu.memory_space<vmem_shared>>
        tpu.enqueue_indirect_dma source(%dma_start3A_150 : memref<100096xf32, #tpu.memory_space<vmem_shared>>) target(%dma_start3A_145 : memref<128xf32, #tpu.memory_space<vmem>>) offsets(%dma_start3A_148 : memref<128xi32, #tpu.memory_space<vmem>>) semaphore(%arg21 : memref<!tpu.dma_semaphore, #tpu.memory_space<semaphore_mem>>)
      }
      %scan3A_110 = arith.constant 8 : i32
      %scan3A_111 = arith.constant 0 : i32
      %scan3A_112 = arith.constant 0 : i32
      %scan3A_113 = arith.constant 8 : i32
      %scan3A_114 = arith.addi %scan3A_112, %scan3A_113 : i32
      %scan3A_115 = arith.constant 1 : i32
      scf.for %scan3A_135 = %scan3A_112 to %scan3A_114 step %scan3A_115  : i32 {
        %dma_wait3A_136 = arith.constant 0 : i32
        %dma_wait3A_137 = tpu.memref_slice %arg11[%scan3A_135, %dma_wait3A_136] : memref<8x128xf32, #tpu.memory_space<vmem>> -> memref<1x128xf32, #tpu.memory_space<vmem>>
        %dma_wait3A_138 = tpu.memref_squeeze %dma_wait3A_137 : memref<1x128xf32, #tpu.memory_space<vmem>> -> memref<128xf32, #tpu.memory_space<vmem>>
        %dma_wait3A_139 = arith.constant 0 : i32
        %dma_wait3A_140 = tpu.memref_slice %arg8[%rem3A_60, %scan3A_135, %dma_wait3A_139] : memref<2x8x128xi32, #tpu.memory_space<vmem>> -> memref<1x1x128xi32, #tpu.memory_space<vmem>>
        %dma_wait3A_141 = tpu.memref_squeeze %dma_wait3A_140 : memref<1x1x128xi32, #tpu.memory_space<vmem>> -> memref<128xi32, #tpu.memory_space<vmem>>
        %dma_wait3A_142 = arith.constant 0 : i32
        %dma_wait3A_143 = tpu.memref_slice %arg16[%dma_wait3A_142] : memref<100096xf32, #tpu.memory_space<vmem_shared>> -> memref<100096xf32, #tpu.memory_space<vmem_shared>>
        tpu.wait_indirect_dma semaphore(%arg21 : memref<!tpu.dma_semaphore, #tpu.memory_space<semaphore_mem>>) src(%dma_wait3A_143 : memref<100096xf32, #tpu.memory_space<vmem_shared>>) dst(%dma_wait3A_138 : memref<128xf32, #tpu.memory_space<vmem>>)
        %dma_wait3A_144 = arith.constant 0 : i32
        %dma_wait3A_145 = tpu.memref_slice %arg12[%scan3A_135, %dma_wait3A_144] : memref<8x128xf32, #tpu.memory_space<vmem>> -> memref<1x128xf32, #tpu.memory_space<vmem>>
        %dma_wait3A_146 = tpu.memref_squeeze %dma_wait3A_145 : memref<1x128xf32, #tpu.memory_space<vmem>> -> memref<128xf32, #tpu.memory_space<vmem>>
        %dma_wait3A_147 = arith.constant 0 : i32
        %dma_wait3A_148 = tpu.memref_slice %arg9[%rem3A_60, %scan3A_135, %dma_wait3A_147] : memref<2x8x128xi32, #tpu.memory_space<vmem>> -> memref<1x1x128xi32, #tpu.memory_space<vmem>>
        %dma_wait3A_149 = tpu.memref_squeeze %dma_wait3A_148 : memref<1x1x128xi32, #tpu.memory_space<vmem>> -> memref<128xi32, #tpu.memory_space<vmem>>
        %dma_wait3A_150 = arith.constant 0 : i32
        %dma_wait3A_151 = tpu.memref_slice %arg16[%dma_wait3A_150] : memref<100096xf32, #tpu.memory_space<vmem_shared>> -> memref<100096xf32, #tpu.memory_space<vmem_shared>>
        tpu.wait_indirect_dma semaphore(%arg21 : memref<!tpu.dma_semaphore, #tpu.memory_space<semaphore_mem>>) src(%dma_wait3A_151 : memref<100096xf32, #tpu.memory_space<vmem_shared>>) dst(%dma_wait3A_146 : memref<128xf32, #tpu.memory_space<vmem>>)
      }
      %scan3A_116 = arith.constant 8 : i32
      %scan3A_117 = arith.constant 0 : i32
      %scan3A_118 = arith.constant 0 : i32
      %scan3A_119 = arith.constant 16 : i32
      %scan3A_120 = arith.addi %scan3A_118, %scan3A_119 : i32
      %scan3A_121 = arith.constant 1 : i32
      scf.for %scan3A_135 = %scan3A_118 to %scan3A_120 step %scan3A_121  : i32 {
        %mul3A_136 = arith.constant 4 : i32
        %mul3A_137 = arith.muli %scan3A_135, %mul3A_136 : i32
        %add3A_138 = arith.constant 0 : i32
        %add3A_139 = arith.addi %mul3A_137, %add3A_138 : i32
        %jit3A_140 = arith.constant 8 : i32
        %div3A_141 = arith.divsi %add3A_139, %jit3A_140 : i32
        %sign3A_142 = arith.constant 0 : i32
        %sign3A_143 = arith.cmpi sgt, %add3A_139, %sign3A_142 : i32
        %sign3A_144 = arith.extui %sign3A_143 : i1 to i32
        %sign3A_145 = arith.constant 0 : i32
        %sign3A_146 = arith.cmpi slt, %add3A_139, %sign3A_145 : i32
        %sign3A_147 = arith.extui %sign3A_146 : i1 to i32
        %sign3A_148 = arith.subi %sign3A_144, %sign3A_147 : i32
        %sign3A_149 = arith.constant 0 : i32
        %sign3A_150 = arith.cmpi sgt, %jit3A_140, %sign3A_149 : i32
        %sign3A_151 = arith.extui %sign3A_150 : i1 to i32
        %sign3A_152 = arith.constant 0 : i32
        %sign3A_153 = arith.cmpi slt, %jit3A_140, %sign3A_152 : i32
        %sign3A_154 = arith.extui %sign3A_153 : i1 to i32
        %sign3A_155 = arith.subi %sign3A_151, %sign3A_154 : i32
        %ne3A_156 = arith.cmpi ne, %sign3A_148, %sign3A_155 : i32
        %rem3A_157 = arith.remsi %add3A_139, %jit3A_140 : i32
        %ne3A_158 = arith.constant 0 : i32
        %ne3A_159 = arith.cmpi ne, %rem3A_157, %ne3A_158 : i32
        %and3A_160 = arith.andi %ne3A_156, %ne3A_159 : i1
        %sub3A_161 = arith.constant 1 : i32
        %sub3A_162 = arith.subi %div3A_141, %sub3A_161 : i32
        %select_n3A_163 = arith.select %and3A_160, %sub3A_162, %div3A_141 : i32
        %jit3A_164 = arith.constant 8 : i32
        %eq3A = arith.constant 0 : i32
        %eq3A_165 = arith.cmpi eq, %jit3A_164, %eq3A : i32
        %jit3A_166 = arith.constant 1 : i32
        %select_n3A_167 = arith.select %eq3A_165, %jit3A_166, %jit3A_164 : i32
        %rem3A_168 = arith.remsi %add3A_139, %select_n3A_167 : i32
        %ne3A_169 = arith.constant 0 : i32
        %ne3A_170 = arith.cmpi ne, %rem3A_168, %ne3A_169 : i32
        %lt3A_171 = arith.constant 0 : i32
        %lt3A_172 = arith.cmpi slt, %rem3A_168, %lt3A_171 : i32
        %lt3A_173 = arith.constant 0 : i32
        %lt3A_174 = arith.cmpi slt, %select_n3A_167, %lt3A_173 : i32
        %ne3A_175 = arith.xori %lt3A_172, %lt3A_174 : i1
        %and3A_176 = arith.andi %ne3A_175, %ne3A_170 : i1
        %add3A_177 = arith.addi %rem3A_168, %select_n3A_167 : i32
        %select_n3A_178 = arith.select %and3A_176, %add3A_177, %rem3A_168 : i32
        %mul3A_179 = arith.constant 16 : i32
        %mul3A_180 = arith.muli %select_n3A_178, %mul3A_179 : i32
        %get3A = arith.index_cast %select_n3A_163 : i32 to index
        %get3A_181 = arith.index_cast %mul3A_180 : i32 to index
        %get3A_182 = tpu.vector_load %arg11[%get3A, %get3A_181] {strides = array<i32>} : memref<8x128xf32, #tpu.memory_space<vmem>>, vector<16xf32>,
        %jit3A_183 = arith.constant 8 : i32
        %div3A_184 = arith.divsi %add3A_139, %jit3A_183 : i32
        %sign3A_185 = arith.constant 0 : i32
        %sign3A_186 = arith.cmpi sgt, %add3A_139, %sign3A_185 : i32
        %sign3A_187 = arith.extui %sign3A_186 : i1 to i32
        %sign3A_188 = arith.constant 0 : i32
        %sign3A_189 = arith.cmpi slt, %add3A_139, %sign3A_188 : i32
        %sign3A_190 = arith.extui %sign3A_189 : i1 to i32
        %sign3A_191 = arith.subi %sign3A_187, %sign3A_190 : i32
        %sign3A_192 = arith.constant 0 : i32
        %sign3A_193 = arith.cmpi sgt, %jit3A_183, %sign3A_192 : i32
        %sign3A_194 = arith.extui %sign3A_193 : i1 to i32
        %sign3A_195 = arith.constant 0 : i32
        %sign3A_196 = arith.cmpi slt, %jit3A_183, %sign3A_195 : i32
        %sign3A_197 = arith.extui %sign3A_196 : i1 to i32
        %sign3A_198 = arith.subi %sign3A_194, %sign3A_197 : i32
        %ne3A_199 = arith.cmpi ne, %sign3A_191, %sign3A_198 : i32
        %rem3A_200 = arith.remsi %add3A_139, %jit3A_183 : i32
        %ne3A_201 = arith.constant 0 : i32
        %ne3A_202 = arith.cmpi ne, %rem3A_200, %ne3A_201 : i32
        %and3A_203 = arith.andi %ne3A_199, %ne3A_202 : i1
        %sub3A_204 = arith.constant 1 : i32
        %sub3A_205 = arith.subi %div3A_184, %sub3A_204 : i32
        %select_n3A_206 = arith.select %and3A_203, %sub3A_205, %div3A_184 : i32
        %jit3A_207 = arith.constant 8 : i32
        %eq3A_208 = arith.constant 0 : i32
        %eq3A_209 = arith.cmpi eq, %jit3A_207, %eq3A_208 : i32
        %jit3A_210 = arith.constant 1 : i32
        %select_n3A_211 = arith.select %eq3A_209, %jit3A_210, %jit3A_207 : i32
        %rem3A_212 = arith.remsi %add3A_139, %select_n3A_211 : i32
        %ne3A_213 = arith.constant 0 : i32
        %ne3A_214 = arith.cmpi ne, %rem3A_212, %ne3A_213 : i32
        %lt3A_215 = arith.constant 0 : i32
        %lt3A_216 = arith.cmpi slt, %rem3A_212, %lt3A_215 : i32
        %lt3A_217 = arith.constant 0 : i32
        %lt3A_218 = arith.cmpi slt, %select_n3A_211, %lt3A_217 : i32
        %ne3A_219 = arith.xori %lt3A_216, %lt3A_218 : i1
        %and3A_220 = arith.andi %ne3A_219, %ne3A_214 : i1
        %add3A_221 = arith.addi %rem3A_212, %select_n3A_211 : i32
        %select_n3A_222 = arith.select %and3A_220, %add3A_221, %rem3A_212 : i32
        %mul3A_223 = arith.constant 16 : i32
        %mul3A_224 = arith.muli %select_n3A_222, %mul3A_223 : i32
        %get3A_225 = arith.index_cast %select_n3A_206 : i32 to index
        %get3A_226 = arith.index_cast %mul3A_224 : i32 to index
        %get3A_227 = tpu.vector_load %arg12[%get3A_225, %get3A_226] {strides = array<i32>} : memref<8x128xf32, #tpu.memory_space<vmem>>, vector<16xf32>,
        %sub3A_228 = arith.subf %get3A_227, %get3A_182 : vector<16xf32>
        %lt3A_229 = arith.constant 0.000000e+00 : f32
        %lt3A_230 = vector.broadcast %lt3A_229 : f32 to vector<16xf32>
        %lt3A_231 = arith.cmpf olt, %sub3A_228, %lt3A_230 : vector<16xf32>
        %jit3A_232 = arith.constant 6.28318548 : f32
        %jit3A_233 = arith.constant 0.000000e+00 : f32
        %broadcast_in_dim3A = vector.broadcast %jit3A_232 : f32 to vector<16xf32>
        %broadcast_in_dim3A_234 = vector.broadcast %jit3A_233 : f32 to vector<16xf32>
        %select_n3A_235 = arith.select %lt3A_231, %broadcast_in_dim3A, %broadcast_in_dim3A_234 : vector<16xi1>, vector<16xf32>
        %add3A_236 = arith.addf %sub3A_228, %select_n3A_235 : vector<16xf32>
        %mul3A_237 = arith.constant 5215.18896 : f32
        %mul3A_238 = vector.broadcast %mul3A_237 : f32 to vector<16xf32>
        %mul3A_239 = arith.mulf %add3A_236, %mul3A_238 : vector<16xf32>
        %convert_element_type3A_240 = arith.fptosi %mul3A_239 : vector<16xf32> to vector<16xi32>
        %jit3A_241 = arith.constant 0 : i32
        %jit3A_242 = arith.constant 32767 : i32
        %max3A = vector.broadcast %jit3A_241 : i32 to vector<16xi32>
        %max3A_243 = arith.maxsi %max3A, %convert_element_type3A_240 : vector<16xi32>
        %min3A = vector.broadcast %jit3A_242 : i32 to vector<16xi32>
        %min3A_244 = arith.minsi %min3A, %max3A_243 : vector<16xi32>
        %convert_element_type3A_245 = arith.sitofp %min3A_244 : vector<16xi32> to vector<16xf32>
        %sub3A_246 = arith.subf %mul3A_239, %convert_element_type3A_245 : vector<16xf32>
        %gather3A = tpu.vector_load_idx %arg7[%min3A_244] : memref<34816xf32, #tpu.memory_space<vmem>>[vector<16xi32>], vector<16xf32>,
        %add3A_247 = arith.constant 1 : i32
        %add3A_248 = vector.broadcast %add3A_247 : i32 to vector<16xi32>
        %add3A_249 = arith.addi %min3A_244, %add3A_248 : vector<16xi32>
        %gather3A_250 = tpu.vector_load_idx %arg7[%add3A_249] : memref<34816xf32, #tpu.memory_space<vmem>>[vector<16xi32>], vector<16xf32>,
        %sub3A_251 = arith.subf %gather3A_250, %gather3A : vector<16xf32>
        %mul3A_252 = arith.mulf %sub3A_246, %sub3A_251 : vector<16xf32>
        %add3A_253 = arith.addf %gather3A, %mul3A_252 : vector<16xf32>
        %jit3A_254 = arith.constant 8 : i32
        %div3A_255 = arith.divsi %add3A_139, %jit3A_254 : i32
        %sign3A_256 = arith.constant 0 : i32
        %sign3A_257 = arith.cmpi sgt, %add3A_139, %sign3A_256 : i32
        %sign3A_258 = arith.extui %sign3A_257 : i1 to i32
        %sign3A_259 = arith.constant 0 : i32
        %sign3A_260 = arith.cmpi slt, %add3A_139, %sign3A_259 : i32
        %sign3A_261 = arith.extui %sign3A_260 : i1 to i32
        %sign3A_262 = arith.subi %sign3A_258, %sign3A_261 : i32
        %sign3A_263 = arith.constant 0 : i32
        %sign3A_264 = arith.cmpi sgt, %jit3A_254, %sign3A_263 : i32
        %sign3A_265 = arith.extui %sign3A_264 : i1 to i32
        %sign3A_266 = arith.constant 0 : i32
        %sign3A_267 = arith.cmpi slt, %jit3A_254, %sign3A_266 : i32
        %sign3A_268 = arith.extui %sign3A_267 : i1 to i32
        %sign3A_269 = arith.subi %sign3A_265, %sign3A_268 : i32
        %ne3A_270 = arith.cmpi ne, %sign3A_262, %sign3A_269 : i32
        %rem3A_271 = arith.remsi %add3A_139, %jit3A_254 : i32
        %ne3A_272 = arith.constant 0 : i32
        %ne3A_273 = arith.cmpi ne, %rem3A_271, %ne3A_272 : i32
        %and3A_274 = arith.andi %ne3A_270, %ne3A_273 : i1
        %sub3A_275 = arith.constant 1 : i32
        %sub3A_276 = arith.subi %div3A_255, %sub3A_275 : i32
        %select_n3A_277 = arith.select %and3A_274, %sub3A_276, %div3A_255 : i32
        %jit3A_278 = arith.constant 8 : i32
        %eq3A_279 = arith.constant 0 : i32
        %eq3A_280 = arith.cmpi eq, %jit3A_278, %eq3A_279 : i32
        %jit3A_281 = arith.constant 1 : i32
        %select_n3A_282 = arith.select %eq3A_280, %jit3A_281, %jit3A_278 : i32
        %rem3A_283 = arith.remsi %add3A_139, %select_n3A_282 : i32
        %ne3A_284 = arith.constant 0 : i32
        %ne3A_285 = arith.cmpi ne, %rem3A_283, %ne3A_284 : i32
        %lt3A_286 = arith.constant 0 : i32
        %lt3A_287 = arith.cmpi slt, %rem3A_283, %lt3A_286 : i32
        %lt3A_288 = arith.constant 0 : i32
        %lt3A_289 = arith.cmpi slt, %select_n3A_282, %lt3A_288 : i32
        %ne3A_290 = arith.xori %lt3A_287, %lt3A_289 : i1
        %and3A_291 = arith.andi %ne3A_290, %ne3A_285 : i1
        %add3A_292 = arith.addi %rem3A_283, %select_n3A_282 : i32
        %select_n3A_293 = arith.select %and3A_291, %add3A_292, %rem3A_283 : i32
        %mul3A_294 = arith.constant 16 : i32
        %mul3A_295 = arith.muli %select_n3A_293, %mul3A_294 : i32
        %swap3A = arith.index_cast %rem3A_60 : i32 to index
        %swap3A_296 = arith.index_cast %select_n3A_277 : i32 to index
        %swap3A_297 = arith.index_cast %mul3A_295 : i32 to index
        %swap3A_298 = tpu.vector_load %arg10[%swap3A, %swap3A_296, %swap3A_297] {strides = array<i32>} : memref<2x8x128xf32, #tpu.memory_space<vmem>>, vector<16xf32>,
        tpu.vector_store %arg10[%swap3A, %swap3A_296, %swap3A_297], %add3A_253 {strides = array<i32>} : memref<2x8x128xf32, #tpu.memory_space<vmem>>, vector<16xf32>,
        %mul3A_299 = arith.constant 4 : i32
        %mul3A_300 = arith.muli %scan3A_135, %mul3A_299 : i32
        %add3A_301 = arith.constant 1 : i32
        %add3A_302 = arith.addi %mul3A_300, %add3A_301 : i32
        %jit3A_303 = arith.constant 8 : i32
        %div3A_304 = arith.divsi %add3A_302, %jit3A_303 : i32
        %sign3A_305 = arith.constant 0 : i32
        %sign3A_306 = arith.cmpi sgt, %add3A_302, %sign3A_305 : i32
        %sign3A_307 = arith.extui %sign3A_306 : i1 to i32
        %sign3A_308 = arith.constant 0 : i32
        %sign3A_309 = arith.cmpi slt, %add3A_302, %sign3A_308 : i32
        %sign3A_310 = arith.extui %sign3A_309 : i1 to i32
        %sign3A_311 = arith.subi %sign3A_307, %sign3A_310 : i32
        %sign3A_312 = arith.constant 0 : i32
        %sign3A_313 = arith.cmpi sgt, %jit3A_303, %sign3A_312 : i32
        %sign3A_314 = arith.extui %sign3A_313 : i1 to i32
        %sign3A_315 = arith.constant 0 : i32
        %sign3A_316 = arith.cmpi slt, %jit3A_303, %sign3A_315 : i32
        %sign3A_317 = arith.extui %sign3A_316 : i1 to i32
        %sign3A_318 = arith.subi %sign3A_314, %sign3A_317 : i32
        %ne3A_319 = arith.cmpi ne, %sign3A_311, %sign3A_318 : i32
        %rem3A_320 = arith.remsi %add3A_302, %jit3A_303 : i32
        %ne3A_321 = arith.constant 0 : i32
        %ne3A_322 = arith.cmpi ne, %rem3A_320, %ne3A_321 : i32
        %and3A_323 = arith.andi %ne3A_319, %ne3A_322 : i1
        %sub3A_324 = arith.constant 1 : i32
        %sub3A_325 = arith.subi %div3A_304, %sub3A_324 : i32
        %select_n3A_326 = arith.select %and3A_323, %sub3A_325, %div3A_304 : i32
        %jit3A_327 = arith.constant 8 : i32
        %eq3A_328 = arith.constant 0 : i32
        %eq3A_329 = arith.cmpi eq, %jit3A_327, %eq3A_328 : i32
        %jit3A_330 = arith.constant 1 : i32
        %select_n3A_331 = arith.select %eq3A_329, %jit3A_330, %jit3A_327 : i32
        %rem3A_332 = arith.remsi %add3A_302, %select_n3A_331 : i32
        %ne3A_333 = arith.constant 0 : i32
        %ne3A_334 = arith.cmpi ne, %rem3A_332, %ne3A_333 : i32
        %lt3A_335 = arith.constant 0 : i32
        %lt3A_336 = arith.cmpi slt, %rem3A_332, %lt3A_335 : i32
        %lt3A_337 = arith.constant 0 : i32
        %lt3A_338 = arith.cmpi slt, %select_n3A_331, %lt3A_337 : i32
        %ne3A_339 = arith.xori %lt3A_336, %lt3A_338 : i1
        %and3A_340 = arith.andi %ne3A_339, %ne3A_334 : i1
        %add3A_341 = arith.addi %rem3A_332, %select_n3A_331 : i32
        %select_n3A_342 = arith.select %and3A_340, %add3A_341, %rem3A_332 : i32
        %mul3A_343 = arith.constant 16 : i32
        %mul3A_344 = arith.muli %select_n3A_342, %mul3A_343 : i32
        %get3A_345 = arith.index_cast %select_n3A_326 : i32 to index
        %get3A_346 = arith.index_cast %mul3A_344 : i32 to index
        %get3A_347 = tpu.vector_load %arg11[%get3A_345, %get3A_346] {strides = array<i32>} : memref<8x128xf32, #tpu.memory_space<vmem>>, vector<16xf32>,
        %jit3A_348 = arith.constant 8 : i32
        %div3A_349 = arith.divsi %add3A_302, %jit3A_348 : i32
        %sign3A_350 = arith.constant 0 : i32
        %sign3A_351 = arith.cmpi sgt, %add3A_302, %sign3A_350 : i32
        %sign3A_352 = arith.extui %sign3A_351 : i1 to i32
        %sign3A_353 = arith.constant 0 : i32
        %sign3A_354 = arith.cmpi slt, %add3A_302, %sign3A_353 : i32
        %sign3A_355 = arith.extui %sign3A_354 : i1 to i32
        %sign3A_356 = arith.subi %sign3A_352, %sign3A_355 : i32
        %sign3A_357 = arith.constant 0 : i32
        %sign3A_358 = arith.cmpi sgt, %jit3A_348, %sign3A_357 : i32
        %sign3A_359 = arith.extui %sign3A_358 : i1 to i32
        %sign3A_360 = arith.constant 0 : i32
        %sign3A_361 = arith.cmpi slt, %jit3A_348, %sign3A_360 : i32
        %sign3A_362 = arith.extui %sign3A_361 : i1 to i32
        %sign3A_363 = arith.subi %sign3A_359, %sign3A_362 : i32
        %ne3A_364 = arith.cmpi ne, %sign3A_356, %sign3A_363 : i32
        %rem3A_365 = arith.remsi %add3A_302, %jit3A_348 : i32
        %ne3A_366 = arith.constant 0 : i32
        %ne3A_367 = arith.cmpi ne, %rem3A_365, %ne3A_366 : i32
        %and3A_368 = arith.andi %ne3A_364, %ne3A_367 : i1
        %sub3A_369 = arith.constant 1 : i32
        %sub3A_370 = arith.subi %div3A_349, %sub3A_369 : i32
        %select_n3A_371 = arith.select %and3A_368, %sub3A_370, %div3A_349 : i32
        %jit3A_372 = arith.constant 8 : i32
        %eq3A_373 = arith.constant 0 : i32
        %eq3A_374 = arith.cmpi eq, %jit3A_372, %eq3A_373 : i32
        %jit3A_375 = arith.constant 1 : i32
        %select_n3A_376 = arith.select %eq3A_374, %jit3A_375, %jit3A_372 : i32
        %rem3A_377 = arith.remsi %add3A_302, %select_n3A_376 : i32
        %ne3A_378 = arith.constant 0 : i32
        %ne3A_379 = arith.cmpi ne, %rem3A_377, %ne3A_378 : i32
        %lt3A_380 = arith.constant 0 : i32
        %lt3A_381 = arith.cmpi slt, %rem3A_377, %lt3A_380 : i32
        %lt3A_382 = arith.constant 0 : i32
        %lt3A_383 = arith.cmpi slt, %select_n3A_376, %lt3A_382 : i32
        %ne3A_384 = arith.xori %lt3A_381, %lt3A_383 : i1
        %and3A_385 = arith.andi %ne3A_384, %ne3A_379 : i1
        %add3A_386 = arith.addi %rem3A_377, %select_n3A_376 : i32
        %select_n3A_387 = arith.select %and3A_385, %add3A_386, %rem3A_377 : i32
        %mul3A_388 = arith.constant 16 : i32
        %mul3A_389 = arith.muli %select_n3A_387, %mul3A_388 : i32
        %get3A_390 = arith.index_cast %select_n3A_371 : i32 to index
        %get3A_391 = arith.index_cast %mul3A_389 : i32 to index
        %get3A_392 = tpu.vector_load %arg12[%get3A_390, %get3A_391] {strides = array<i32>} : memref<8x128xf32, #tpu.memory_space<vmem>>, vector<16xf32>,
        %sub3A_393 = arith.subf %get3A_392, %get3A_347 : vector<16xf32>
        %lt3A_394 = arith.constant 0.000000e+00 : f32
        %lt3A_395 = vector.broadcast %lt3A_394 : f32 to vector<16xf32>
        %lt3A_396 = arith.cmpf olt, %sub3A_393, %lt3A_395 : vector<16xf32>
        %jit3A_397 = arith.constant 6.28318548 : f32
        %jit3A_398 = arith.constant 0.000000e+00 : f32
        %broadcast_in_dim3A_399 = vector.broadcast %jit3A_397 : f32 to vector<16xf32>
        %broadcast_in_dim3A_400 = vector.broadcast %jit3A_398 : f32 to vector<16xf32>
        %select_n3A_401 = arith.select %lt3A_396, %broadcast_in_dim3A_399, %broadcast_in_dim3A_400 : vector<16xi1>, vector<16xf32>
        %add3A_402 = arith.addf %sub3A_393, %select_n3A_401 : vector<16xf32>
        %mul3A_403 = arith.constant 5215.18896 : f32
        %mul3A_404 = vector.broadcast %mul3A_403 : f32 to vector<16xf32>
        %mul3A_405 = arith.mulf %add3A_402, %mul3A_404 : vector<16xf32>
        %convert_element_type3A_406 = arith.fptosi %mul3A_405 : vector<16xf32> to vector<16xi32>
        %jit3A_407 = arith.constant 0 : i32
        %jit3A_408 = arith.constant 32767 : i32
        %max3A_409 = vector.broadcast %jit3A_407 : i32 to vector<16xi32>
        %max3A_410 = arith.maxsi %max3A_409, %convert_element_type3A_406 : vector<16xi32>
        %min3A_411 = vector.broadcast %jit3A_408 : i32 to vector<16xi32>
        %min3A_412 = arith.minsi %min3A_411, %max3A_410 : vector<16xi32>
        %convert_element_type3A_413 = arith.sitofp %min3A_412 : vector<16xi32> to vector<16xf32>
        %sub3A_414 = arith.subf %mul3A_405, %convert_element_type3A_413 : vector<16xf32>
        %gather3A_415 = tpu.vector_load_idx %arg7[%min3A_412] : memref<34816xf32, #tpu.memory_space<vmem>>[vector<16xi32>], vector<16xf32>,
        %add3A_416 = arith.constant 1 : i32
        %add3A_417 = vector.broadcast %add3A_416 : i32 to vector<16xi32>
        %add3A_418 = arith.addi %min3A_412, %add3A_417 : vector<16xi32>
        %gather3A_419 = tpu.vector_load_idx %arg7[%add3A_418] : memref<34816xf32, #tpu.memory_space<vmem>>[vector<16xi32>], vector<16xf32>,
        %sub3A_420 = arith.subf %gather3A_419, %gather3A_415 : vector<16xf32>
        %mul3A_421 = arith.mulf %sub3A_414, %sub3A_420 : vector<16xf32>
        %add3A_422 = arith.addf %gather3A_415, %mul3A_421 : vector<16xf32>
        %jit3A_423 = arith.constant 8 : i32
        %div3A_424 = arith.divsi %add3A_302, %jit3A_423 : i32
        %sign3A_425 = arith.constant 0 : i32
        %sign3A_426 = arith.cmpi sgt, %add3A_302, %sign3A_425 : i32
        %sign3A_427 = arith.extui %sign3A_426 : i1 to i32
        %sign3A_428 = arith.constant 0 : i32
        %sign3A_429 = arith.cmpi slt, %add3A_302, %sign3A_428 : i32
        %sign3A_430 = arith.extui %sign3A_429 : i1 to i32
        %sign3A_431 = arith.subi %sign3A_427, %sign3A_430 : i32
        %sign3A_432 = arith.constant 0 : i32
        %sign3A_433 = arith.cmpi sgt, %jit3A_423, %sign3A_432 : i32
        %sign3A_434 = arith.extui %sign3A_433 : i1 to i32
        %sign3A_435 = arith.constant 0 : i32
        %sign3A_436 = arith.cmpi slt, %jit3A_423, %sign3A_435 : i32
        %sign3A_437 = arith.extui %sign3A_436 : i1 to i32
        %sign3A_438 = arith.subi %sign3A_434, %sign3A_437 : i32
        %ne3A_439 = arith.cmpi ne, %sign3A_431, %sign3A_438 : i32
        %rem3A_440 = arith.remsi %add3A_302, %jit3A_423 : i32
        %ne3A_441 = arith.constant 0 : i32
        %ne3A_442 = arith.cmpi ne, %rem3A_440, %ne3A_441 : i32
        %and3A_443 = arith.andi %ne3A_439, %ne3A_442 : i1
        %sub3A_444 = arith.constant 1 : i32
        %sub3A_445 = arith.subi %div3A_424, %sub3A_444 : i32
        %select_n3A_446 = arith.select %and3A_443, %sub3A_445, %div3A_424 : i32
        %jit3A_447 = arith.constant 8 : i32
        %eq3A_448 = arith.constant 0 : i32
        %eq3A_449 = arith.cmpi eq, %jit3A_447, %eq3A_448 : i32
        %jit3A_450 = arith.constant 1 : i32
        %select_n3A_451 = arith.select %eq3A_449, %jit3A_450, %jit3A_447 : i32
        %rem3A_452 = arith.remsi %add3A_302, %select_n3A_451 : i32
        %ne3A_453 = arith.constant 0 : i32
        %ne3A_454 = arith.cmpi ne, %rem3A_452, %ne3A_453 : i32
        %lt3A_455 = arith.constant 0 : i32
        %lt3A_456 = arith.cmpi slt, %rem3A_452, %lt3A_455 : i32
        %lt3A_457 = arith.constant 0 : i32
        %lt3A_458 = arith.cmpi slt, %select_n3A_451, %lt3A_457 : i32
        %ne3A_459 = arith.xori %lt3A_456, %lt3A_458 : i1
        %and3A_460 = arith.andi %ne3A_459, %ne3A_454 : i1
        %add3A_461 = arith.addi %rem3A_452, %select_n3A_451 : i32
        %select_n3A_462 = arith.select %and3A_460, %add3A_461, %rem3A_452 : i32
        %mul3A_463 = arith.constant 16 : i32
        %mul3A_464 = arith.muli %select_n3A_462, %mul3A_463 : i32
        %swap3A_465 = arith.index_cast %rem3A_60 : i32 to index
        %swap3A_466 = arith.index_cast %select_n3A_446 : i32 to index
        %swap3A_467 = arith.index_cast %mul3A_464 : i32 to index
        %swap3A_468 = tpu.vector_load %arg10[%swap3A_465, %swap3A_466, %swap3A_467] {strides = array<i32>} : memref<2x8x128xf32, #tpu.memory_space<vmem>>, vector<16xf32>,
        tpu.vector_store %arg10[%swap3A_465, %swap3A_466, %swap3A_467], %add3A_422 {strides = array<i32>} : memref<2x8x128xf32, #tpu.memory_space<vmem>>, vector<16xf32>,
        %mul3A_469 = arith.constant 4 : i32
        %mul3A_470 = arith.muli %scan3A_135, %mul3A_469 : i32
        %add3A_471 = arith.constant 2 : i32
        %add3A_472 = arith.addi %mul3A_470, %add3A_471 : i32
        %jit3A_473 = arith.constant 8 : i32
        %div3A_474 = arith.divsi %add3A_472, %jit3A_473 : i32
        %sign3A_475 = arith.constant 0 : i32
        %sign3A_476 = arith.cmpi sgt, %add3A_472, %sign3A_475 : i32
        %sign3A_477 = arith.extui %sign3A_476 : i1 to i32
        %sign3A_478 = arith.constant 0 : i32
        %sign3A_479 = arith.cmpi slt, %add3A_472, %sign3A_478 : i32
        %sign3A_480 = arith.extui %sign3A_479 : i1 to i32
        %sign3A_481 = arith.subi %sign3A_477, %sign3A_480 : i32
        %sign3A_482 = arith.constant 0 : i32
        %sign3A_483 = arith.cmpi sgt, %jit3A_473, %sign3A_482 : i32
        %sign3A_484 = arith.extui %sign3A_483 : i1 to i32
        %sign3A_485 = arith.constant 0 : i32
        %sign3A_486 = arith.cmpi slt, %jit3A_473, %sign3A_485 : i32
        %sign3A_487 = arith.extui %sign3A_486 : i1 to i32
        %sign3A_488 = arith.subi %sign3A_484, %sign3A_487 : i32
        %ne3A_489 = arith.cmpi ne, %sign3A_481, %sign3A_488 : i32
        %rem3A_490 = arith.remsi %add3A_472, %jit3A_473 : i32
        %ne3A_491 = arith.constant 0 : i32
        %ne3A_492 = arith.cmpi ne, %rem3A_490, %ne3A_491 : i32
        %and3A_493 = arith.andi %ne3A_489, %ne3A_492 : i1
        %sub3A_494 = arith.constant 1 : i32
        %sub3A_495 = arith.subi %div3A_474, %sub3A_494 : i32
        %select_n3A_496 = arith.select %and3A_493, %sub3A_495, %div3A_474 : i32
        %jit3A_497 = arith.constant 8 : i32
        %eq3A_498 = arith.constant 0 : i32
        %eq3A_499 = arith.cmpi eq, %jit3A_497, %eq3A_498 : i32
        %jit3A_500 = arith.constant 1 : i32
        %select_n3A_501 = arith.select %eq3A_499, %jit3A_500, %jit3A_497 : i32
        %rem3A_502 = arith.remsi %add3A_472, %select_n3A_501 : i32
        %ne3A_503 = arith.constant 0 : i32
        %ne3A_504 = arith.cmpi ne, %rem3A_502, %ne3A_503 : i32
        %lt3A_505 = arith.constant 0 : i32
        %lt3A_506 = arith.cmpi slt, %rem3A_502, %lt3A_505 : i32
        %lt3A_507 = arith.constant 0 : i32
        %lt3A_508 = arith.cmpi slt, %select_n3A_501, %lt3A_507 : i32
        %ne3A_509 = arith.xori %lt3A_506, %lt3A_508 : i1
        %and3A_510 = arith.andi %ne3A_509, %ne3A_504 : i1
        %add3A_511 = arith.addi %rem3A_502, %select_n3A_501 : i32
        %select_n3A_512 = arith.select %and3A_510, %add3A_511, %rem3A_502 : i32
        %mul3A_513 = arith.constant 16 : i32
        %mul3A_514 = arith.muli %select_n3A_512, %mul3A_513 : i32
        %get3A_515 = arith.index_cast %select_n3A_496 : i32 to index
        %get3A_516 = arith.index_cast %mul3A_514 : i32 to index
        %get3A_517 = tpu.vector_load %arg11[%get3A_515, %get3A_516] {strides = array<i32>} : memref<8x128xf32, #tpu.memory_space<vmem>>, vector<16xf32>,
        %jit3A_518 = arith.constant 8 : i32
        %div3A_519 = arith.divsi %add3A_472, %jit3A_518 : i32
        %sign3A_520 = arith.constant 0 : i32
        %sign3A_521 = arith.cmpi sgt, %add3A_472, %sign3A_520 : i32
        %sign3A_522 = arith.extui %sign3A_521 : i1 to i32
        %sign3A_523 = arith.constant 0 : i32
        %sign3A_524 = arith.cmpi slt, %add3A_472, %sign3A_523 : i32
        %sign3A_525 = arith.extui %sign3A_524 : i1 to i32
        %sign3A_526 = arith.subi %sign3A_522, %sign3A_525 : i32
        %sign3A_527 = arith.constant 0 : i32
        %sign3A_528 = arith.cmpi sgt, %jit3A_518, %sign3A_527 : i32
        %sign3A_529 = arith.extui %sign3A_528 : i1 to i32
        %sign3A_530 = arith.constant 0 : i32
        %sign3A_531 = arith.cmpi slt, %jit3A_518, %sign3A_530 : i32
        %sign3A_532 = arith.extui %sign3A_531 : i1 to i32
        %sign3A_533 = arith.subi %sign3A_529, %sign3A_532 : i32
        %ne3A_534 = arith.cmpi ne, %sign3A_526, %sign3A_533 : i32
        %rem3A_535 = arith.remsi %add3A_472, %jit3A_518 : i32
        %ne3A_536 = arith.constant 0 : i32
        %ne3A_537 = arith.cmpi ne, %rem3A_535, %ne3A_536 : i32
        %and3A_538 = arith.andi %ne3A_534, %ne3A_537 : i1
        %sub3A_539 = arith.constant 1 : i32
        %sub3A_540 = arith.subi %div3A_519, %sub3A_539 : i32
        %select_n3A_541 = arith.select %and3A_538, %sub3A_540, %div3A_519 : i32
        %jit3A_542 = arith.constant 8 : i32
        %eq3A_543 = arith.constant 0 : i32
        %eq3A_544 = arith.cmpi eq, %jit3A_542, %eq3A_543 : i32
        %jit3A_545 = arith.constant 1 : i32
        %select_n3A_546 = arith.select %eq3A_544, %jit3A_545, %jit3A_542 : i32
        %rem3A_547 = arith.remsi %add3A_472, %select_n3A_546 : i32
        %ne3A_548 = arith.constant 0 : i32
        %ne3A_549 = arith.cmpi ne, %rem3A_547, %ne3A_548 : i32
        %lt3A_550 = arith.constant 0 : i32
        %lt3A_551 = arith.cmpi slt, %rem3A_547, %lt3A_550 : i32
        %lt3A_552 = arith.constant 0 : i32
        %lt3A_553 = arith.cmpi slt, %select_n3A_546, %lt3A_552 : i32
        %ne3A_554 = arith.xori %lt3A_551, %lt3A_553 : i1
        %and3A_555 = arith.andi %ne3A_554, %ne3A_549 : i1
        %add3A_556 = arith.addi %rem3A_547, %select_n3A_546 : i32
        %select_n3A_557 = arith.select %and3A_555, %add3A_556, %rem3A_547 : i32
        %mul3A_558 = arith.constant 16 : i32
        %mul3A_559 = arith.muli %select_n3A_557, %mul3A_558 : i32
        %get3A_560 = arith.index_cast %select_n3A_541 : i32 to index
        %get3A_561 = arith.index_cast %mul3A_559 : i32 to index
        %get3A_562 = tpu.vector_load %arg12[%get3A_560, %get3A_561] {strides = array<i32>} : memref<8x128xf32, #tpu.memory_space<vmem>>, vector<16xf32>,
        %sub3A_563 = arith.subf %get3A_562, %get3A_517 : vector<16xf32>
        %lt3A_564 = arith.constant 0.000000e+00 : f32
        %lt3A_565 = vector.broadcast %lt3A_564 : f32 to vector<16xf32>
        %lt3A_566 = arith.cmpf olt, %sub3A_563, %lt3A_565 : vector<16xf32>
        %jit3A_567 = arith.constant 6.28318548 : f32
        %jit3A_568 = arith.constant 0.000000e+00 : f32
        %broadcast_in_dim3A_569 = vector.broadcast %jit3A_567 : f32 to vector<16xf32>
        %broadcast_in_dim3A_570 = vector.broadcast %jit3A_568 : f32 to vector<16xf32>
        %select_n3A_571 = arith.select %lt3A_566, %broadcast_in_dim3A_569, %broadcast_in_dim3A_570 : vector<16xi1>, vector<16xf32>
        %add3A_572 = arith.addf %sub3A_563, %select_n3A_571 : vector<16xf32>
        %mul3A_573 = arith.constant 5215.18896 : f32
        %mul3A_574 = vector.broadcast %mul3A_573 : f32 to vector<16xf32>
        %mul3A_575 = arith.mulf %add3A_572, %mul3A_574 : vector<16xf32>
        %convert_element_type3A_576 = arith.fptosi %mul3A_575 : vector<16xf32> to vector<16xi32>
        %jit3A_577 = arith.constant 0 : i32
        %jit3A_578 = arith.constant 32767 : i32
        %max3A_579 = vector.broadcast %jit3A_577 : i32 to vector<16xi32>
        %max3A_580 = arith.maxsi %max3A_579, %convert_element_type3A_576 : vector<16xi32>
        %min3A_581 = vector.broadcast %jit3A_578 : i32 to vector<16xi32>
        %min3A_582 = arith.minsi %min3A_581, %max3A_580 : vector<16xi32>
        %convert_element_type3A_583 = arith.sitofp %min3A_582 : vector<16xi32> to vector<16xf32>
        %sub3A_584 = arith.subf %mul3A_575, %convert_element_type3A_583 : vector<16xf32>
        %gather3A_585 = tpu.vector_load_idx %arg7[%min3A_582] : memref<34816xf32, #tpu.memory_space<vmem>>[vector<16xi32>], vector<16xf32>,
        %add3A_586 = arith.constant 1 : i32
        %add3A_587 = vector.broadcast %add3A_586 : i32 to vector<16xi32>
        %add3A_588 = arith.addi %min3A_582, %add3A_587 : vector<16xi32>
        %gather3A_589 = tpu.vector_load_idx %arg7[%add3A_588] : memref<34816xf32, #tpu.memory_space<vmem>>[vector<16xi32>], vector<16xf32>,
        %sub3A_590 = arith.subf %gather3A_589, %gather3A_585 : vector<16xf32>
        %mul3A_591 = arith.mulf %sub3A_584, %sub3A_590 : vector<16xf32>
        %add3A_592 = arith.addf %gather3A_585, %mul3A_591 : vector<16xf32>
        %jit3A_593 = arith.constant 8 : i32
        %div3A_594 = arith.divsi %add3A_472, %jit3A_593 : i32
        %sign3A_595 = arith.constant 0 : i32
        %sign3A_596 = arith.cmpi sgt, %add3A_472, %sign3A_595 : i32
        %sign3A_597 = arith.extui %sign3A_596 : i1 to i32
        %sign3A_598 = arith.constant 0 : i32
        %sign3A_599 = arith.cmpi slt, %add3A_472, %sign3A_598 : i32
        %sign3A_600 = arith.extui %sign3A_599 : i1 to i32
        %sign3A_601 = arith.subi %sign3A_597, %sign3A_600 : i32
        %sign3A_602 = arith.constant 0 : i32
        %sign3A_603 = arith.cmpi sgt, %jit3A_593, %sign3A_602 : i32
        %sign3A_604 = arith.extui %sign3A_603 : i1 to i32
        %sign3A_605 = arith.constant 0 : i32
        %sign3A_606 = arith.cmpi slt, %jit3A_593, %sign3A_605 : i32
        %sign3A_607 = arith.extui %sign3A_606 : i1 to i32
        %sign3A_608 = arith.subi %sign3A_604, %sign3A_607 : i32
        %ne3A_609 = arith.cmpi ne, %sign3A_601, %sign3A_608 : i32
        %rem3A_610 = arith.remsi %add3A_472, %jit3A_593 : i32
        %ne3A_611 = arith.constant 0 : i32
        %ne3A_612 = arith.cmpi ne, %rem3A_610, %ne3A_611 : i32
        %and3A_613 = arith.andi %ne3A_609, %ne3A_612 : i1
        %sub3A_614 = arith.constant 1 : i32
        %sub3A_615 = arith.subi %div3A_594, %sub3A_614 : i32
        %select_n3A_616 = arith.select %and3A_613, %sub3A_615, %div3A_594 : i32
        %jit3A_617 = arith.constant 8 : i32
        %eq3A_618 = arith.constant 0 : i32
        %eq3A_619 = arith.cmpi eq, %jit3A_617, %eq3A_618 : i32
        %jit3A_620 = arith.constant 1 : i32
        %select_n3A_621 = arith.select %eq3A_619, %jit3A_620, %jit3A_617 : i32
        %rem3A_622 = arith.remsi %add3A_472, %select_n3A_621 : i32
        %ne3A_623 = arith.constant 0 : i32
        %ne3A_624 = arith.cmpi ne, %rem3A_622, %ne3A_623 : i32
        %lt3A_625 = arith.constant 0 : i32
        %lt3A_626 = arith.cmpi slt, %rem3A_622, %lt3A_625 : i32
        %lt3A_627 = arith.constant 0 : i32
        %lt3A_628 = arith.cmpi slt, %select_n3A_621, %lt3A_627 : i32
        %ne3A_629 = arith.xori %lt3A_626, %lt3A_628 : i1
        %and3A_630 = arith.andi %ne3A_629, %ne3A_624 : i1
        %add3A_631 = arith.addi %rem3A_622, %select_n3A_621 : i32
        %select_n3A_632 = arith.select %and3A_630, %add3A_631, %rem3A_622 : i32
        %mul3A_633 = arith.constant 16 : i32
        %mul3A_634 = arith.muli %select_n3A_632, %mul3A_633 : i32
        %swap3A_635 = arith.index_cast %rem3A_60 : i32 to index
        %swap3A_636 = arith.index_cast %select_n3A_616 : i32 to index
        %swap3A_637 = arith.index_cast %mul3A_634 : i32 to index
        %swap3A_638 = tpu.vector_load %arg10[%swap3A_635, %swap3A_636, %swap3A_637] {strides = array<i32>} : memref<2x8x128xf32, #tpu.memory_space<vmem>>, vector<16xf32>,
        tpu.vector_store %arg10[%swap3A_635, %swap3A_636, %swap3A_637], %add3A_592 {strides = array<i32>} : memref<2x8x128xf32, #tpu.memory_space<vmem>>, vector<16xf32>,
        %mul3A_639 = arith.constant 4 : i32
        %mul3A_640 = arith.muli %scan3A_135, %mul3A_639 : i32
        %add3A_641 = arith.constant 3 : i32
        %add3A_642 = arith.addi %mul3A_640, %add3A_641 : i32
        %jit3A_643 = arith.constant 8 : i32
        %div3A_644 = arith.divsi %add3A_642, %jit3A_643 : i32
        %sign3A_645 = arith.constant 0 : i32
        %sign3A_646 = arith.cmpi sgt, %add3A_642, %sign3A_645 : i32
        %sign3A_647 = arith.extui %sign3A_646 : i1 to i32
        %sign3A_648 = arith.constant 0 : i32
        %sign3A_649 = arith.cmpi slt, %add3A_642, %sign3A_648 : i32
        %sign3A_650 = arith.extui %sign3A_649 : i1 to i32
        %sign3A_651 = arith.subi %sign3A_647, %sign3A_650 : i32
        %sign3A_652 = arith.constant 0 : i32
        %sign3A_653 = arith.cmpi sgt, %jit3A_643, %sign3A_652 : i32
        %sign3A_654 = arith.extui %sign3A_653 : i1 to i32
        %sign3A_655 = arith.constant 0 : i32
        %sign3A_656 = arith.cmpi slt, %jit3A_643, %sign3A_655 : i32
        %sign3A_657 = arith.extui %sign3A_656 : i1 to i32
        %sign3A_658 = arith.subi %sign3A_654, %sign3A_657 : i32
        %ne3A_659 = arith.cmpi ne, %sign3A_651, %sign3A_658 : i32
        %rem3A_660 = arith.remsi %add3A_642, %jit3A_643 : i32
        %ne3A_661 = arith.constant 0 : i32
        %ne3A_662 = arith.cmpi ne, %rem3A_660, %ne3A_661 : i32
        %and3A_663 = arith.andi %ne3A_659, %ne3A_662 : i1
        %sub3A_664 = arith.constant 1 : i32
        %sub3A_665 = arith.subi %div3A_644, %sub3A_664 : i32
        %select_n3A_666 = arith.select %and3A_663, %sub3A_665, %div3A_644 : i32
        %jit3A_667 = arith.constant 8 : i32
        %eq3A_668 = arith.constant 0 : i32
        %eq3A_669 = arith.cmpi eq, %jit3A_667, %eq3A_668 : i32
        %jit3A_670 = arith.constant 1 : i32
        %select_n3A_671 = arith.select %eq3A_669, %jit3A_670, %jit3A_667 : i32
        %rem3A_672 = arith.remsi %add3A_642, %select_n3A_671 : i32
        %ne3A_673 = arith.constant 0 : i32
        %ne3A_674 = arith.cmpi ne, %rem3A_672, %ne3A_673 : i32
        %lt3A_675 = arith.constant 0 : i32
        %lt3A_676 = arith.cmpi slt, %rem3A_672, %lt3A_675 : i32
        %lt3A_677 = arith.constant 0 : i32
        %lt3A_678 = arith.cmpi slt, %select_n3A_671, %lt3A_677 : i32
        %ne3A_679 = arith.xori %lt3A_676, %lt3A_678 : i1
        %and3A_680 = arith.andi %ne3A_679, %ne3A_674 : i1
        %add3A_681 = arith.addi %rem3A_672, %select_n3A_671 : i32
        %select_n3A_682 = arith.select %and3A_680, %add3A_681, %rem3A_672 : i32
        %mul3A_683 = arith.constant 16 : i32
        %mul3A_684 = arith.muli %select_n3A_682, %mul3A_683 : i32
        %get3A_685 = arith.index_cast %select_n3A_666 : i32 to index
        %get3A_686 = arith.index_cast %mul3A_684 : i32 to index
        %get3A_687 = tpu.vector_load %arg11[%get3A_685, %get3A_686] {strides = array<i32>} : memref<8x128xf32, #tpu.memory_space<vmem>>, vector<16xf32>,
        %jit3A_688 = arith.constant 8 : i32
        %div3A_689 = arith.divsi %add3A_642, %jit3A_688 : i32
        %sign3A_690 = arith.constant 0 : i32
        %sign3A_691 = arith.cmpi sgt, %add3A_642, %sign3A_690 : i32
        %sign3A_692 = arith.extui %sign3A_691 : i1 to i32
        %sign3A_693 = arith.constant 0 : i32
        %sign3A_694 = arith.cmpi slt, %add3A_642, %sign3A_693 : i32
        %sign3A_695 = arith.extui %sign3A_694 : i1 to i32
        %sign3A_696 = arith.subi %sign3A_692, %sign3A_695 : i32
        %sign3A_697 = arith.constant 0 : i32
        %sign3A_698 = arith.cmpi sgt, %jit3A_688, %sign3A_697 : i32
        %sign3A_699 = arith.extui %sign3A_698 : i1 to i32
        %sign3A_700 = arith.constant 0 : i32
        %sign3A_701 = arith.cmpi slt, %jit3A_688, %sign3A_700 : i32
        %sign3A_702 = arith.extui %sign3A_701 : i1 to i32
        %sign3A_703 = arith.subi %sign3A_699, %sign3A_702 : i32
        %ne3A_704 = arith.cmpi ne, %sign3A_696, %sign3A_703 : i32
        %rem3A_705 = arith.remsi %add3A_642, %jit3A_688 : i32
        %ne3A_706 = arith.constant 0 : i32
        %ne3A_707 = arith.cmpi ne, %rem3A_705, %ne3A_706 : i32
        %and3A_708 = arith.andi %ne3A_704, %ne3A_707 : i1
        %sub3A_709 = arith.constant 1 : i32
        %sub3A_710 = arith.subi %div3A_689, %sub3A_709 : i32
        %select_n3A_711 = arith.select %and3A_708, %sub3A_710, %div3A_689 : i32
        %jit3A_712 = arith.constant 8 : i32
        %eq3A_713 = arith.constant 0 : i32
        %eq3A_714 = arith.cmpi eq, %jit3A_712, %eq3A_713 : i32
        %jit3A_715 = arith.constant 1 : i32
        %select_n3A_716 = arith.select %eq3A_714, %jit3A_715, %jit3A_712 : i32
        %rem3A_717 = arith.remsi %add3A_642, %select_n3A_716 : i32
        %ne3A_718 = arith.constant 0 : i32
        %ne3A_719 = arith.cmpi ne, %rem3A_717, %ne3A_718 : i32
        %lt3A_720 = arith.constant 0 : i32
        %lt3A_721 = arith.cmpi slt, %rem3A_717, %lt3A_720 : i32
        %lt3A_722 = arith.constant 0 : i32
        %lt3A_723 = arith.cmpi slt, %select_n3A_716, %lt3A_722 : i32
        %ne3A_724 = arith.xori %lt3A_721, %lt3A_723 : i1
        %and3A_725 = arith.andi %ne3A_724, %ne3A_719 : i1
        %add3A_726 = arith.addi %rem3A_717, %select_n3A_716 : i32
        %select_n3A_727 = arith.select %and3A_725, %add3A_726, %rem3A_717 : i32
        %mul3A_728 = arith.constant 16 : i32
        %mul3A_729 = arith.muli %select_n3A_727, %mul3A_728 : i32
        %get3A_730 = arith.index_cast %select_n3A_711 : i32 to index
        %get3A_731 = arith.index_cast %mul3A_729 : i32 to index
        %get3A_732 = tpu.vector_load %arg12[%get3A_730, %get3A_731] {strides = array<i32>} : memref<8x128xf32, #tpu.memory_space<vmem>>, vector<16xf32>,
        %sub3A_733 = arith.subf %get3A_732, %get3A_687 : vector<16xf32>
        %lt3A_734 = arith.constant 0.000000e+00 : f32
        %lt3A_735 = vector.broadcast %lt3A_734 : f32 to vector<16xf32>
        %lt3A_736 = arith.cmpf olt, %sub3A_733, %lt3A_735 : vector<16xf32>
        %jit3A_737 = arith.constant 6.28318548 : f32
        %jit3A_738 = arith.constant 0.000000e+00 : f32
        %broadcast_in_dim3A_739 = vector.broadcast %jit3A_737 : f32 to vector<16xf32>
        %broadcast_in_dim3A_740 = vector.broadcast %jit3A_738 : f32 to vector<16xf32>
        %select_n3A_741 = arith.select %lt3A_736, %broadcast_in_dim3A_739, %broadcast_in_dim3A_740 : vector<16xi1>, vector<16xf32>
        %add3A_742 = arith.addf %sub3A_733, %select_n3A_741 : vector<16xf32>
        %mul3A_743 = arith.constant 5215.18896 : f32
        %mul3A_744 = vector.broadcast %mul3A_743 : f32 to vector<16xf32>
        %mul3A_745 = arith.mulf %add3A_742, %mul3A_744 : vector<16xf32>
        %convert_element_type3A_746 = arith.fptosi %mul3A_745 : vector<16xf32> to vector<16xi32>
        %jit3A_747 = arith.constant 0 : i32
        %jit3A_748 = arith.constant 32767 : i32
        %max3A_749 = vector.broadcast %jit3A_747 : i32 to vector<16xi32>
        %max3A_750 = arith.maxsi %max3A_749, %convert_element_type3A_746 : vector<16xi32>
        %min3A_751 = vector.broadcast %jit3A_748 : i32 to vector<16xi32>
        %min3A_752 = arith.minsi %min3A_751, %max3A_750 : vector<16xi32>
        %convert_element_type3A_753 = arith.sitofp %min3A_752 : vector<16xi32> to vector<16xf32>
        %sub3A_754 = arith.subf %mul3A_745, %convert_element_type3A_753 : vector<16xf32>
        %gather3A_755 = tpu.vector_load_idx %arg7[%min3A_752] : memref<34816xf32, #tpu.memory_space<vmem>>[vector<16xi32>], vector<16xf32>,
        %add3A_756 = arith.constant 1 : i32
        %add3A_757 = vector.broadcast %add3A_756 : i32 to vector<16xi32>
        %add3A_758 = arith.addi %min3A_752, %add3A_757 : vector<16xi32>
        %gather3A_759 = tpu.vector_load_idx %arg7[%add3A_758] : memref<34816xf32, #tpu.memory_space<vmem>>[vector<16xi32>], vector<16xf32>,
        %sub3A_760 = arith.subf %gather3A_759, %gather3A_755 : vector<16xf32>
        %mul3A_761 = arith.mulf %sub3A_754, %sub3A_760 : vector<16xf32>
        %add3A_762 = arith.addf %gather3A_755, %mul3A_761 : vector<16xf32>
        %jit3A_763 = arith.constant 8 : i32
        %div3A_764 = arith.divsi %add3A_642, %jit3A_763 : i32
        %sign3A_765 = arith.constant 0 : i32
        %sign3A_766 = arith.cmpi sgt, %add3A_642, %sign3A_765 : i32
        %sign3A_767 = arith.extui %sign3A_766 : i1 to i32
        %sign3A_768 = arith.constant 0 : i32
        %sign3A_769 = arith.cmpi slt, %add3A_642, %sign3A_768 : i32
        %sign3A_770 = arith.extui %sign3A_769 : i1 to i32
        %sign3A_771 = arith.subi %sign3A_767, %sign3A_770 : i32
        %sign3A_772 = arith.constant 0 : i32
        %sign3A_773 = arith.cmpi sgt, %jit3A_763, %sign3A_772 : i32
        %sign3A_774 = arith.extui %sign3A_773 : i1 to i32
        %sign3A_775 = arith.constant 0 : i32
        %sign3A_776 = arith.cmpi slt, %jit3A_763, %sign3A_775 : i32
        %sign3A_777 = arith.extui %sign3A_776 : i1 to i32
        %sign3A_778 = arith.subi %sign3A_774, %sign3A_777 : i32
        %ne3A_779 = arith.cmpi ne, %sign3A_771, %sign3A_778 : i32
        %rem3A_780 = arith.remsi %add3A_642, %jit3A_763 : i32
        %ne3A_781 = arith.constant 0 : i32
        %ne3A_782 = arith.cmpi ne, %rem3A_780, %ne3A_781 : i32
        %and3A_783 = arith.andi %ne3A_779, %ne3A_782 : i1
        %sub3A_784 = arith.constant 1 : i32
        %sub3A_785 = arith.subi %div3A_764, %sub3A_784 : i32
        %select_n3A_786 = arith.select %and3A_783, %sub3A_785, %div3A_764 : i32
        %jit3A_787 = arith.constant 8 : i32
        %eq3A_788 = arith.constant 0 : i32
        %eq3A_789 = arith.cmpi eq, %jit3A_787, %eq3A_788 : i32
        %jit3A_790 = arith.constant 1 : i32
        %select_n3A_791 = arith.select %eq3A_789, %jit3A_790, %jit3A_787 : i32
        %rem3A_792 = arith.remsi %add3A_642, %select_n3A_791 : i32
        %ne3A_793 = arith.constant 0 : i32
        %ne3A_794 = arith.cmpi ne, %rem3A_792, %ne3A_793 : i32
        %lt3A_795 = arith.constant 0 : i32
        %lt3A_796 = arith.cmpi slt, %rem3A_792, %lt3A_795 : i32
        %lt3A_797 = arith.constant 0 : i32
        %lt3A_798 = arith.cmpi slt, %select_n3A_791, %lt3A_797 : i32
        %ne3A_799 = arith.xori %lt3A_796, %lt3A_798 : i1
        %and3A_800 = arith.andi %ne3A_799, %ne3A_794 : i1
        %add3A_801 = arith.addi %rem3A_792, %select_n3A_791 : i32
        %select_n3A_802 = arith.select %and3A_800, %add3A_801, %rem3A_792 : i32
        %mul3A_803 = arith.constant 16 : i32
        %mul3A_804 = arith.muli %select_n3A_802, %mul3A_803 : i32
        %swap3A_805 = arith.index_cast %rem3A_60 : i32 to index
        %swap3A_806 = arith.index_cast %select_n3A_786 : i32 to index
        %swap3A_807 = arith.index_cast %mul3A_804 : i32 to index
        %swap3A_808 = tpu.vector_load %arg10[%swap3A_805, %swap3A_806, %swap3A_807] {strides = array<i32>} : memref<2x8x128xf32, #tpu.memory_space<vmem>>, vector<16xf32>,
        tpu.vector_store %arg10[%swap3A_805, %swap3A_806, %swap3A_807], %add3A_762 {strides = array<i32>} : memref<2x8x128xf32, #tpu.memory_space<vmem>>, vector<16xf32>,
      }
      %scan3A_122 = arith.constant 16 : i32
      %scan3A_123 = arith.constant 0 : i32
      %scan3A_124 = arith.constant 0 : i32
      %scan3A_125 = arith.constant 8 : i32
      %scan3A_126 = arith.addi %scan3A_124, %scan3A_125 : i32
      %scan3A_127 = arith.constant 1 : i32
      scf.for %scan3A_135 = %scan3A_124 to %scan3A_126 step %scan3A_127  : i32 {
        %dma_start3A = arith.constant 0 : i32
        %dma_start3A_136 = tpu.memref_slice %arg10[%rem3A_60, %scan3A_135, %dma_start3A] : memref<2x8x128xf32, #tpu.memory_space<vmem>> -> memref<1x1x128xf32, #tpu.memory_space<vmem>>
        %dma_start3A_137 = tpu.memref_squeeze %dma_start3A_136 : memref<1x1x128xf32, #tpu.memory_space<vmem>> -> memref<128xf32, #tpu.memory_space<vmem>>
        %dma_start3A_138 = arith.constant 0 : i32
        %dma_start3A_139 = tpu.memref_slice %arg9[%rem3A_60, %scan3A_135, %dma_start3A_138] : memref<2x8x128xi32, #tpu.memory_space<vmem>> -> memref<1x1x128xi32, #tpu.memory_space<vmem>>
        %dma_start3A_140 = tpu.memref_squeeze %dma_start3A_139 : memref<1x1x128xi32, #tpu.memory_space<vmem>> -> memref<128xi32, #tpu.memory_space<vmem>>
        %dma_start3A_141 = arith.constant 0 : i32
        %dma_start3A_142 = tpu.memref_slice %arg17[%dma_start3A_141] : memref<102400xf32, #tpu.memory_space<vmem_shared>> -> memref<102400xf32, #tpu.memory_space<vmem_shared>>
        tpu.enqueue_indirect_dma source(%dma_start3A_137 : memref<128xf32, #tpu.memory_space<vmem>>) target(%dma_start3A_142 : memref<102400xf32, #tpu.memory_space<vmem_shared>>) offsets(%dma_start3A_140 : memref<128xi32, #tpu.memory_space<vmem>>) semaphore(%arg19 : memref<!tpu.dma_semaphore, #tpu.memory_space<semaphore_mem>>) {add = true}
        %dma_start3A_143 = arith.constant 0 : i32
        %dma_start3A_144 = arith.constant 0 : i32
        %dma_start3A_145 = tpu.memref_slice %arg13[%dma_start3A_143, %dma_start3A_144] : memref<1x128xf32, #tpu.memory_space<vmem>> -> memref<1x128xf32, #tpu.memory_space<vmem>>
        %dma_start3A_146 = tpu.memref_squeeze %dma_start3A_145 : memref<1x128xf32, #tpu.memory_space<vmem>> -> memref<128xf32, #tpu.memory_space<vmem>>
        %dma_start3A_147 = arith.constant 0 : i32
        %dma_start3A_148 = tpu.memref_slice %arg9[%rem3A_60, %scan3A_135, %dma_start3A_147] : memref<2x8x128xi32, #tpu.memory_space<vmem>> -> memref<1x1x128xi32, #tpu.memory_space<vmem>>
        %dma_start3A_149 = tpu.memref_squeeze %dma_start3A_148 : memref<1x1x128xi32, #tpu.memory_space<vmem>> -> memref<128xi32, #tpu.memory_space<vmem>>
        %dma_start3A_150 = arith.constant 0 : i32
        %dma_start3A_151 = tpu.memref_slice %arg18[%dma_start3A_150] : memref<102400xf32, #tpu.memory_space<vmem_shared>> -> memref<102400xf32, #tpu.memory_space<vmem_shared>>
        tpu.enqueue_indirect_dma source(%dma_start3A_146 : memref<128xf32, #tpu.memory_space<vmem>>) target(%dma_start3A_151 : memref<102400xf32, #tpu.memory_space<vmem_shared>>) offsets(%dma_start3A_149 : memref<128xi32, #tpu.memory_space<vmem>>) semaphore(%arg19 : memref<!tpu.dma_semaphore, #tpu.memory_space<semaphore_mem>>) {add = true}
      }
      %scan3A_128 = arith.constant 8 : i32
      %scan3A_129 = arith.constant 0 : i32
      %scan3A_130 = arith.constant 0 : i32
      %scan3A_131 = arith.constant 8 : i32
      %scan3A_132 = arith.addi %scan3A_130, %scan3A_131 : i32
      %scan3A_133 = arith.constant 1 : i32
      scf.for %scan3A_135 = %scan3A_130 to %scan3A_132 step %scan3A_133  : i32 {
        %dma_wait3A_136 = arith.constant 0 : i32
        %dma_wait3A_137 = tpu.memref_slice %arg10[%rem3A_60, %scan3A_135, %dma_wait3A_136] : memref<2x8x128xf32, #tpu.memory_space<vmem>> -> memref<1x1x128xf32, #tpu.memory_space<vmem>>
        %dma_wait3A_138 = tpu.memref_squeeze %dma_wait3A_137 : memref<1x1x128xf32, #tpu.memory_space<vmem>> -> memref<128xf32, #tpu.memory_space<vmem>>
        %dma_wait3A_139 = arith.constant 0 : i32
        %dma_wait3A_140 = tpu.memref_slice %arg9[%rem3A_60, %scan3A_135, %dma_wait3A_139] : memref<2x8x128xi32, #tpu.memory_space<vmem>> -> memref<1x1x128xi32, #tpu.memory_space<vmem>>
        %dma_wait3A_141 = tpu.memref_squeeze %dma_wait3A_140 : memref<1x1x128xi32, #tpu.memory_space<vmem>> -> memref<128xi32, #tpu.memory_space<vmem>>
        %dma_wait3A_142 = arith.constant 0 : i32
        %dma_wait3A_143 = tpu.memref_slice %arg17[%dma_wait3A_142] : memref<102400xf32, #tpu.memory_space<vmem_shared>> -> memref<102400xf32, #tpu.memory_space<vmem_shared>>
        tpu.wait_indirect_dma semaphore(%arg19 : memref<!tpu.dma_semaphore, #tpu.memory_space<semaphore_mem>>) src(%dma_wait3A_138 : memref<128xf32, #tpu.memory_space<vmem>>) dst(%dma_wait3A_143 : memref<102400xf32, #tpu.memory_space<vmem_shared>>)
        %dma_wait3A_144 = arith.constant 0 : i32
        %dma_wait3A_145 = arith.constant 0 : i32
        %dma_wait3A_146 = tpu.memref_slice %arg13[%dma_wait3A_144, %dma_wait3A_145] : memref<1x128xf32, #tpu.memory_space<vmem>> -> memref<1x128xf32, #tpu.memory_space<vmem>>
        %dma_wait3A_147 = tpu.memref_squeeze %dma_wait3A_146 : memref<1x128xf32, #tpu.memory_space<vmem>> -> memref<128xf32, #tpu.memory_space<vmem>>
        %dma_wait3A_148 = arith.constant 0 : i32
        %dma_wait3A_149 = tpu.memref_slice %arg9[%rem3A_60, %scan3A_135, %dma_wait3A_148] : memref<2x8x128xi32, #tpu.memory_space<vmem>> -> memref<1x1x128xi32, #tpu.memory_space<vmem>>
        %dma_wait3A_150 = tpu.memref_squeeze %dma_wait3A_149 : memref<1x1x128xi32, #tpu.memory_space<vmem>> -> memref<128xi32, #tpu.memory_space<vmem>>
        %dma_wait3A_151 = arith.constant 0 : i32
        %dma_wait3A_152 = tpu.memref_slice %arg18[%dma_wait3A_151] : memref<102400xf32, #tpu.memory_space<vmem_shared>> -> memref<102400xf32, #tpu.memory_space<vmem_shared>>
        tpu.wait_indirect_dma semaphore(%arg19 : memref<!tpu.dma_semaphore, #tpu.memory_space<semaphore_mem>>) src(%dma_wait3A_147 : memref<128xf32, #tpu.memory_space<vmem>>) dst(%dma_wait3A_152 : memref<102400xf32, #tpu.memory_space<vmem_shared>>)
      }
      %scan3A_134 = arith.constant 8 : i32
    }
    %barrier3A_55 = arith.constant 0 : index
    tpu.barrier barrier_id(%barrier3A_55)
    %mul3A_56 = arith.constant 6400 : i32
    %mul3A_57 = arith.muli %arg1, %mul3A_56 : i32
    "tpu.region"() ({
      %run_scoped3A = tpu.sem_alloc : memref<!tpu.dma_semaphore, #tpu.memory_space<semaphore_mem>>
      %dma_start3A = tpu.memref_slice %arg5[%arg0, %mul3A_57] : memref<2x102400xf32, #tpu.memory_space<hbm>> -> memref<1x6400xf32, #tpu.memory_space<hbm>>
      %dma_start3A_58 = tpu.memref_squeeze %dma_start3A : memref<1x6400xf32, #tpu.memory_space<hbm>> -> memref<6400xf32, #tpu.memory_space<hbm>>
      %dma_start3A_59 = tpu.memref_slice %arg17[%mul3A_57] : memref<102400xf32, #tpu.memory_space<vmem_shared>> -> memref<6400xf32, #tpu.memory_space<vmem_shared>>
      tpu.enqueue_dma source(%dma_start3A_59 : memref<6400xf32, #tpu.memory_space<vmem_shared>>) target(%dma_start3A_58 : memref<6400xf32, #tpu.memory_space<hbm>>) target_semaphore(%run_scoped3A : memref<!tpu.dma_semaphore, #tpu.memory_space<semaphore_mem>>)
      %dma_wait3A = tpu.memref_slice %arg5[%arg0, %mul3A_57] : memref<2x102400xf32, #tpu.memory_space<hbm>> -> memref<1x6400xf32, #tpu.memory_space<hbm>>
      %dma_wait3A_60 = tpu.memref_squeeze %dma_wait3A : memref<1x6400xf32, #tpu.memory_space<hbm>> -> memref<6400xf32, #tpu.memory_space<hbm>>
      %dma_wait3A_61 = tpu.memref_slice %arg17[%mul3A_57] : memref<102400xf32, #tpu.memory_space<vmem_shared>> -> memref<6400xf32, #tpu.memory_space<vmem_shared>>
      tpu.wait_dma2 semaphore(%run_scoped3A : memref<!tpu.dma_semaphore, #tpu.memory_space<semaphore_mem>>) src(%dma_wait3A_61 : memref<6400xf32, #tpu.memory_space<vmem_shared>>) dst(%dma_wait3A_60 : memref<6400xf32, #tpu.memory_space<hbm>>)
      tpu.yield
    }) : () -> ()
    "tpu.region"() ({
      %run_scoped3A = tpu.sem_alloc : memref<!tpu.dma_semaphore, #tpu.memory_space<semaphore_mem>>
      %dma_start3A = tpu.memref_slice %arg6[%arg0, %mul3A_57] : memref<2x102400xf32, #tpu.memory_space<hbm>> -> memref<1x6400xf32, #tpu.memory_space<hbm>>
      %dma_start3A_58 = tpu.memref_squeeze %dma_start3A : memref<1x6400xf32, #tpu.memory_space<hbm>> -> memref<6400xf32, #tpu.memory_space<hbm>>
      %dma_start3A_59 = tpu.memref_slice %arg18[%mul3A_57] : memref<102400xf32, #tpu.memory_space<vmem_shared>> -> memref<6400xf32, #tpu.memory_space<vmem_shared>>
      tpu.enqueue_dma source(%dma_start3A_59 : memref<6400xf32, #tpu.memory_space<vmem_shared>>) target(%dma_start3A_58 : memref<6400xf32, #tpu.memory_space<hbm>>) target_semaphore(%run_scoped3A : memref<!tpu.dma_semaphore, #tpu.memory_space<semaphore_mem>>)
      %dma_wait3A = tpu.memref_slice %arg6[%arg0, %mul3A_57] : memref<2x102400xf32, #tpu.memory_space<hbm>> -> memref<1x6400xf32, #tpu.memory_space<hbm>>
      %dma_wait3A_60 = tpu.memref_squeeze %dma_wait3A : memref<1x6400xf32, #tpu.memory_space<hbm>> -> memref<6400xf32, #tpu.memory_space<hbm>>
      %dma_wait3A_61 = tpu.memref_slice %arg18[%mul3A_57] : memref<102400xf32, #tpu.memory_space<vmem_shared>> -> memref<6400xf32, #tpu.memory_space<vmem_shared>>
      tpu.wait_dma2 semaphore(%run_scoped3A : memref<!tpu.dma_semaphore, #tpu.memory_space<semaphore_mem>>) src(%dma_wait3A_61 : memref<6400xf32, #tpu.memory_space<vmem_shared>>) dst(%dma_wait3A_60 : memref<6400xf32, #tpu.memory_space<hbm>>)
      tpu.yield
    }) : () -> ()
    return
  }
}

module attributes {stable_mosaic.version = 14 : i64} {
  func.func @_table_body(%arg0: i32, %arg1: memref<1x128xf32, #tpu.memory_space<vmem>>, %arg2: memref<1x128xf32, #tpu.memory_space<vmem>>, %arg3: memref<128x128xf32, #tpu.memory_space<vmem>>, %arg4: memref<1x128xf32, #tpu.memory_space<vmem>>, %arg5: memref<128x128xf32, #tpu.memory_space<vmem>>, %arg6: memref<1x128xf32, #tpu.memory_space<vmem>>, %arg7: memref<128x1xf32, #tpu.memory_space<vmem>>, %arg8: memref<1x1xf32, #tpu.memory_space<vmem>>, %arg9: memref<2048x1xf32, #tpu.memory_space<vmem>>) attributes {dimension_semantics = [#tpu.dimension_semantics<arbitrary>], iteration_bounds = array<i64: 17>, scalar_prefetch = 0 : i64, scratch_operands = 0 : i64, tpu.core_type = #tpu.core_type<tc>, window_params = [{pipeline_mode = #tpu.pipeline_mode<synchronous>, transform_indices = @transform_0, window_bounds = array<i64: 1, 128>}, {pipeline_mode = #tpu.pipeline_mode<synchronous>, transform_indices = @transform_1, window_bounds = array<i64: 1, 128>}, {pipeline_mode = #tpu.pipeline_mode<synchronous>, transform_indices = @transform_2, window_bounds = array<i64: 128, 128>}, {pipeline_mode = #tpu.pipeline_mode<synchronous>, transform_indices = @transform_3, window_bounds = array<i64: 1, 128>}, {pipeline_mode = #tpu.pipeline_mode<synchronous>, transform_indices = @transform_4, window_bounds = array<i64: 128, 128>}, {pipeline_mode = #tpu.pipeline_mode<synchronous>, transform_indices = @transform_5, window_bounds = array<i64: 1, 128>}, {pipeline_mode = #tpu.pipeline_mode<synchronous>, transform_indices = @transform_6, window_bounds = array<i64: 128, 1>}, {pipeline_mode = #tpu.pipeline_mode<synchronous>, transform_indices = @transform_7, window_bounds = array<i64: 1, 1>}, {transform_indices = @transform_8, window_bounds = array<i64: 2048, 1>}]} {
    %iota3A = tpu.iota {dimensions = array<i32: 0>} : vector<2048x1xi32>
    %convert_element_type3A = arith.sitofp %iota3A : vector<2048x1xi32> to vector<2048x1xf32>
    %mul3A = arith.constant 2048 : i32
    %mul3A_0 = arith.muli %arg0, %mul3A : i32
    %convert_element_type3A_1 = arith.sitofp %mul3A_0 : i32 to f32
    %add3A = vector.broadcast %convert_element_type3A_1 : f32 to vector<2048x1xf32>
    %add3A_2 = arith.addf %convert_element_type3A, %add3A : vector<2048x1xf32>
    %mul3A_3 = arith.constant 1.91747604E-4 : f32
    %mul3A_4 = vector.broadcast %mul3A_3 : f32 to vector<2048x1xf32>
    %mul3A_5 = arith.mulf %add3A_2, %mul3A_4 : vector<2048x1xf32>
    %get3A = arith.constant 0 : index
    %get3A_6 = arith.constant 0 : index
    %get3A_7 = vector.load %arg1[%get3A, %get3A_6] : memref<1x128xf32, #tpu.memory_space<vmem>>, vector<1x128xf32>
    %mul3A_8 = vector.broadcast %mul3A_5 : vector<2048x1xf32> to vector<2048x128xf32>
    %mul3A_9 = vector.broadcast %get3A_7 : vector<1x128xf32> to vector<2048x128xf32>
    %mul3A_10 = arith.mulf %mul3A_8, %mul3A_9 : vector<2048x128xf32>
    %get3A_11 = arith.constant 0 : index
    %get3A_12 = arith.constant 0 : index
    %get3A_13 = vector.load %arg2[%get3A_11, %get3A_12] : memref<1x128xf32, #tpu.memory_space<vmem>>, vector<1x128xf32>
    %add3A_14 = vector.broadcast %get3A_13 : vector<1x128xf32> to vector<2048x128xf32>
    %add3A_15 = arith.addf %mul3A_10, %add3A_14 : vector<2048x128xf32>
    %max3A = arith.constant 0.000000e+00 : f32
    %max3A_16 = vector.broadcast %max3A : f32 to vector<2048x128xf32>
    %max3A_17 = arith.maximumf %add3A_15, %max3A_16 : vector<2048x128xf32>
    %get3A_18 = arith.constant 0 : index
    %get3A_19 = arith.constant 0 : index
    %get3A_20 = vector.load %arg3[%get3A_18, %get3A_19] : memref<128x128xf32, #tpu.memory_space<vmem>>, vector<128x128xf32>
    %dot_general3A = arith.constant dense<0.000000e+00> : vector<2048x128xf32>
    %dot_general3A_21 = tpu.matmul %max3A_17, %get3A_20, %dot_general3A {dimension_numbers = #tpu.dot_dimension_numbers<[1], [0], [0], [1], [0, 0, 1, 1], [], []>, transpose_lhs_hint = false} : vector<2048x128xf32>, vector<128x128xf32>, vector<2048x128xf32> -> vector<2048x128xf32>
    %get3A_22 = arith.constant 0 : index
    %get3A_23 = arith.constant 0 : index
    %get3A_24 = vector.load %arg4[%get3A_22, %get3A_23] : memref<1x128xf32, #tpu.memory_space<vmem>>, vector<1x128xf32>
    %add3A_25 = vector.broadcast %get3A_24 : vector<1x128xf32> to vector<2048x128xf32>
    %add3A_26 = arith.addf %dot_general3A_21, %add3A_25 : vector<2048x128xf32>
    %max3A_27 = arith.constant 0.000000e+00 : f32
    %max3A_28 = vector.broadcast %max3A_27 : f32 to vector<2048x128xf32>
    %max3A_29 = arith.maximumf %add3A_26, %max3A_28 : vector<2048x128xf32>
    %get3A_30 = arith.constant 0 : index
    %get3A_31 = arith.constant 0 : index
    %get3A_32 = vector.load %arg5[%get3A_30, %get3A_31] : memref<128x128xf32, #tpu.memory_space<vmem>>, vector<128x128xf32>
    %dot_general3A_33 = arith.constant dense<0.000000e+00> : vector<2048x128xf32>
    %dot_general3A_34 = tpu.matmul %max3A_29, %get3A_32, %dot_general3A_33 {dimension_numbers = #tpu.dot_dimension_numbers<[1], [0], [0], [1], [0, 0, 1, 1], [], []>, transpose_lhs_hint = false} : vector<2048x128xf32>, vector<128x128xf32>, vector<2048x128xf32> -> vector<2048x128xf32>
    %get3A_35 = arith.constant 0 : index
    %get3A_36 = arith.constant 0 : index
    %get3A_37 = vector.load %arg6[%get3A_35, %get3A_36] : memref<1x128xf32, #tpu.memory_space<vmem>>, vector<1x128xf32>
    %add3A_38 = vector.broadcast %get3A_37 : vector<1x128xf32> to vector<2048x128xf32>
    %add3A_39 = arith.addf %dot_general3A_34, %add3A_38 : vector<2048x128xf32>
    %max3A_40 = arith.constant 0.000000e+00 : f32
    %max3A_41 = vector.broadcast %max3A_40 : f32 to vector<2048x128xf32>
    %max3A_42 = arith.maximumf %add3A_39, %max3A_41 : vector<2048x128xf32>
    %get3A_43 = arith.constant 0 : index
    %get3A_44 = arith.constant 0 : index
    %get3A_45 = vector.load %arg7[%get3A_43, %get3A_44] : memref<128x1xf32, #tpu.memory_space<vmem>>, vector<128x1xf32>
    %dot_general3A_46 = arith.constant dense<0.000000e+00> : vector<2048x1xf32>
    %dot_general3A_47 = tpu.matmul %max3A_42, %get3A_45, %dot_general3A_46 {dimension_numbers = #tpu.dot_dimension_numbers<[1], [0], [0], [1], [0, 0, 1, 1], [], []>, transpose_lhs_hint = false} : vector<2048x128xf32>, vector<128x1xf32>, vector<2048x1xf32> -> vector<2048x1xf32>
    %get3A_48 = arith.constant 0 : index
    %get3A_49 = arith.constant 0 : index
    %get3A_50 = vector.load %arg8[%get3A_48, %get3A_49] : memref<1x1xf32, #tpu.memory_space<vmem>>, vector<1x1xf32>
    %add3A_51 = vector.broadcast %get3A_50 : vector<1x1xf32> to vector<2048x1xf32>
    %add3A_52 = arith.addf %dot_general3A_47, %add3A_51 : vector<2048x1xf32>
    %swap3A = arith.constant 0 : index
    %swap3A_53 = arith.constant 0 : index
    %swap3A_54 = vector.load %arg9[%swap3A, %swap3A_53] : memref<2048x1xf32, #tpu.memory_space<vmem>>, vector<2048x1xf32>
    tpu.vector_store %arg9[%swap3A, %swap3A_53], %add3A_52 {strides = array<i32>} : memref<2048x1xf32, #tpu.memory_space<vmem>>, vector<2048x1xf32>,
    return
  }
  func.func @transform_0(%arg0: i32) -> (i32, i32) {
    %c0_i32 = arith.constant 0 : i32
    %c0_i32_0 = arith.constant 0 : i32
    %c0_i32_1 = arith.constant 0 : i32
    return %c0_i32, %c0_i32_0 : i32, i32
  }
  func.func @transform_1(%arg0: i32) -> (i32, i32) {
    %c0_i32 = arith.constant 0 : i32
    %c0_i32_0 = arith.constant 0 : i32
    %c0_i32_1 = arith.constant 0 : i32
    return %c0_i32, %c0_i32_0 : i32, i32
  }
  func.func @transform_2(%arg0: i32) -> (i32, i32) {
    %c0_i32 = arith.constant 0 : i32
    %c0_i32_0 = arith.constant 0 : i32
    %c0_i32_1 = arith.constant 0 : i32
    return %c0_i32, %c0_i32_0 : i32, i32
  }
  func.func @transform_3(%arg0: i32) -> (i32, i32) {
    %c0_i32 = arith.constant 0 : i32
    %c0_i32_0 = arith.constant 0 : i32
    %c0_i32_1 = arith.constant 0 : i32
    return %c0_i32, %c0_i32_0 : i32, i32
  }
  func.func @transform_4(%arg0: i32) -> (i32, i32) {
    %c0_i32 = arith.constant 0 : i32
    %c0_i32_0 = arith.constant 0 : i32
    %c0_i32_1 = arith.constant 0 : i32
    return %c0_i32, %c0_i32_0 : i32, i32
  }
  func.func @transform_5(%arg0: i32) -> (i32, i32) {
    %c0_i32 = arith.constant 0 : i32
    %c0_i32_0 = arith.constant 0 : i32
    %c0_i32_1 = arith.constant 0 : i32
    return %c0_i32, %c0_i32_0 : i32, i32
  }
  func.func @transform_6(%arg0: i32) -> (i32, i32) {
    %c0_i32 = arith.constant 0 : i32
    %c0_i32_0 = arith.constant 0 : i32
    %c0_i32_1 = arith.constant 0 : i32
    return %c0_i32, %c0_i32_0 : i32, i32
  }
  func.func @transform_7(%arg0: i32) -> (i32, i32) {
    %c0_i32 = arith.constant 0 : i32
    %c0_i32_0 = arith.constant 0 : i32
    %c0_i32_1 = arith.constant 0 : i32
    return %c0_i32, %c0_i32_0 : i32, i32
  }
  func.func @transform_8(%arg0: i32) -> (i32, i32) {
    %c0_i32 = arith.constant 0 : i32
    %c0_i32_0 = arith.constant 0 : i32
    return %arg0, %c0_i32 : i32, i32
  }
}

module attributes {stable_mosaic.version = 14 : i64} {
  func.func @_fin_body(%arg0: memref<1x1xf32, #tpu.memory_space<vmem>>, %arg1: memref<800x128xf32, #tpu.memory_space<vmem>>, %arg2: memref<800x128xf32, #tpu.memory_space<vmem>>, %arg3: memref<800x128xf32, #tpu.memory_space<vmem>>, %arg4: memref<800x128xf32, #tpu.memory_space<vmem>>, %arg5: memref<800x128xf32, #tpu.memory_space<vmem>>, %arg6: memref<800x128xf32, #tpu.memory_space<vmem>>, %arg7: memref<800x128xf32, #tpu.memory_space<vmem>>, %arg8: memref<800x128xf32, #tpu.memory_space<vmem>>) attributes {dimension_semantics = [], scalar_prefetch = 0 : i64, scratch_operands = 0 : i64, tpu.core_type = #tpu.core_type<tc>} {
    %get3A = arith.constant 0 : index
    %get3A_0 = arith.constant 0 : index
    %get3A_1 = vector.load %arg2[%get3A, %get3A_0] : memref<800x128xf32, #tpu.memory_space<vmem>>, vector<800x128xf32>
    %get3A_2 = arith.constant 0 : index
    %get3A_3 = arith.constant 0 : index
    %get3A_4 = vector.load %arg3[%get3A_2, %get3A_3] : memref<800x128xf32, #tpu.memory_space<vmem>>, vector<800x128xf32>
    %add3A = arith.addf %get3A_1, %get3A_4 : vector<800x128xf32>
    %get3A_5 = arith.constant 0 : index
    %get3A_6 = arith.constant 0 : index
    %get3A_7 = vector.load %arg4[%get3A_5, %get3A_6] : memref<800x128xf32, #tpu.memory_space<vmem>>, vector<800x128xf32>
    %get3A_8 = arith.constant 0 : index
    %get3A_9 = arith.constant 0 : index
    %get3A_10 = vector.load %arg5[%get3A_8, %get3A_9] : memref<800x128xf32, #tpu.memory_space<vmem>>, vector<800x128xf32>
    %add3A_11 = arith.addf %get3A_7, %get3A_10 : vector<800x128xf32>
    %max3A = arith.constant 1.000000e+00 : f32
    %max3A_12 = vector.broadcast %max3A : f32 to vector<800x128xf32>
    %max3A_13 = arith.maximumf %add3A_11, %max3A_12 : vector<800x128xf32>
    %div3A = arith.divf %add3A, %max3A_13 : vector<800x128xf32>
    %swap3A = arith.constant 0 : index
    %swap3A_14 = arith.constant 0 : index
    %swap3A_15 = vector.load %arg6[%swap3A, %swap3A_14] : memref<800x128xf32, #tpu.memory_space<vmem>>, vector<800x128xf32>
    tpu.vector_store %arg6[%swap3A, %swap3A_14], %div3A {strides = array<i32>} : memref<800x128xf32, #tpu.memory_space<vmem>>, vector<800x128xf32>,
    %get3A_16 = arith.constant 0 : index
    %get3A_17 = arith.constant 0 : index
    %get3A_18 = vector.load %arg1[%get3A_16, %get3A_17] : memref<800x128xf32, #tpu.memory_space<vmem>>, vector<800x128xf32>
    %get3A_19 = arith.constant 0 : index
    %get3A_20 = arith.constant 0 : index
    %get3A_21 = vector.load %arg0[%get3A_19, %get3A_20] : memref<1x1xf32, #tpu.memory_space<vmem>>, vector<1x1xf32>
    %get3A_22 = vector.extract %get3A_21[0, 0] : f32 from vector<1x1xf32>
    %cos3A = math.cos %get3A_18 : vector<800x128xf32>
    %mul3A = vector.broadcast %get3A_22 : f32 to vector<800x128xf32>
    %mul3A_23 = arith.mulf %mul3A, %cos3A : vector<800x128xf32>
    %swap3A_24 = arith.constant 0 : index
    %swap3A_25 = arith.constant 0 : index
    %swap3A_26 = vector.load %arg7[%swap3A_24, %swap3A_25] : memref<800x128xf32, #tpu.memory_space<vmem>>, vector<800x128xf32>
    tpu.vector_store %arg7[%swap3A_24, %swap3A_25], %mul3A_23 {strides = array<i32>} : memref<800x128xf32, #tpu.memory_space<vmem>>, vector<800x128xf32>,
    %sin3A = math.sin %get3A_18 : vector<800x128xf32>
    %mul3A_27 = vector.broadcast %get3A_22 : f32 to vector<800x128xf32>
    %mul3A_28 = arith.mulf %mul3A_27, %sin3A : vector<800x128xf32>
    %swap3A_29 = arith.constant 0 : index
    %swap3A_30 = arith.constant 0 : index
    %swap3A_31 = vector.load %arg8[%swap3A_29, %swap3A_30] : memref<800x128xf32, #tpu.memory_space<vmem>>, vector<800x128xf32>
    tpu.vector_store %arg8[%swap3A_29, %swap3A_30], %mul3A_28 {strides = array<i32>} : memref<800x128xf32, #tpu.memory_space<vmem>>, vector<800x128xf32>,
    return
  }
}

</mosaic_0001>

<sc_bundles>
// kernel: kernel.5.cloned.1.call-start
scs
__scs_entry_jumppad:
0x0: {  	(pc) =	sbr.rel $0x88, $3  }
0x1: {  	(tag) =	ssettag $0x0;
	lr =	simm.s32 $0x1  }
0x2: {  	[smem:$0x3F96] =	sst lr;
	_ =	strace $0xD0000000  }
0x3: {  	_ = 	snop  }
0x4: {  	_ = 	snop  }
0x5: {  	_ = 	snop  }
0x6: {  	_ = 	snop  }
0x7: {  	_ = 	snop  }
__scs_overlays_trampoline_lowered:
0x8: {  	[smem:$0x3FA5] =	sst s0  }
0x9: {  	[smem:$0x3FA6] =	sst s1  }
0xa: {  	[smem:$0x3FA7] =	sst s2  }
0xb: {  	[smem:$0x3FA8] =	sst s3  }
0xc: {  	[smem:$0x3FA9] =	sst s4  }
0xd: {  	[smem:$0x3FAA] =	sst s5  }
0xe: {  	[smem:$0x3FAB] =	sst s6  }
0xf: {  	[smem:$0x3FAC] =	sst s7  }
0x10: {  	[smem:$0x3FAD] =	sst s8  }
0x11: {  	[smem:$0x3FAE] =	sst s9;
	s0 =	simm.s32 @!p0 $0x0  }
0x12: {  	s1 =	sld [smem:$0x3F94];
	s0 =	simm.s32 @p0 $0x1  }
0x13: {  	[smem:$0x3FAF] =	sst s0;
	s0 =	simm.s32 @!p1 $0x0  }
0x14: {  	s2 =	sld [smem:$0x3F93];
	s0 =	simm.s32 @p1 $0x1  }
0x15: {  	[smem:$0x3FB0] =	sst s0;
	s0 =	simm.s32 @!p2 $0x0  }
0x16: {  	s3 =	sld [smem:$0x3FDB];
	s0 =	simm.s32 @p2 $0x1  }
0x17: {  	s4 =	simm.s32 $0x1BF5;
	[smem:$0x3FB2] =	sst s0  }
0x18: {  	s0 =	sld [smem:$0x3F95];
	_ =	swait.ge [sflag:s4], $0x0  }
0x19: {  	s7 =	sld [smem:$0x3F96]  }
0x1a: {  	s8 =	sadd.s32 $0xFFFFE003, lr  }
0x1b: {  	s9 =	sadd.s32 $0xFFFFFEF7, lr;
	s5 =	simm.s32 $0xFFFFFFFF;
	p2 =	slt.u32 s8, $0xFFFFF086  }
0x1c: {  	p1 =	slt.u32 s9, $0xF7A;
	s5 =	simm.s32 @!p2 $0x0  }
0x1d: {  	s5 =	simm.s32 @p1 $0x1;
	p0 =	seq.s32 s7, s2  }
0x1e: {  	s7 =	smul.u32 @!p0 $0xF7A, s2;
	p2 =	seq.s32 @!p0 s5, $0x0  }
0x1f: {  	s9 =	smul.u32 $0xF7A, s1;
	s8 =	simm.s32 @!p0 $0x1BF5;
	p2 =	por !p2, p0  }
0x20: {  	[sflag:s8] =	ssyncset.s32 @!p0 $0xFFFFF086;
	s6 =	sadd.s32 @!p0 s3, s7;
	s7 =	simm.s32 @!p0 $0x108  }
0x21: {  	s3 =	sadd.s32 s3, s9;
	s6 =	sadd.s32 @!p0 $0x88, s6;
	s7 =	simm.s32 @p2 $0x1082  }
0x22: {  	[simem:s7], [sflag:s8] =	dma.local @!p0 [hbm:s6], $0xF7A  }
0x23: {  	s9 =	sor.u32 $0xD0000000, s2;
	s6 =	simm.s32 $0x108;
	_ =	swait.ge @!p0 [sflag:s8], $0x0  }
0x24: {  	s3 =	sadd.s32 $0x88, s3;
	s6 =	simm.s32 @!p1 $0x1082;
	[sflag:s4] =	ssyncset.s32 $0xFFFFF086  }
0x25: {  	[simem:s6], [sflag:s4] =	dma.local [hbm:s3], $0xF7A  }
0x26: {  	[smem:$0x3F96] =	sst s1;
	(tag) =	ssettag s2;
	_ =	strace s9  }
0x27: {  	s1 =	sld [smem:$0x3FA6]  }
0x28: {  	s2 =	sld [smem:$0x3FA7]  }
0x29: {  	s4 =	sld [smem:$0x3FA9]  }
0x2a: {  	p0 =	seq.s32 s5, $0x0;
	s5 =	sld [smem:$0x3FAA]  }
0x2b: {  	s6 =	sld [smem:$0x3FAB]  }
0x2c: {  	s7 =	sld [smem:$0x3FAC]  }
0x2d: {  	s3 =	simm.s32 $0x108;
	s8 =	sld [smem:$0x3FAD]  }
0x2e: {  	s3 =	simm.s32 @!p0 $0x1082;
	s9 =	sld [smem:$0x3FAE]  }
0x2f: {  	lr =	sadd.s32 s0, s3;
	s0 =	sld [smem:$0x3FA5]  }
0x30: {  	s3 =	sld [smem:$0x3FA8]  }
0x31: {  	[smem:$0x3FB1] =	sst s10  }
0x32: {  	s10 =	sld [smem:$0x3FAF];
	_ =	sdelay $0x3  }
0x33: {  	p0 =	seq.s32 s10, $0x1;
	s10 =	sld [smem:$0x3FB1];
	_ =	sdelay $0x3  }
0x34: {  	[smem:$0x3FB1] =	sst s10  }
0x35: {  	s10 =	sld [smem:$0x3FB0];
	_ =	sdelay $0x3  }
0x36: {  	p1 =	seq.s32 s10, $0x1;
	s10 =	sld [smem:$0x3FB1];
	_ =	sdelay $0x3  }
0x37: {  	[smem:$0x3FB1] =	sst s10  }
0x38: {  	s10 =	sld [smem:$0x3FB2]  }
0x39: {  	_ = 	snop;
	(pc) =	sbr.ind lr, $3  }
0x3a: {  	_ = 	snop  }
0x3b: {  	_ = 	snop  }
0x3c: {  	p2 =	seq.s32 s10, $0x1;
	s10 =	sld [smem:$0x3FB1]  }
0x3d: {  	_ =	shalt  }
0x3e: {  	_ =	shalt  }
0x3f: {  	_ =	shalt  }
0x40: {  	_ =	shalt  }
0x41: {  	_ =	shalt  }
0x42: {  	_ =	shalt  }
0x43: {  	_ =	shalt  }
0x44: {  	_ =	shalt  }
0x45: {  	_ =	shalt  }
0x46: {  	_ =	shalt  }
0x47: {  	_ =	shalt  }
0x48: {  	_ =	shalt  }
0x49: {  	_ =	shalt  }
0x4a: {  	_ =	shalt  }
0x4b: {  	_ =	shalt  }
0x4c: {  	_ =	shalt  }
0x4d: {  	_ =	shalt  }
0x4e: {  	_ =	shalt  }
0x4f: {  	_ =	shalt  }
0x50: {  	_ =	shalt  }
0x51: {  	_ =	shalt  }
0x52: {  	_ =	shalt  }
0x53: {  	_ =	shalt  }
0x54: {  	_ =	shalt  }
0x55: {  	_ =	shalt  }
0x56: {  	_ =	shalt  }
0x57: {  	_ =	shalt  }
0x58: {  	_ =	shalt  }
0x59: {  	_ =	shalt  }
0x5a: {  	_ =	shalt  }
0x5b: {  	_ =	shalt  }
0x5c: {  	_ =	shalt  }
0x5d: {  	_ =	shalt  }
0x5e: {  	_ =	shalt  }
0x5f: {  	_ =	shalt  }
0x60: {  	_ =	shalt  }
0x61: {  	_ =	shalt  }
0x62: {  	_ =	shalt  }
0x63: {  	_ =	shalt  }
0x64: {  	_ =	shalt  }
0x65: {  	_ =	shalt  }
0x66: {  	_ =	shalt  }
0x67: {  	_ =	shalt  }
0x68: {  	_ =	shalt  }
0x69: {  	_ =	shalt  }
0x6a: {  	_ =	shalt  }
0x6b: {  	_ =	shalt  }
0x6c: {  	_ =	shalt  }
0x6d: {  	_ =	shalt  }
0x6e: {  	_ =	shalt  }
0x6f: {  	_ =	shalt  }
0x70: {  	_ =	shalt  }
0x71: {  	_ =	shalt  }
0x72: {  	_ =	shalt  }
0x73: {  	_ =	shalt  }
0x74: {  	_ =	shalt  }
0x75: {  	_ =	shalt  }
0x76: {  	_ =	shalt  }
0x77: {  	_ =	shalt  }
0x78: {  	_ =	shalt  }
0x79: {  	_ =	shalt  }
0x7a: {  	_ =	shalt  }
0x7b: {  	_ =	shalt  }
0x7c: {  	_ =	shalt  }
0x7d: {  	_ =	shalt  }
0x7e: {  	_ =	shalt  }
0x7f: {  	_ =	shalt  }
0x80: {  	_ =	shalt  }
0x81: {  	_ =	shalt  }
0x82: {  	_ =	shalt  }
0x83: {  	_ =	shalt  }
0x84: {  	_ =	shalt  }
0x85: {  	_ =	shalt  }
0x86: {  	_ =	shalt  }
0x87: {  	_ =	shalt  }
.Lfunc_end0:
.L_simem_size_0:
called_computation_lowered:
.L_overlay_start_0:
0x88: {  	s2 =	sld [smem:$0x3FD9]  }
0x89: {  	s3 =	sld [smem:$0x3FFE];
	_ =	sdelay $0x1  }
0x8a: {  	s1 =	srdreg.scid  }
0x8b: {  	s0 =	sand.u32 $0x1, s1  }
0x8c: {  	s14 =	sshll.u32 s0, $0xA;
	s2 =	sadd.s32 s3, s2  }
0x8d: {  	s2 =	sadd.s32 s2, s14  }
0x8e: {  	[smem:$0x3FBD] =	sst s2  }
0x8f: {  	_ = 	snop  }
0x90: {  	s2 =	sld [smem:$0x3FD0];
	_ =	sdelay $0x2  }
0x91: {  	s15 =	simm.s32 $0xA;
	s4 =	simm.s32 $0x10  }
0x92: {  	[smem:s4], [sflag:s15] =	dma.local [hbm:s2], $0x1  }
0x93: {  	_ =	swait.eq [sflag:s15], $0x1  }
0x94: {  	[sflag:s15] =	ssyncset.done $0x0  }
0x95: {  	s16 =	sld [smem:$0x10];
	[sflag:s15] =	ssyncadd.s32 $0xFFFFFFFF  }
0x96: {  	s17 =	sld [smem:$0x11];
	(tm) =	ssettm $0x1  }
0x97: {  	s18 =	sld [smem:$0x3FFB];
	_ =	sdelay $0x3  }
0x98: {  	_ =	strace s18  }
0x99: {  	s4 =	sld [smem:$0x3FFC];
	_ =	sdelay $0x3  }
0x9a: {  	_ =	strace s4  }
0x9b: {  	s4 =	sld [smem:$0x3FFD];
	_ =	sdelay $0x3  }
0x9c: {  	_ =	strace s4  }
0x9d: {  	_ =	strace $0x8FFFFFFF  }
0x9e: {  	s19 =	sld [smem:$0x3FDB];
	_ =	sdelay $0x1  }
0x9f: {  	s5 =	simm.s32 $_scs_section_size  }
0xa0: {  	s6 =	simm.s32 $_size__tile_overlayer_lowered;
	s7 =	simm.s32 $_tile_overlayer_lowered  }
0xa1: {  	s22 =	simm.s32 $0x1BFF;
	s21 =	sshll.u32 s7, $0x1;
	s4 =	sadd.s32 s5, s19  }
0xa2: {  	s8 =	simm.s32 $0x0;
	s20 =	sshll.u32 s6, $0x1;
	s6 =	sadd.s32 s21, s4  }
0xa3: {  	[timem:s8], [sflag:s22] =	dma.local [hbm:s6], s20  }
0xa4: {  	_ =	swait.ge [sflag:s22], s20  }
0xa5: {  	s5 =	ssub.s32 $0x0, s20;
	[sflag:s22] =	ssyncset.done $0x0  }
0xa6: {  	[sflag:s22] =	ssyncadd.s32 s5;
	_ =	sdelay $0x1  }
0xa7: {  	s23 =	simm.s32 $0x1B8B  }
0xa8: {  	_ =	swait.ge [sflag:s23], $0x1  }
0xa9: {  	[sflag:s23] =	ssyncset.done $0x0  }
0xaa: {  	s25 =	simm.s32 $0x1B8E;
	s24 =	sld [smem:$0x3FFE];
	[sflag:s23] =	ssyncadd.s32 $0xFFFFFFFF  }
0xab: {  	s26 =	simm.s32 $execute0_lowered;
	[smem:$0x3FD2] =	sst s25  }
0xac: {  	s6 =	sshll.u32 s26, $0x1;
	_ =	strace $0x80000046;
	[dreg:$0x1] =	wrdreg $0xFFFFFFFF  }
0xad: {  	s28 =	simm.s32 $_size_execute0_lowered;
	s4 =	sadd.s32 s4, s6;
	[dreg:$0x0] =	wrdreg $0x0  }
0xae: {  	s6 =	sshll.u32 s28, $0x1;
	[dreg:$0x2] =	wrdreg s4  }
0xaf: {  	[dreg:$0x3] =	wrdreg s6  }
0xb0: {  	[dreg:$0x4] =	wrdreg $0xC0  }
0xb1: {  	_ =	task [dreg:s8], $0x5FFFF  }
0xb2: {  	[dreg:$0x1] =	wrdreg $0xFFFFFFFF  }
0xb3: {  	[dreg:$0x0] =	wrdreg $0x60  }
0xb4: {  	[dreg:$0x2] =	wrdreg s17  }
0xb5: {  	[dreg:$0x3] =	wrdreg s24  }
0xb6: {  	[dreg:$0x4] =	wrdreg s16  }
0xb7: {  	[dreg:$0x5] =	wrdreg $0xC4800  }
0xb8: {  	[dreg:$0x6] =	wrdreg $0xDCF00  }
0xb9: {  	[dreg:$0x7] =	wrdreg $0xF5F00  }
0xba: {  	[dreg:$0x8] =	wrdreg $0x9  }
0xbb: {  	_ =	task.clear_ibuf [dreg:s8], $0x9FFFF;
	_ =	strace $0x90000046  }
0xbc: {  	s29 =	simm.s32 $0x9;
	_ =	strace $0x80000048  }
0xbd: {  	_ =	swait.ge [sflag:s29], $0x1  }
0xbe: {  	[sflag:s29] =	ssyncadd.s32 $0xFFFFFFFF  }
0xbf: {  	_ =	strace $0x90000048  }
0xc0: {  	_ =	sfence  }
0xc1: {  	s30 =	sld [smem:$0x0];
	_ =	sdelay $0x2  }
0xc2: {  	s31 =	sshll.u32 s1, $0xD;
	s1 =	sshrl.u32 s1, $0x2  }
0xc3: {  	s3 =	sand.u32 $0x4000, s31;
	s1 =	sadd.s32 s1, s30  }
0xc4: {  	s0 =	sor.u32 s3, s0;
	s1 =	sshll.u32 s1, $0x11  }
0xc5: {  	s0 =	sor.u32 s1, s0  }
0xc6: {  	s0 =	sadd.s32 $0x8F2B, s0  }
0xc7: {  	[sflag:s0] =	ssyncadd.remote.s32 $0x1  }
0xc8: {  	_ =	sfence.sel $0xFFFF  }
0xc9: {  	[dreg:$0x0] =	wrdreg $0xFFFFFFFF;
	(pc) =	sbr.abs _section_cstart, $3  }
0xca: {  	[dreg:$0x1] =	wrdreg $0xFFFFFFFF  }
0xcb: {  	_ =	task.clear_ibuf [dreg:s8], $0x2FFFF;
	_ =	strace $0x9FFFFFFF  }
0xcc: {  	(tm) =	ssettm $0x7FFFFFFF  }
0xcd: {  	_ =	shalt  }
tec
execute0_lowered:
.L_overlay_start_1:
0x0: {  	(tag) =	ssettag $0x1  }
0x1: {  	s0 =	rddreg [dreg:$0x0]  }
0x2: {  	s1 =	rddreg [dreg:$0x1]  }
0x3: {  	s2 =	rddreg [dreg:$0x3]  }
0x4: {  	s5 =	rddreg [dreg:$0x4]  }
0x5: {  	s3 =	srdreg.scid;
	s4 =	stileid.u32  }
0x6: {  	s12 =	rddreg [dreg:$0x5];
	s6 =	simm.s32 $0x0;
	s7 =	smul.u32 $0x3200, s4  }
0x7: {  	s3 =	sand.u32 $0x1, s3;
	[smem:$0x7FF] =	sst s6;
	s24 =	smul.u32 $0x1870, s4  }
0x8: {  	s13 =	sadd.s32 $0xE00, s1;
	s10 =	sshll.u32 s4, $0x1;
	s8 =	sshll.u32 s3, $0x7  }
0x9: {  	_ =	strace $0x80000047;
	s25 =	ssub.s32 $0x2, s3;
	s3 =	sor.u32 s3, s10  }
0xa: {  	[dreg:$0x7] =	wrdreg s13;
	s7 =	sor.u32 s8, s7;
	s11 =	sshrl.u32 s24, $0x3  }
0xb: {  	s26 =	sadd.s32 s24, s2;
	s28 =	sshll.u32 s3, $0xA;
	s29 =	ssub.s32 $0xC54, s3  }
0xc: {  	s3 =	sshll.u32 s3, $0x7;
	s7 =	sshrl.u32 s7, $0x3;
	[dreg:$0x9] =	wrdreg s26  }
0xd: {  	s0 =	sadd.s32 s0, s11;
	[dreg:$0xa] =	wrdreg s28;
	s31 =	sshrl.u32 s28, $0x3  }
0xe: {  	s3 =	sadd.s32 s13, s3;
	[dreg:$0x8] =	wrdreg s0;
	s0 =	smul.u32 $0x1900, s4  }
0xf: {  	s4 =	sshrl.u32 s29, $0x5;
	[dreg:$0xc] =	wrdreg s3;
	s10 =	sadd.s32 s13, s31  }
0x10: {  	s1 =	sadd.s32 s7, s1;
	s3 =	sadd.s32 $0x61A80, s10;
	[dreg:$0xb] =	wrdreg s4  }
0x11: {  	s9 =	sshrl.u32 s25, $0x1;
	s11 =	sadd.s32 $0xC4400, s1;
	[dreg:$0xd] =	wrdreg s3  }
0x12: {  	s7 =	ssub.s32 s25, s9;
	s1 =	sadd.s32 $0xCA800, s1;
	[dreg:$0xe] =	wrdreg s11  }
0x13: {  	s14 =	smax.u32 s7, $0x1;
	[dreg:$0xf] =	wrdreg s1  }
0x14: {  	[dreg:$0x10] =	wrdreg s14;
	s7 =	sadd.s32 s0, s5  }
0x15: {  	s13 =	sadd.s32 $0x320, s0;
	s8 =	sadd.s32 s0, s12;
	[dreg:$0x1b] =	wrdreg s7  }
0x16: {  	s15 =	sadd.s32 s13, s5;
	[dreg:$0x1c] =	wrdreg s8  }
0x17: {  	s17 =	sadd.s32 $0x640, s0;
	s16 =	sadd.s32 s13, s12;
	[dreg:$0x11] =	wrdreg s15  }
0x18: {  	s19 =	sadd.s32 s17, s5;
	[dreg:$0x12] =	wrdreg s16  }
0x19: {  	s18 =	sadd.s32 $0x960, s0;
	s1 =	sadd.s32 s17, s12;
	[dreg:$0x13] =	wrdreg s19  }
0x1a: {  	s20 =	sadd.s32 s18, s5;
	[dreg:$0x14] =	wrdreg s1  }
0x1b: {  	s22 =	sadd.s32 $0xC80, s0;
	s21 =	sadd.s32 s18, s12;
	[dreg:$0x15] =	wrdreg s20  }
0x1c: {  	s23 =	sadd.s32 $0xFA0, s0;
	s24 =	sadd.s32 s22, s5;
	[dreg:$0x16] =	wrdreg s21  }
0x1d: {  	s25 =	sadd.s32 s23, s5;
	[dreg:$0x17] =	wrdreg s24  }
0x1e: {  	s28 =	sadd.s32 $0x12C0, s0;
	s26 =	sadd.s32 s23, s12;
	[dreg:$0x19] =	wrdreg s25  }
0x1f: {  	s0 =	sadd.s32 $0x15E0, s0;
	s29 =	sadd.s32 s28, s5;
	[dreg:$0x1a] =	wrdreg s26  }
0x20: {  	s31 =	sadd.s32 s0, s5;
	[dreg:$0x1d] =	wrdreg s29  }
0x21: {  	s30 =	simm.s32 $0x3;
	s0 =	sadd.s32 s0, s12;
	[dreg:$0x1f] =	wrdreg s31  }
0x22: {  	s9 =	simm.s32 $0x4;
	s1 =	sadd.s32 s22, s12;
	[smem:$0x7FD] =	sst s0  }
0x23: {  	s3 =	simm.s32 $0x1;
	[dreg:$0x18] =	wrdreg s1;
	s1 =	sadd.s32 s28, s12  }
0x24: {  	v0 =	vimm.f32 $0.0e+00;
	v1 =	vimm.f32 $1.000000000e+00;
	s13 =	simm.s32 $0x80;
	[dreg:$0x1e] =	wrdreg s1;
	s1 =	simm.s32 $0x0  }
.LBB2_1:
0x25: {  	[smem:$0x7FC] =	sst s1  }
0x26: {  	s0 =	rddreg [dreg:$0x2]  }
0x27: {  	[tilespmem:s6], [sflag:$0x4] =	stream.linear.gather [hbm4b:s0+s6], $0x8800, $0x38;
	[tilespmem:$0x10EF0] =	vst v63  }
0x28: {  	_ =	swait.ge [sflag:s9], $0x8800  }
0x29: {  	[sflag:s9] =	ssyncset.done $0x0  }
0x2a: {  	s29 =	simm.s32 $0xAC00;
	s28 =	rddreg [dreg:$0x8];
	[sflag:s9] =	ssyncadd.s32 $0xFFFF7800  }
0x2b: {  	[tilespmem:s29], [sflag:$0x4] =	stream.linear.gather [hbm4b:s28+s6], $0x1870, $0x38;
	[tilespmem:$0x10EF0] =	vst v63  }
0x2c: {  	_ =	swait.ge [sflag:s9], $0x1870  }
0x2d: {  	[sflag:s9] =	ssyncset.done $0x0  }
0x2e: {  	s31 =	rddreg [dreg:$0x9];
	[sflag:s9] =	ssyncadd.s32 $0xFFFFE790  }
0x2f: {  	[spmem:s31] =	stream.linear.scatter [tilespmem:s29], [sflag:$0x4], $0x1870, $0x38;
	[tilespmem:$0x10EF0] =	vst v63  }
0x30: {  	_ =	swait.ge [sflag:s9], $0x1870  }
0x31: {  	[sflag:s9] =	ssyncset.done $0x0  }
0x32: {  	s1 =	simm.s32 $0x0;
	s0 =	simm.s32 $0x40;
	[sflag:s9] =	ssyncadd.s32 $0xFFFFE790  }
.LBB2_2:
0x33: {  	p0 =	sne.s32 s0, $0xC40;
	[tilespmem:s1+$0xA880] =	vst v0;
	s1 =	smov.u32 s0;
	s0 =	sadd.s32 $0x40, s0  }
.Ltmp0:
0x34: {  	(pc) =	sbr.rel @p0 .LBB2_2-.Ltmp0, $2  }
0x35: {  	_ =	sdelay $0x2  }
0x36: {  	s1 =	sshra.s32 s1, $0x2  }
0x37: {  	[tilespmem:s1+$0xA880] =	vst v0  }
0x38: {  	[tilespmem:$0xA800] =	vst v1  }
0x39: {  	[tilespmem:$0xA810] =	vst v1  }
0x3a: {  	[tilespmem:$0xA820] =	vst v1  }
0x3b: {  	[tilespmem:$0xA830] =	vst v1  }
0x3c: {  	[tilespmem:$0xA840] =	vst v1  }
0x3d: {  	[tilespmem:$0xA850] =	vst v1  }
0x3e: {  	[tilespmem:$0xA860] =	vst v1  }
0x3f: {  	s10 =	simm.s32 $0xA880;
	[tilespmem:$0xA870] =	vst v1  }
0x40: {  	[spmem:s7] =	stream.linear.scatter [tilespmem:s10], [sflag:$0x4], $0x320, $0x38;
	[tilespmem:$0x10EF0] =	vst v63  }
0x41: {  	_ =	swait.ge [sflag:s9], $0x320  }
0x42: {  	[sflag:s9] =	ssyncset.done $0x0  }
0x43: {  	[sflag:s9] =	ssyncadd.s32 $0xFFFFFCE0  }
0x44: {  	[spmem:s8] =	stream.linear.scatter [tilespmem:s10], [sflag:$0x4], $0x320, $0x38;
	[tilespmem:$0x10EF0] =	vst v63  }
0x45: {  	_ =	swait.ge [sflag:s9], $0x320  }
0x46: {  	[sflag:s9] =	ssyncset.done $0x0  }
0x47: {  	s0 =	rddreg [dreg:$0x11];
	[sflag:s9] =	ssyncadd.s32 $0xFFFFFCE0  }
0x48: {  	[spmem:s0] =	stream.linear.scatter [tilespmem:s10], [sflag:$0x4], $0x320, $0x38;
	[tilespmem:$0x10EF0] =	vst v63  }
0x49: {  	_ =	swait.ge [sflag:s9], $0x320  }
0x4a: {  	[sflag:s9] =	ssyncset.done $0x0  }
0x4b: {  	s11 =	rddreg [dreg:$0x12];
	[sflag:s9] =	ssyncadd.s32 $0xFFFFFCE0  }
0x4c: {  	[spmem:s11] =	stream.linear.scatter [tilespmem:s10], [sflag:$0x4], $0x320, $0x38;
	[tilespmem:$0x10EF0] =	vst v63  }
0x4d: {  	_ =	swait.ge [sflag:s9], $0x320  }
0x4e: {  	[sflag:s9] =	ssyncset.done $0x0  }
0x4f: {  	s12 =	rddreg [dreg:$0x13];
	[sflag:s9] =	ssyncadd.s32 $0xFFFFFCE0  }
0x50: {  	[spmem:s12] =	stream.linear.scatter [tilespmem:s10], [sflag:$0x4], $0x320, $0x38;
	[tilespmem:$0x10EF0] =	vst v63  }
0x51: {  	_ =	swait.ge [sflag:s9], $0x320  }
0x52: {  	[sflag:s9] =	ssyncset.done $0x0  }
0x53: {  	s14 =	rddreg [dreg:$0x14];
	[sflag:s9] =	ssyncadd.s32 $0xFFFFFCE0  }
0x54: {  	[spmem:s14] =	stream.linear.scatter [tilespmem:s10], [sflag:$0x4], $0x320, $0x38;
	[tilespmem:$0x10EF0] =	vst v63  }
0x55: {  	_ =	swait.ge [sflag:s9], $0x320  }
0x56: {  	[sflag:s9] =	ssyncset.done $0x0  }
0x57: {  	s15 =	rddreg [dreg:$0x15];
	[sflag:s9] =	ssyncadd.s32 $0xFFFFFCE0  }
0x58: {  	[spmem:s15] =	stream.linear.scatter [tilespmem:s10], [sflag:$0x4], $0x320, $0x38;
	[tilespmem:$0x10EF0] =	vst v63  }
0x59: {  	_ =	swait.ge [sflag:s9], $0x320  }
0x5a: {  	[sflag:s9] =	ssyncset.done $0x0  }
0x5b: {  	s16 =	rddreg [dreg:$0x16];
	[sflag:s9] =	ssyncadd.s32 $0xFFFFFCE0  }
0x5c: {  	[spmem:s16] =	stream.linear.scatter [tilespmem:s10], [sflag:$0x4], $0x320, $0x38;
	[tilespmem:$0x10EF0] =	vst v63  }
0x5d: {  	_ =	swait.ge [sflag:s9], $0x320  }
0x5e: {  	[sflag:s9] =	ssyncset.done $0x0  }
0x5f: {  	s17 =	rddreg [dreg:$0x17];
	[sflag:s9] =	ssyncadd.s32 $0xFFFFFCE0  }
0x60: {  	[spmem:s17] =	stream.linear.scatter [tilespmem:s10], [sflag:$0x4], $0x320, $0x38;
	[tilespmem:$0x10EF0] =	vst v63  }
0x61: {  	_ =	swait.ge [sflag:s9], $0x320  }
0x62: {  	[sflag:s9] =	ssyncset.done $0x0  }
0x63: {  	s18 =	rddreg [dreg:$0x18];
	[sflag:s9] =	ssyncadd.s32 $0xFFFFFCE0  }
0x64: {  	[spmem:s18] =	stream.linear.scatter [tilespmem:s10], [sflag:$0x4], $0x320, $0x38;
	[tilespmem:$0x10EF0] =	vst v63  }
0x65: {  	_ =	swait.ge [sflag:s9], $0x320  }
0x66: {  	[sflag:s9] =	ssyncset.done $0x0  }
0x67: {  	s19 =	rddreg [dreg:$0x19];
	[sflag:s9] =	ssyncadd.s32 $0xFFFFFCE0  }
0x68: {  	[spmem:s19] =	stream.linear.scatter [tilespmem:s10], [sflag:$0x4], $0x320, $0x38;
	[tilespmem:$0x10EF0] =	vst v63  }
0x69: {  	_ =	swait.ge [sflag:s9], $0x320  }
0x6a: {  	[sflag:s9] =	ssyncset.done $0x0  }
0x6b: {  	s20 =	rddreg [dreg:$0x1a];
	[sflag:s9] =	ssyncadd.s32 $0xFFFFFCE0  }
0x6c: {  	[spmem:s20] =	stream.linear.scatter [tilespmem:s10], [sflag:$0x4], $0x320, $0x38;
	[tilespmem:$0x10EF0] =	vst v63  }
0x6d: {  	_ =	swait.ge [sflag:s9], $0x320  }
0x6e: {  	[sflag:s9] =	ssyncset.done $0x0  }
0x6f: {  	s21 =	rddreg [dreg:$0x1d];
	[sflag:s9] =	ssyncadd.s32 $0xFFFFFCE0  }
0x70: {  	[spmem:s21] =	stream.linear.scatter [tilespmem:s10], [sflag:$0x4], $0x320, $0x38;
	[tilespmem:$0x10EF0] =	vst v63  }
0x71: {  	_ =	swait.ge [sflag:s9], $0x320  }
0x72: {  	[sflag:s9] =	ssyncset.done $0x0  }
0x73: {  	s22 =	rddreg [dreg:$0x1e];
	[sflag:s9] =	ssyncadd.s32 $0xFFFFFCE0  }
0x74: {  	[spmem:s22] =	stream.linear.scatter [tilespmem:s10], [sflag:$0x4], $0x320, $0x38;
	[tilespmem:$0x10EF0] =	vst v63  }
0x75: {  	_ =	swait.ge [sflag:s9], $0x320  }
0x76: {  	[sflag:s9] =	ssyncset.done $0x0  }
0x77: {  	s23 =	rddreg [dreg:$0x1f];
	[sflag:s9] =	ssyncadd.s32 $0xFFFFFCE0  }
0x78: {  	[spmem:s23] =	stream.linear.scatter [tilespmem:s10], [sflag:$0x4], $0x320, $0x38;
	[tilespmem:$0x10EF0] =	vst v63  }
0x79: {  	_ =	swait.ge [sflag:s9], $0x320  }
0x7a: {  	s24 =	sld [smem:$0x7FD]  }
0x7b: {  	[sflag:s9] =	ssyncset.done $0x0  }
0x7c: {  	[sflag:s9] =	ssyncadd.s32 $0xFFFFFCE0  }
0x7d: {  	[spmem:s24] =	stream.linear.scatter [tilespmem:s10], [sflag:$0x4], $0x320, $0x38;
	[tilespmem:$0x10EF0] =	vst v63  }
0x7e: {  	_ =	swait.ge [sflag:s9], $0x320  }
0x7f: {  	[sflag:s9] =	ssyncset.done $0x0  }
0x80: {  	[sflag:s9] =	ssyncadd.s32 $0xFFFFFCE0  }
0x81: {  	[bflag:$0x0] =	sbarrier.arrive $0xFFFF  }
0x82: {  	s28 =	simm.s32 $0x0;
	s26 =	simm.s32 $0x8800;
	s25 =	rddreg [dreg:$0xc]  }
0x83: {  	[tilespmem:s26], [sflag:$0x2] =	stream.linear.gather [hbm4b:s25+s28], $0x400, $0x38;
	[tilespmem:$0x10EF0] =	vst v63  }
0x84: {  	s31 =	simm.s32 $0x9000;
	s29 =	rddreg [dreg:$0xd]  }
0x85: {  	[tilespmem:s31], [sflag:$0x2] =	stream.linear.gather [hbm4b:s29+s28], $0x400, $0x38;
	[tilespmem:$0x10EF0] =	vst v63  }
.LBB2_4:
0x86: {  	s5 =	simm.s32 $0x2  }
0x87: {  	_ =	swait.ge [sflag:s5], $0x400  }
0x88: {  	[sflag:s5] =	ssyncset.done $0x0  }
0x89: {  	s10 =	sand.u32 $0x1, s28;
	s28 =	sadd.s32 $0x1, s28;
	[sflag:s5] =	ssyncadd.s32 $0xFFFFFC00  }
0x8a: {  	p0 =	slt.u32 s28, s4;
	_ =	swait.ge [sflag:s5], $0x400  }
0x8b: {  	s0 =	sshll.u32 @p0 s28, $0xF;
	s8 =	simm.s32 @p0 $0x0;
	s1 =	rddreg [dreg:$0xa]  }
0x8c: {  	s29 =	sshll.u32 @!p0 s10, $0xA;
	[sflag:s5] =	ssyncset.done $0x0;
	s0 =	sor.u32 @p0 s1, s0  }
0x8d: {  	s4 =	rddreg [dreg:$0x7];
	s1 =	sshll.u32 @p0 s10, $0xA;
	s0 =	sshrl.u32 @p0 s0, $0x3  }
0x8e: {  	[sflag:s5] =	ssyncadd.s32 $0xFFFFFC00;
	s7 =	sxor.u32 @p0 $0x8C00, s1;
	s0 =	sadd.s32 @p0 s4, s0  }
0x8f: {  	[tilespmem:s7], [sflag:$0x2] =	stream.linear.gather @p0 [hbm4b:s0+s8], $0x400, $0x38;
	[tilespmem:$0x10EF0] =	vst v63  }
0x90: {  	s29 =	smov.u32 @p0 s1;
	s7 =	sxor.u32 @p0 $0x9400, s1;
	s0 =	sadd.s32 @p0 $0x61A80, s0  }
0x91: {  	[tilespmem:s7], [sflag:$0x2] =	stream.linear.gather @p0 [hbm4b:s0+s8], $0x400, $0x38;
	[tilespmem:$0x10EF0] =	vst v63  }
0x92: {  	s9 =	simm.s32 $0xA000;
	s19 =	sor.u32 $0x8800, s29  }
0x93: {  	[tilespmem:s9], [sflag:$0x3] =	stream.indirect.gather [spmem:s2], $0x1, s19, s13, $0xb8;
	[tilespmem:$0x10EF0] =	vst v63  }
0x94: {  	s17 =	simm.s32 $0xA400;
	s1 =	sor.u32 $0x9000, s29  }
0x95: {  	[tilespmem:s17], [sflag:$0x3] =	stream.indirect.gather [spmem:s2], $0x1, s1, s13, $0xb8;
	[tilespmem:$0x10EF0] =	vst v63  }
0x96: {  	s21 =	simm.s32 $0xA080;
	s20 =	sor.u32 $0x8880, s29  }
0x97: {  	[tilespmem:s21], [sflag:$0x3] =	stream.indirect.gather [spmem:s2], $0x1, s20, s13, $0xb8;
	[tilespmem:$0x10EF0] =	vst v63  }
0x98: {  	s22 =	simm.s32 $0xA480;
	s14 =	sor.u32 $0x9080, s29  }
0x99: {  	[tilespmem:s22], [sflag:$0x3] =	stream.indirect.gather [spmem:s2], $0x1, s14, s13, $0xb8;
	[tilespmem:$0x10EF0] =	vst v63  }
0x9a: {  	s24 =	simm.s32 $0xA100;
	s23 =	sor.u32 $0x8900, s29  }
0x9b: {  	[tilespmem:s24], [sflag:$0x3] =	stream.indirect.gather [spmem:s2], $0x1, s23, s13, $0xb8;
	[tilespmem:$0x10EF0] =	vst v63  }
0x9c: {  	s25 =	simm.s32 $0xA500;
	s15 =	sor.u32 $0x9100, s29  }
0x9d: {  	[tilespmem:s25], [sflag:$0x3] =	stream.indirect.gather [spmem:s2], $0x1, s15, s13, $0xb8;
	[tilespmem:$0x10EF0] =	vst v63  }
0x9e: {  	s31 =	simm.s32 $0xA180;
	s26 =	sor.u32 $0x8980, s29  }
0x9f: {  	[tilespmem:s31], [sflag:$0x3] =	stream.indirect.gather [spmem:s2], $0x1, s26, s13, $0xb8;
	[tilespmem:$0x10EF0] =	vst v63  }
0xa0: {  	s5 =	simm.s32 $0xA580;
	s16 =	sor.u32 $0x9180, s29  }
0xa1: {  	[tilespmem:s5], [sflag:$0x3] =	stream.indirect.gather [spmem:s2], $0x1, s16, s13, $0xb8;
	[tilespmem:$0x10EF0] =	vst v63  }
0xa2: {  	s7 =	sor.u32 $0x8A00, s29;
	s8 =	simm.s32 $0xA200  }
0xa3: {  	[tilespmem:s8], [sflag:$0x3] =	stream.indirect.gather [spmem:s2], $0x1, s7, s13, $0xb8;
	[tilespmem:$0x10EF0] =	vst v63  }
0xa4: {  	s11 =	simm.s32 $0xA600;
	s18 =	sor.u32 $0x9200, s29  }
0xa5: {  	[tilespmem:s11], [sflag:$0x3] =	stream.indirect.gather [spmem:s2], $0x1, s18, s13, $0xb8;
	[tilespmem:$0x10EF0] =	vst v63  }
0xa6: {  	s12 =	sor.u32 $0x8A80, s29;
	s19 =	simm.s32 $0xA280  }
0xa7: {  	[tilespmem:s19], [sflag:$0x3] =	stream.indirect.gather [spmem:s2], $0x1, s12, s13, $0xb8;
	[tilespmem:$0x10EF0] =	vst v63  }
0xa8: {  	s20 =	simm.s32 $0xA680;
	s19 =	sor.u32 $0x9280, s29  }
0xa9: {  	[tilespmem:s20], [sflag:$0x3] =	stream.indirect.gather [spmem:s2], $0x1, s19, s13, $0xb8;
	[tilespmem:$0x10EF0] =	vst v63  }
0xaa: {  	s21 =	sor.u32 $0x8B00, s29;
	s22 =	simm.s32 $0xA300  }
0xab: {  	[tilespmem:s22], [sflag:$0x3] =	stream.indirect.gather [spmem:s2], $0x1, s21, s13, $0xb8;
	[tilespmem:$0x10EF0] =	vst v63  }
0xac: {  	s23 =	simm.s32 $0xA700;
	s20 =	sor.u32 $0x9300, s29  }
0xad: {  	[tilespmem:s23], [sflag:$0x3] =	stream.indirect.gather [spmem:s2], $0x1, s20, s13, $0xb8;
	[tilespmem:$0x10EF0] =	vst v63  }
0xae: {  	s24 =	sor.u32 $0x8B80, s29;
	s25 =	simm.s32 $0xA380  }
0xaf: {  	[tilespmem:s25], [sflag:$0x3] =	stream.indirect.gather [spmem:s2], $0x1, s24, s13, $0xb8;
	[tilespmem:$0x10EF0] =	vst v63  }
0xb0: {  	s26 =	simm.s32 $0xA780;
	s21 =	sor.u32 $0x9380, s29  }
0xb1: {  	[tilespmem:s26], [sflag:$0x3] =	stream.indirect.gather [spmem:s2], $0x1, s21, s13, $0xb8;
	[tilespmem:$0x10EF0] =	vst v63  }
0xb2: {  	_ =	swait.ge [sflag:s30], $0x80  }
0xb3: {  	[sflag:s30] =	ssyncset.done $0x0  }
0xb4: {  	[sflag:s30] =	ssyncadd.s32 $0xFFFFFF80  }
0xb5: {  	_ =	swait.ge [sflag:s30], $0x80  }
0xb6: {  	[sflag:s30] =	ssyncset.done $0x0  }
0xb7: {  	[sflag:s30] =	ssyncadd.s32 $0xFFFFFF80  }
0xb8: {  	_ =	swait.ge [sflag:s30], $0x80  }
0xb9: {  	[sflag:s30] =	ssyncset.done $0x0  }
0xba: {  	[sflag:s30] =	ssyncadd.s32 $0xFFFFFF80  }
0xbb: {  	_ =	swait.ge [sflag:s30], $0x80  }
0xbc: {  	[sflag:s30] =	ssyncset.done $0x0  }
0xbd: {  	[sflag:s30] =	ssyncadd.s32 $0xFFFFFF80  }
0xbe: {  	_ =	swait.ge [sflag:s30], $0x80  }
0xbf: {  	[sflag:s30] =	ssyncset.done $0x0  }
0xc0: {  	[sflag:s30] =	ssyncadd.s32 $0xFFFFFF80  }
0xc1: {  	_ =	swait.ge [sflag:s30], $0x80  }
0xc2: {  	[sflag:s30] =	ssyncset.done $0x0  }
0xc3: {  	[sflag:s30] =	ssyncadd.s32 $0xFFFFFF80  }
0xc4: {  	_ =	swait.ge [sflag:s30], $0x80  }
0xc5: {  	[sflag:s30] =	ssyncset.done $0x0  }
0xc6: {  	[sflag:s30] =	ssyncadd.s32 $0xFFFFFF80  }
0xc7: {  	_ =	swait.ge [sflag:s30], $0x80  }
0xc8: {  	[sflag:s30] =	ssyncset.done $0x0  }
0xc9: {  	[sflag:s30] =	ssyncadd.s32 $0xFFFFFF80  }
0xca: {  	_ =	swait.ge [sflag:s30], $0x80  }
0xcb: {  	[sflag:s30] =	ssyncset.done $0x0  }
0xcc: {  	[sflag:s30] =	ssyncadd.s32 $0xFFFFFF80  }
0xcd: {  	_ =	swait.ge [sflag:s30], $0x80  }
0xce: {  	[sflag:s30] =	ssyncset.done $0x0  }
0xcf: {  	[sflag:s30] =	ssyncadd.s32 $0xFFFFFF80  }
0xd0: {  	_ =	swait.ge [sflag:s30], $0x80  }
0xd1: {  	[sflag:s30] =	ssyncset.done $0x0  }
0xd2: {  	[sflag:s30] =	ssyncadd.s32 $0xFFFFFF80  }
0xd3: {  	_ =	swait.ge [sflag:s30], $0x80  }
0xd4: {  	[sflag:s30] =	ssyncset.done $0x0  }
0xd5: {  	[sflag:s30] =	ssyncadd.s32 $0xFFFFFF80  }
0xd6: {  	_ =	swait.ge [sflag:s30], $0x80  }
0xd7: {  	[sflag:s30] =	ssyncset.done $0x0  }
0xd8: {  	[sflag:s30] =	ssyncadd.s32 $0xFFFFFF80  }
0xd9: {  	_ =	swait.ge [sflag:s30], $0x80  }
0xda: {  	[sflag:s30] =	ssyncset.done $0x0  }
0xdb: {  	[sflag:s30] =	ssyncadd.s32 $0xFFFFFF80  }
0xdc: {  	_ =	swait.ge [sflag:s30], $0x80  }
0xdd: {  	s0 =	simm.s32 $0x0;
	s31 =	sshll.u32 s10, $0xA;
	[sflag:s30] =	ssyncset.done $0x0  }
0xde: {  	s10 =	sor.u32 $0x9800, s31;
	s7 =	sor.u32 $0x80, s29;
	[sflag:s30] =	ssyncadd.s32 $0xFFFFFF80  }
0xdf: {  	s8 =	sor.u32 $0x100, s29;
	s22 =	sor.u32 $0x380, s29;
	_ =	swait.ge [sflag:s30], $0x80  }
0xe0: {  	s23 =	sor.u32 $0x300, s29;
	s25 =	sor.u32 $0x200, s29;
	[sflag:s30] =	ssyncset.done $0x0  }
0xe1: {  	s24 =	sor.u32 $0x280, s29;
	s26 =	sor.u32 $0x180, s29;
	[sflag:s30] =	ssyncadd.s32 $0xFFFFFF80  }
.LBB2_5:
0xe2: {  	v2 =	vld [tilespmem:s9+$0x0]  }
0xe3: {  	v3 =	vld [tilespmem:s17+$0x0];
	_ =	sdelay $0x4  }
0xe4: {  	v2 =	vsub.f32 v3, v2;
	_ =	sdelay $0x1  }
0xe5: {  	vm0 =	vlt.f32 v2, $0.0e+00  }
0xe6: {  	v3 =	vsel vm0, $0x40C90FDB, v0  }
0xe7: {  	v2 =	vadd.f32 v3, v2;
	_ =	sdelay $0x1  }
0xe8: {  	v2 =	vmul.f32 $5.215188960e+03, v2;
	_ =	sdelay $0x1  }
0xe9: {  	v3 =	vtrunc.f32 v2  }
0xea: {  	v3 =	vcvt.f32.s32 v3;
	_ =	sdelay $0x1  }
0xeb: {  	vm9 =	vgt.s32 v3, $0x0  }
0xec: {  	v3 =	vnsel vm9, $0x0, v3  }
0xed: {  	v3 =	vmin.u32 v3, $0x7FFF  }
0xee: {  	v4 =	vadd.s32 $0x1, v3;
	_ =	sdelay $0x3  }
0xef: {  	v5 =	vld.idx.msk [tilespmem:v3+s6+$0x0], $0xffff  }
0xf0: {  	v4 =	vld.idx.msk [tilespmem:v4+s6+$0x0], $0xffff;
	_ =	sdelay $0x2  }
0xf1: {  	v3 =	vcvt.s32.f32 v3;
	_ =	sdelay $0x1  }
0xf2: {  	v2 =	vsub.f32 v2, v3;
	v3 =	vsub.f32 v4, v5;
	_ =	sdelay $0x1  }
0xf3: {  	v2 =	vmul.f32 v2, v3  }
0xf4: {  	s12 =	sand.u32 $0x380, s0  }
0xf5: {  	s4 =	sand.u32 $0x40, s0;
	s11 =	sadd.s32 s12, s10;
	v2 =	vadd.f32 v2, v5  }
0xf6: {  	s31 =	sor.u32 $0x10, s4;
	s5 =	sadd.s32 s4, s11  }
0xf7: {  	[tilespmem:s5+$0x0] =	vst v2;
	s5 =	sor.u32 s12, s31  }
0xf8: {  	v2 =	vld [tilespmem:s5+$0xA000]  }
0xf9: {  	v3 =	vld [tilespmem:s5+$0xA400];
	_ =	sdelay $0x4  }
0xfa: {  	v2 =	vsub.f32 v3, v2;
	_ =	sdelay $0x1  }
0xfb: {  	vm10 =	vlt.f32 v2, $0.0e+00  }
0xfc: {  	v3 =	vsel vm10, $0x40C90FDB, v0  }
0xfd: {  	v2 =	vadd.f32 v3, v2;
	_ =	sdelay $0x1  }
0xfe: {  	v2 =	vmul.f32 $5.215188960e+03, v2;
	_ =	sdelay $0x1  }
0xff: {  	v3 =	vtrunc.f32 v2  }
0x100: {  	v3 =	vcvt.f32.s32 v3;
	_ =	sdelay $0x1  }
0x101: {  	vm11 =	vgt.s32 v3, $0x0  }
0x102: {  	v3 =	vnsel vm11, $0x0, v3  }
0x103: {  	v3 =	vmin.u32 v3, $0x7FFF  }
0x104: {  	v58 =	vadd.s32 $0x1, v3;
	_ =	sdelay $0x3  }
0x105: {  	v59 =	vld.idx.msk [tilespmem:v3+s6+$0x0], $0xffff  }
0x106: {  	v4 =	vld.idx.msk [tilespmem:v58+s6+$0x0], $0xffff;
	_ =	sdelay $0x2  }
0x107: {  	v3 =	vcvt.s32.f32 v3;
	_ =	sdelay $0x1  }
0x108: {  	v2 =	vsub.f32 v2, v3;
	v3 =	vsub.f32 v4, v59;
	_ =	sdelay $0x1  }
0x109: {  	v2 =	vmul.f32 v2, v3;
	_ =	sdelay $0x1  }
0x10a: {  	v2 =	vadd.f32 v2, v59  }
0x10b: {  	s5 =	sadd.s32 s31, s11;
	s31 =	sor.u32 $0x20, s4  }
0x10c: {  	[tilespmem:s5+$0x0] =	vst v2;
	s5 =	sor.u32 s12, s31  }
0x10d: {  	v2 =	vld [tilespmem:s5+$0xA000]  }
0x10e: {  	v3 =	vld [tilespmem:s5+$0xA400];
	_ =	sdelay $0x4  }
0x10f: {  	v2 =	vsub.f32 v3, v2;
	_ =	sdelay $0x1  }
0x110: {  	vm12 =	vlt.f32 v2, $0.0e+00  }
0x111: {  	v3 =	vsel vm12, $0x40C90FDB, v0  }
0x112: {  	v2 =	vadd.f32 v3, v2;
	_ =	sdelay $0x1  }
0x113: {  	v2 =	vmul.f32 $5.215188960e+03, v2;
	_ =	sdelay $0x1  }
0x114: {  	v3 =	vtrunc.f32 v2  }
0x115: {  	v3 =	vcvt.f32.s32 v3;
	_ =	sdelay $0x1  }
0x116: {  	vm13 =	vgt.s32 v3, $0x0  }
0x117: {  	v3 =	vnsel vm13, $0x0, v3  }
0x118: {  	v3 =	vmin.u32 v3, $0x7FFF  }
0x119: {  	v60 =	vadd.s32 $0x1, v3;
	_ =	sdelay $0x3  }
0x11a: {  	v61 =	vld.idx.msk [tilespmem:v3+s6+$0x0], $0xffff  }
0x11b: {  	v4 =	vld.idx.msk [tilespmem:v60+s6+$0x0], $0xffff;
	_ =	sdelay $0x2  }
0x11c: {  	v3 =	vcvt.s32.f32 v3;
	_ =	sdelay $0x1  }
0x11d: {  	v2 =	vsub.f32 v2, v3;
	v3 =	vsub.f32 v4, v61;
	_ =	sdelay $0x1  }
0x11e: {  	v2 =	vmul.f32 v2, v3;
	_ =	sdelay $0x1  }
0x11f: {  	v2 =	vadd.f32 v2, v61  }
0x120: {  	s4 =	sor.u32 $0x30, s4;
	s31 =	sadd.s32 s31, s11  }
0x121: {  	[tilespmem:s31+$0x0] =	vst v2;
	s31 =	sor.u32 s12, s4  }
0x122: {  	v2 =	vld [tilespmem:s31+$0xA000]  }
0x123: {  	v3 =	vld [tilespmem:s31+$0xA400];
	_ =	sdelay $0x4  }
0x124: {  	v2 =	vsub.f32 v3, v2;
	_ =	sdelay $0x1  }
0x125: {  	vm14 =	vlt.f32 v2, $0.0e+00  }
0x126: {  	v3 =	vsel vm14, $0x40C90FDB, v0  }
0x127: {  	v2 =	vadd.f32 v3, v2;
	_ =	sdelay $0x1  }
0x128: {  	v2 =	vmul.f32 $5.215188960e+03, v2;
	_ =	sdelay $0x1  }
0x129: {  	v3 =	vtrunc.f32 v2  }
0x12a: {  	v3 =	vcvt.f32.s32 v3;
	_ =	sdelay $0x1  }
0x12b: {  	vm15 =	vgt.s32 v3, $0x0  }
0x12c: {  	v3 =	vnsel vm15, $0x0, v3  }
0x12d: {  	v3 =	vmin.u32 v3, $0x7FFF  }
0x12e: {  	v62 =	vadd.s32 $0x1, v3;
	_ =	sdelay $0x3  }
0x12f: {  	v63 =	vld.idx.msk [tilespmem:v3+s6+$0x0], $0xffff  }
0x130: {  	v4 =	vld.idx.msk [tilespmem:v62+s6+$0x0], $0xffff;
	_ =	sdelay $0x2  }
0x131: {  	v3 =	vcvt.s32.f32 v3;
	_ =	sdelay $0x1  }
0x132: {  	v2 =	vsub.f32 v2, v3;
	v3 =	vsub.f32 v4, v63  }
0x133: {  	p0 =	seq.s32 s0, $0x3C0  }
.Ltmp1:
0x134: {  	v2 =	vmul.f32 v2, v3;
	(pc) =	sbr.rel @!p0 .LBB2_5-.Ltmp1, $4  }
0x135: {  	_ = 	snop  }
0x136: {  	v2 =	vadd.f32 v2, v63  }
0x137: {  	s4 =	sadd.s32 s4, s11  }
0x138: {  	s9 =	sadd.s32 $0x40, s9;
	s17 =	sadd.s32 $0x40, s17;
	s0 =	sadd.s32 $0x40, s0;
	[tilespmem:s4+$0x0] =	vst v2  }
0x139: {  	s0 =	sor.u32 $0x9800, s29;
	s4 =	rddreg [dreg:$0x4]  }
0x13a: {  	[spmem:s4] =	stream.indirect.scatter.add.f32 [tilespmem:s0], [sflag:$0x1], $0x1, s1, s13, $0xb8;
	[tilespmem:$0x10EF0] =	vst v63  }
0x13b: {  	s5 =	rddreg [dreg:$0x5];
	s9 =	simm.s32 $0xA800  }
0x13c: {  	[spmem:s5] =	stream.indirect.scatter.add.f32 [tilespmem:s9], [sflag:$0x1], $0x1, s1, s13, $0xb8;
	[tilespmem:$0x10EF0] =	vst v63  }
0x13d: {  	s12 =	sor.u32 $0x9800, s7  }
0x13e: {  	[spmem:s4] =	stream.indirect.scatter.add.f32 [tilespmem:s12], [sflag:$0x1], $0x1, s14, s13, $0xb8;
	[tilespmem:$0x10EF0] =	vst v63  }
0x13f: {  	_ = 	snop  }
0x140: {  	[spmem:s5] =	stream.indirect.scatter.add.f32 [tilespmem:s9], [sflag:$0x1], $0x1, s14, s13, $0xb8;
	[tilespmem:$0x10EF0] =	vst v63  }
0x141: {  	s14 =	sor.u32 $0x9800, s8  }
0x142: {  	[spmem:s4] =	stream.indirect.scatter.add.f32 [tilespmem:s14], [sflag:$0x1], $0x1, s15, s13, $0xb8;
	[tilespmem:$0x10EF0] =	vst v63  }
0x143: {  	_ = 	snop  }
0x144: {  	[spmem:s5] =	stream.indirect.scatter.add.f32 [tilespmem:s9], [sflag:$0x1], $0x1, s15, s13, $0xb8;
	[tilespmem:$0x10EF0] =	vst v63  }
0x145: {  	s17 =	sor.u32 $0x9800, s26  }
0x146: {  	[spmem:s4] =	stream.indirect.scatter.add.f32 [tilespmem:s17], [sflag:$0x1], $0x1, s16, s13, $0xb8;
	[tilespmem:$0x10EF0] =	vst v63  }
0x147: {  	_ = 	snop  }
0x148: {  	[spmem:s5] =	stream.indirect.scatter.add.f32 [tilespmem:s9], [sflag:$0x1], $0x1, s16, s13, $0xb8;
	[tilespmem:$0x10EF0] =	vst v63  }
0x149: {  	s25 =	sor.u32 $0x9800, s25  }
0x14a: {  	[spmem:s4] =	stream.indirect.scatter.add.f32 [tilespmem:s25], [sflag:$0x1], $0x1, s18, s13, $0xb8;
	[tilespmem:$0x10EF0] =	vst v63  }
0x14b: {  	_ = 	snop  }
0x14c: {  	[spmem:s5] =	stream.indirect.scatter.add.f32 [tilespmem:s9], [sflag:$0x1], $0x1, s18, s13, $0xb8;
	[tilespmem:$0x10EF0] =	vst v63  }
0x14d: {  	s26 =	sor.u32 $0x9800, s24  }
0x14e: {  	[spmem:s4] =	stream.indirect.scatter.add.f32 [tilespmem:s26], [sflag:$0x1], $0x1, s19, s13, $0xb8;
	[tilespmem:$0x10EF0] =	vst v63  }
0x14f: {  	_ = 	snop  }
0x150: {  	[spmem:s5] =	stream.indirect.scatter.add.f32 [tilespmem:s9], [sflag:$0x1], $0x1, s19, s13, $0xb8;
	[tilespmem:$0x10EF0] =	vst v63  }
0x151: {  	s29 =	sor.u32 $0x9800, s23  }
0x152: {  	[spmem:s4] =	stream.indirect.scatter.add.f32 [tilespmem:s29], [sflag:$0x1], $0x1, s20, s13, $0xb8;
	[tilespmem:$0x10EF0] =	vst v63  }
0x153: {  	_ = 	snop  }
0x154: {  	[spmem:s5] =	stream.indirect.scatter.add.f32 [tilespmem:s9], [sflag:$0x1], $0x1, s20, s13, $0xb8;
	[tilespmem:$0x10EF0] =	vst v63  }
0x155: {  	s31 =	sor.u32 $0x9800, s22  }
0x156: {  	[spmem:s4] =	stream.indirect.scatter.add.f32 [tilespmem:s31], [sflag:$0x1], $0x1, s21, s13, $0xb8;
	[tilespmem:$0x10EF0] =	vst v63  }
0x157: {  	_ = 	snop  }
0x158: {  	[spmem:s5] =	stream.indirect.scatter.add.f32 [tilespmem:s9], [sflag:$0x1], $0x1, s21, s13, $0xb8;
	[tilespmem:$0x10EF0] =	vst v63  }
0x159: {  	_ =	swait.ge [sflag:s3], $0x80  }
0x15a: {  	[sflag:s3] =	ssyncset.done $0x0  }
0x15b: {  	[sflag:s3] =	ssyncadd.s32 $0xFFFFFF80  }
0x15c: {  	_ =	swait.ge [sflag:s3], $0x80  }
0x15d: {  	[sflag:s3] =	ssyncset.done $0x0  }
0x15e: {  	[sflag:s3] =	ssyncadd.s32 $0xFFFFFF80  }
0x15f: {  	_ =	swait.ge [sflag:s3], $0x80  }
0x160: {  	[sflag:s3] =	ssyncset.done $0x0  }
0x161: {  	[sflag:s3] =	ssyncadd.s32 $0xFFFFFF80  }
0x162: {  	_ =	swait.ge [sflag:s3], $0x80  }
0x163: {  	[sflag:s3] =	ssyncset.done $0x0  }
0x164: {  	[sflag:s3] =	ssyncadd.s32 $0xFFFFFF80  }
0x165: {  	_ =	swait.ge [sflag:s3], $0x80  }
0x166: {  	[sflag:s3] =	ssyncset.done $0x0  }
0x167: {  	[sflag:s3] =	ssyncadd.s32 $0xFFFFFF80  }
0x168: {  	_ =	swait.ge [sflag:s3], $0x80  }
0x169: {  	[sflag:s3] =	ssyncset.done $0x0  }
0x16a: {  	[sflag:s3] =	ssyncadd.s32 $0xFFFFFF80  }
0x16b: {  	_ =	swait.ge [sflag:s3], $0x80  }
0x16c: {  	[sflag:s3] =	ssyncset.done $0x0  }
0x16d: {  	[sflag:s3] =	ssyncadd.s32 $0xFFFFFF80  }
0x16e: {  	_ =	swait.ge [sflag:s3], $0x80  }
0x16f: {  	[sflag:s3] =	ssyncset.done $0x0  }
0x170: {  	[sflag:s3] =	ssyncadd.s32 $0xFFFFFF80  }
0x171: {  	_ =	swait.ge [sflag:s3], $0x80  }
0x172: {  	[sflag:s3] =	ssyncset.done $0x0  }
0x173: {  	[sflag:s3] =	ssyncadd.s32 $0xFFFFFF80  }
0x174: {  	_ =	swait.ge [sflag:s3], $0x80  }
0x175: {  	[sflag:s3] =	ssyncset.done $0x0  }
0x176: {  	[sflag:s3] =	ssyncadd.s32 $0xFFFFFF80  }
0x177: {  	_ =	swait.ge [sflag:s3], $0x80  }
0x178: {  	[sflag:s3] =	ssyncset.done $0x0  }
0x179: {  	[sflag:s3] =	ssyncadd.s32 $0xFFFFFF80  }
0x17a: {  	_ =	swait.ge [sflag:s3], $0x80  }
0x17b: {  	[sflag:s3] =	ssyncset.done $0x0  }
0x17c: {  	[sflag:s3] =	ssyncadd.s32 $0xFFFFFF80  }
0x17d: {  	_ =	swait.ge [sflag:s3], $0x80  }
0x17e: {  	[sflag:s3] =	ssyncset.done $0x0  }
0x17f: {  	[sflag:s3] =	ssyncadd.s32 $0xFFFFFF80  }
0x180: {  	_ =	swait.ge [sflag:s3], $0x80  }
0x181: {  	[sflag:s3] =	ssyncset.done $0x0  }
0x182: {  	[sflag:s3] =	ssyncadd.s32 $0xFFFFFF80  }
0x183: {  	_ =	swait.ge [sflag:s3], $0x80  }
0x184: {  	[sflag:s3] =	ssyncset.done $0x0  }
0x185: {  	[sflag:s3] =	ssyncadd.s32 $0xFFFFFF80  }
0x186: {  	_ =	swait.ge [sflag:s3], $0x80  }
0x187: {  	s4 =	rddreg [dreg:$0xb]  }
0x188: {  	p0 =	seq.s32 s28, s4  }
.Ltmp2:
0x189: {  	_ = 	snop;
	(pc) =	sbr.rel @!p0 .LBB2_4-.Ltmp2, $3  }
0x18a: {  	_ =	sdelay $0x1  }
0x18b: {  	[sflag:s3] =	ssyncset.done $0x0  }
0x18c: {  	[sflag:s3] =	ssyncadd.s32 $0xFFFFFF80  }
0x18d: {  	s0 =	stileid.u32  }
0x18e: {  	[bflag:$0x0] =	sbarrier.arrive $0xFFFF;
	s10 =	simm.s32 $0x20;
	s11 =	simm.s32 $0x10  }
0x18f: {  	s9 =	simm.s32 $0x4;
	s0 =	sshll.u32 s0, $0x6;
	s7 =	rddreg [dreg:$0x1b]  }
0x190: {  	s5 =	rddreg [dreg:$0xe];
	s0 =	sor.u32 $0x1C04, s0;
	s1 =	sshrl.u32 s7, $0x3  }
0x191: {  	[hbm:s5@s10], [sflag:s0] =	dma.strided [spmem:s1@s11], $0x320, s3, $0x10   }
0x192: {  	_ =	swait.ge [sflag:s9], $0x320  }
0x193: {  	[sflag:s9] =	ssyncset.done $0x0;
	s8 =	rddreg [dreg:$0x1c]  }
0x194: {  	s28 =	rddreg [dreg:$0xf];
	[sflag:s9] =	ssyncadd.s32 $0xFFFFFCE0;
	s26 =	sshrl.u32 s8, $0x3  }
0x195: {  	[hbm:s28@s10], [sflag:s0] =	dma.strided [spmem:s26@s11], $0x320, s3, $0x10   }
0x196: {  	_ =	swait.ge [sflag:s9], $0x320  }
0x197: {  	s29 =	sld [smem:$0x7FC];
	_ =	sdelay $0x2  }
0x198: {  	s31 =	rddreg [dreg:$0x10];
	s1 =	sadd.s32 $0x1, s29  }
0x199: {  	p0 =	sne.s32 s1, s31  }
.Ltmp3:
0x19a: {  	_ = 	snop;
	(pc) =	sbr.rel @p0 .LBB2_1-.Ltmp3, $3  }
0x19b: {  	_ =	sdelay $0x1  }
0x19c: {  	[sflag:s9] =	ssyncset.done $0x0  }
0x19d: {  	[sflag:s9] =	ssyncadd.s32 $0xFFFFFCE0  }
0x19e: {  	_ =	sfence.sel $0x180000  }
0x19f: {  	[bflag:$0x0] =	sbarrier.arrive $0xFFFF  }
0x1a0: {  	_ =	strace $0x90000047  }
0x1a1: {  	s0 =	stileid.u32;
	[bflag:$0x2] =	sbarrier.arrive $0xFFFF  }
0x1a2: {  	p0 =	sne.s32 s0, $0x0;
	s0 =	rddreg [dreg:$0x6]  }
0x1a3: {  	s0 =	sadd.s32 @!p0 $0x100000, s0  }
0x1a4: {  	[sflag:s0] =	ssyncadd.tile.s32 @!p0 $0x1;
	_ =	shalt  }
.Lfunc_end2:
_tile_overlayer_lowered:
.L_overlay_start_2:
0x1a5: {  	(tag) =	ssettag $0x2  }
0x1a6: {  	s0 =	rddreg [dreg:$0x0];
	s2 =	stileid.u32  }
0x1a7: {  	s1 =	rddreg [dreg:$0x1];
	p0 =	sne.s32 s2, $0x0  }
0x1a8: {  	s3 =	rddreg [dreg:$0x2];
	[bflag:$0x3] =	sbarrier.arrive $0xFFFF;
	s2 =	simm.s32 @!p0 $0x1C04  }
0x1a9: {  	[timem:s3], [sflag:s2] =	dma.local @!p0 [hbm:s0], s1  }
0x1aa: {  	s0 =	simm.s32 @!p0 $0x4  }
0x1ab: {  	_ =	swait.ge @!p0 [sflag:s0], s1  }
0x1ac: {  	s1 =	ssub.s32 @!p0 $0x0, s1;
	[sflag:s0] =	ssyncset.done @!p0 $0x0  }
0x1ad: {  	[sflag:s0] =	ssyncadd.s32 @!p0 s1  }
0x1ae: {  	[bflag:$0x3] =	sbarrier.arrive $0xFFFF  }
0x1af: {  	_ =	shalt  }

</sc_bundles>
